<compile_context>
chip_gen: v7x
topology: tpu7x:2x2x1
jax: 0.10.2.dev20260603
libtpu: 0.0.44.dev20260713+nightly
codegen_flags: <defaults>
</compile_context>

<pallas_src>
import functools

import jax
import jax.numpy as jnp
from jax import lax
from jax.experimental import pallas as pl
from jax.experimental.pallas import tpu as pltpu
from jax.experimental.pallas import tpu_sc as plsc

VOCAB = 1000000
DIM = 64
BATCH = 16384
NNEG = 20

NC = 2
NS = 16
NW = NC * NS
BPW = BATCH // NW
CB = 16
NCHUNK = BPW // CB
ROWS_PER_CHUNK = CB * (NNEG + 2)
CXN = CB * (NNEG + 1)
GSEGS = (128, 128, 80)
IPW = NCHUNK * CXN
PDIM = 2 * DIM


def _sc_scores_body(cenp, ids_cat, cenc, ctxc, negc, cen_tab, ctx_tab, out,
                    idxc, idxa, ccolb, xcolb, ncolb, gbuf0, gbuf1, score,
                    sem0, sem1):
  wid = lax.axis_index("s") * NC + lax.axis_index("c")
  base = wid * BPW

  pltpu.sync_copy(cenp.at[pl.ds(base, BPW)], idxc)
  pltpu.sync_copy(ids_cat.at[pl.ds(wid * IPW, IPW)], idxa)
  pltpu.sync_copy(cenc.at[pl.ds(base, BPW)], ccolb)
  pltpu.sync_copy(ctxc.at[pl.ds(base, BPW)], xcolb)
  pltpu.sync_copy(negc.at[:, pl.ds(base, BPW)], ncolb)

  iota16 = lax.iota(jnp.int32, 16)
  lane15 = iota16 == 15
  nsplat = [jnp.full((16,), n, jnp.int32) for n in range(NNEG + 1)]
  bufs = ((gbuf0, sem0), (gbuf1, sem1))
  last = NCHUNK - 1

  def descs(i, buf):
    gbuf, sem = buf
    ds = [
        pltpu.make_async_copy(cen_tab.at[idxc.at[pl.ds(i * CB, CB)]],
                              gbuf.at[pl.ds(0, CB)], sem),
    ]
    off = 0
    for seg in GSEGS:
      ds.append(
          pltpu.make_async_copy(
              ctx_tab.at[idxa.at[pl.ds(i * CXN + off, seg)]],
              gbuf.at[pl.ds(CB + off, seg)], sem))
      off += seg
    return ds

  def fire(i, buf):
    for d in descs(i, buf):
      d.start()

  def drain(i, buf):
    for d in descs(i, buf):
      d.wait()

  def compute(i, buf):
    gbuf, _ = buf

    def body(b, _):
      brow = jnp.broadcast_to(b, (16,)).astype(jnp.int32)
      col = jnp.broadcast_to(i * CB + b, (16,))

      ccol = plsc.load_gather(ccolb, [col]) + iota16
      xcol = plsc.load_gather(xcolb, [col]) + iota16
      cs = [plsc.load_gather(gbuf, [brow, ccol + 16 * k]) for k in range(4)]
      xs = [plsc.load_gather(gbuf, [brow + CB, xcol + 16 * k])
            for k in range(4)]
      p = cs[0] * xs[0] + cs[1] * xs[1] + cs[2] * xs[2] + cs[3] * xs[3]
      plsc.store_scatter(score, [nsplat[NNEG], col], plsc.cumsum(p),
                         mask=lane15)
      for n in range(NNEG):
        nrow = jnp.broadcast_to(2 * CB + b * NNEG + n, (16,)).astype(jnp.int32)
        gcol = plsc.load_gather(ncolb, [nsplat[n], col]) + iota16
        gs = [plsc.load_gather(gbuf, [nrow, gcol + 16 * k]) for k in range(4)]
        q = cs[0] * gs[0] + cs[1] * gs[1] + cs[2] * gs[2] + cs[3] * gs[3]
        plsc.store_scatter(score, [nsplat[n], col], -plsc.cumsum(q),
                           mask=lane15)
      return 0

    lax.fori_loop(0, CB, body, 0)

  fire(0, bufs[0])

  def pair(ip, _):
    i0 = 2 * ip
    fire(jnp.minimum(i0 + 1, last), bufs[1])
    drain(i0, bufs[0])
    compute(i0, bufs[0])
    fire(jnp.minimum(i0 + 2, last), bufs[0])
    drain(jnp.minimum(i0 + 1, last), bufs[1])
    compute(i0 + 1, bufs[1])
    return 0

  lax.fori_loop(0, NCHUNK // 2, pair, 0)
  drain(last, bufs[0])

  pltpu.sync_copy(score, out.at[pl.ds(wid * (NNEG + 1), NNEG + 1)])


_sc_scores = functools.partial(
    pl.kernel,
    out_type=jax.ShapeDtypeStruct((NW * (NNEG + 1), BPW), jnp.float32),
    mesh=plsc.VectorSubcoreMesh(core_axis_name="c", subcore_axis_name="s"),
    compiler_params=pltpu.CompilerParams(
        needs_layout_passes=False, use_tc_tiling_on_sc=False),
    scratch_types=[
        pltpu.VMEM((BPW,), jnp.int32),
        pltpu.VMEM((IPW,), jnp.int32),
        pltpu.VMEM((BPW,), jnp.int32),
        pltpu.VMEM((BPW,), jnp.int32),
        pltpu.VMEM((NNEG, BPW), jnp.int32),
        pltpu.VMEM((ROWS_PER_CHUNK, PDIM), jnp.float32),
        pltpu.VMEM((ROWS_PER_CHUNK, PDIM), jnp.float32),
        pltpu.VMEM((NNEG + 1, BPW), jnp.float32),
        pltpu.SemaphoreType.DMA,
        pltpu.SemaphoreType.DMA,
    ],
)(_sc_scores_body)


TBK = 12800
NTBK = 40
PROWS = NTBK * TBK


def _transpose_body(a_ref, b_ref, o_ref):
  eye = (lax.broadcasted_iota(jnp.int32, (PDIM, PDIM), 0) ==
         lax.broadcasted_iota(jnp.int32, (PDIM, PDIM), 1)).astype(jnp.float32)
  ab = jnp.concatenate([a_ref[...], b_ref[...]], axis=0)
  o_ref[...] = lax.dot_general(ab, eye, (((0,), (0,)), ((), ())))


_repack = pl.pallas_call(
    _transpose_body,
    grid=(NTBK,),
    in_specs=[
        pl.BlockSpec((DIM, TBK), lambda g: (0, 2 * g)),
        pl.BlockSpec((DIM, TBK),
                     lambda g: (0, jnp.minimum(2 * g + 1, VOCAB // TBK))),
    ],
    out_specs=pl.BlockSpec((TBK, PDIM), lambda g: (g, 0)),
    out_shape=jax.ShapeDtypeStruct((PROWS, PDIM), jnp.float32),
)


def _repack_table(table):
  tt = table.T
  return _repack(tt, tt)


def _loss_body(s_ref, o_ref):
  x = s_ref[...]
  y = jnp.minimum(x, 0.0) - jnp.log1p(jnp.exp(-jnp.abs(x)))
  o_ref[0, 0] = -jnp.sum(y) * (1.0 / BATCH)


_loss = pl.pallas_call(
    _loss_body,
    out_shape=jax.ShapeDtypeStruct((1, 1), jnp.float32),
    out_specs=pl.BlockSpec(memory_space=pltpu.SMEM),
)


def kernel(center_ids, context_ids, negative_ids, center_table, context_table):
  cen_ids = center_ids.astype(jnp.int32)
  ctx_ids = context_ids.astype(jnp.int32)
  neg_ids = negative_ids.astype(jnp.int32)

  def row(ids):
    blk = ids // TBK
    return (blk >> 1) * TBK + ids % TBK

  def colb(ids):
    return ((ids // TBK) & 1) << 6

  ids_cat = jnp.concatenate(
      [row(ctx_ids).reshape(NW, NCHUNK, CB),
       row(neg_ids).reshape(NW, NCHUNK, CB * NNEG)],
      axis=2).reshape(NW * IPW)
  scores = _sc_scores(
      row(cen_ids), ids_cat,
      colb(cen_ids), colb(ctx_ids), colb(neg_ids).T,
      _repack_table(center_table), _repack_table(context_table))
  return _loss(scores)[0, 0]

# --- scband reference (transcript-rebuilt; emitter-appended) ---
"""Pipeline reference for scband-item2-vec-78357383348412 (READ-ONLY COPY).

The authoritative reference and input builder live on the scoring server;
editing this copy changes nothing except your own understanding.
"""

import jax, jax.numpy as jnp
import numpy as np

VOCAB = 1000000
DIM = 64
BATCH = 16384
NNEG = 20


def setup_inputs(seed: int = 0) -> dict:
    key = jax.random.key(seed)
    k1, k2, k3, k4, k5 = jax.random.split(key, 5)
    init_range = 0.5 / DIM
    center_table = jax.random.uniform(k1, (VOCAB, DIM), minval=-init_range, maxval=init_range, dtype=jnp.float32)
    context_table = jax.random.uniform(k2, (VOCAB, DIM), minval=-init_range, maxval=init_range, dtype=jnp.float32)
    # padding_idx=0 row zeroed, matching _init_weights
    center_table = center_table.at[0].set(0.0)
    context_table = context_table.at[0].set(0.0)
    center_ids = jax.random.randint(k3, (BATCH,), 0, VOCAB, dtype=jnp.int64 if jax.config.jax_enable_x64 else jnp.int32)
    context_ids = jax.random.randint(k4, (BATCH,), 0, VOCAB, dtype=jnp.int64 if jax.config.jax_enable_x64 else jnp.int32)
    negative_ids = jax.random.randint(k5, (BATCH, NNEG), 0, VOCAB, dtype=jnp.int64 if jax.config.jax_enable_x64 else jnp.int32)
    return {
        "center_ids": center_ids,
        "context_ids": context_ids,
        "negative_ids": negative_ids,
        "center_table": center_table,
        "context_table": context_table,
    }


def reference(center_ids, context_ids, negative_ids, center_table, context_table):
    # Embedding lookups (gather)
    center_embeds = jnp.take(center_table, center_ids, axis=0)      # [B, D]
    context_embeds = jnp.take(context_table, context_ids, axis=0)   # [B, D]
    neg_embeds = jnp.take(context_table, negative_ids, axis=0)      # [B, N, D]

    # Positive score: dot(center, context)
    pos_score = jnp.sum(center_embeds * context_embeds, axis=1)     # [B]
    pos_loss = jax.nn.log_sigmoid(pos_score)                        # [B]

    # Negative scores: bmm(center[B,1,D], neg[B,D,N]) -> [B,N]
    neg_score = jnp.einsum("bd,bnd->bn", center_embeds, neg_embeds)  # [B, N]
    neg_loss = jax.nn.log_sigmoid(-neg_score).sum(axis=1)            # [B]

    loss = -(pos_loss + neg_loss).mean()
    return loss

if __name__ == "__main__":
    import jax
    _d = setup_inputs()
    print(jax.jit(kernel)(*tuple(_d.values())))

</pallas_src>

<mosaic_0001>
#map = affine_map<(d0, d1) -> (0)>
#map1 = affine_map<(d0, d1) -> (0, 0)>
module attributes {stable_mosaic.version = 14 : i64} {
  func.func @_sc_scores_body(%arg0: i32, %arg1: i32, %arg2: memref<16384xi32, #tpu.memory_space<hbm>>, %arg3: memref<344064xi32, #tpu.memory_space<hbm>>, %arg4: memref<16384xi32, #tpu.memory_space<hbm>>, %arg5: memref<16384xi32, #tpu.memory_space<hbm>>, %arg6: memref<20x16384xi32, #tpu.memory_space<hbm>>, %arg7: memref<512000x128xf32, #tpu.memory_space<hbm>>, %arg8: memref<512000x128xf32, #tpu.memory_space<hbm>>, %arg9: memref<672x512xf32, #tpu.memory_space<hbm>>, %arg10: memref<512xi32, #tpu.memory_space<vmem>>, %arg11: memref<10752xi32, #tpu.memory_space<vmem>>, %arg12: memref<512xi32, #tpu.memory_space<vmem>>, %arg13: memref<512xi32, #tpu.memory_space<vmem>>, %arg14: memref<20x512xi32, #tpu.memory_space<vmem>>, %arg15: memref<352x128xf32, #tpu.memory_space<vmem>>, %arg16: memref<352x128xf32, #tpu.memory_space<vmem>>, %arg17: memref<21x512xf32, #tpu.memory_space<vmem>>, %arg18: memref<!tpu.dma_semaphore, #tpu.memory_space<semaphore_mem>>, %arg19: memref<!tpu.dma_semaphore, #tpu.memory_space<semaphore_mem>>) attributes {dimension_semantics = [#tpu.dimension_semantics<core_parallel>, #tpu.dimension_semantics<subcore_parallel>], iteration_bounds = array<i64: 2, 16>, scalar_prefetch = 0 : i64, scratch_operands = 10 : i64, tpu.core_type = #tpu.core_type<sc_vector_subcore>, window_params = [{transform_indices = #map}, {transform_indices = #map}, {transform_indices = #map}, {transform_indices = #map}, {transform_indices = #map1}, {transform_indices = #map1}, {transform_indices = #map1}, {transform_indices = #map1}]} {
    %mul3A = arith.constant 2 : i32
    %mul3A_0 = arith.muli %arg1, %mul3A : i32
    %add3A = arith.addi %mul3A_0, %arg0 : i32
    %mul3A_1 = arith.constant 512 : i32
    %mul3A_2 = arith.muli %add3A, %mul3A_1 : i32
    "tpu.region"() ({
      %run_scoped3A = tpu.sem_alloc : memref<!tpu.dma_semaphore, #tpu.memory_space<semaphore_mem>>
      %dma_start3A_118 = tpu.memref_slice %arg2[%mul3A_2] : memref<16384xi32, #tpu.memory_space<hbm>> -> memref<512xi32, #tpu.memory_space<hbm>>
      %dma_start3A_119 = tpu.memref_slice %arg2[%mul3A_2] : memref<16384xi32, #tpu.memory_space<hbm>> -> memref<512xi32, #tpu.memory_space<hbm>>
      tpu.enqueue_dma source(%dma_start3A_119 : memref<512xi32, #tpu.memory_space<hbm>>) target(%arg10 : memref<512xi32, #tpu.memory_space<vmem>>) target_semaphore(%run_scoped3A : memref<!tpu.dma_semaphore, #tpu.memory_space<semaphore_mem>>)
      %dma_wait3A_120 = tpu.memref_slice %arg2[%mul3A_2] : memref<16384xi32, #tpu.memory_space<hbm>> -> memref<512xi32, #tpu.memory_space<hbm>>
      %dma_wait3A_121 = tpu.memref_slice %arg2[%mul3A_2] : memref<16384xi32, #tpu.memory_space<hbm>> -> memref<512xi32, #tpu.memory_space<hbm>>
      tpu.wait_dma2 semaphore(%run_scoped3A : memref<!tpu.dma_semaphore, #tpu.memory_space<semaphore_mem>>) src(%dma_wait3A_121 : memref<512xi32, #tpu.memory_space<hbm>>) dst(%arg10 : memref<512xi32, #tpu.memory_space<vmem>>)
      tpu.yield
    }) : () -> ()
    %mul3A_3 = arith.constant 10752 : i32
    %mul3A_4 = arith.muli %add3A, %mul3A_3 : i32
    "tpu.region"() ({
      %run_scoped3A = tpu.sem_alloc : memref<!tpu.dma_semaphore, #tpu.memory_space<semaphore_mem>>
      %dma_start3A_118 = tpu.memref_slice %arg3[%mul3A_4] : memref<344064xi32, #tpu.memory_space<hbm>> -> memref<10752xi32, #tpu.memory_space<hbm>>
      %dma_start3A_119 = tpu.memref_slice %arg3[%mul3A_4] : memref<344064xi32, #tpu.memory_space<hbm>> -> memref<10752xi32, #tpu.memory_space<hbm>>
      tpu.enqueue_dma source(%dma_start3A_119 : memref<10752xi32, #tpu.memory_space<hbm>>) target(%arg11 : memref<10752xi32, #tpu.memory_space<vmem>>) target_semaphore(%run_scoped3A : memref<!tpu.dma_semaphore, #tpu.memory_space<semaphore_mem>>)
      %dma_wait3A_120 = tpu.memref_slice %arg3[%mul3A_4] : memref<344064xi32, #tpu.memory_space<hbm>> -> memref<10752xi32, #tpu.memory_space<hbm>>
      %dma_wait3A_121 = tpu.memref_slice %arg3[%mul3A_4] : memref<344064xi32, #tpu.memory_space<hbm>> -> memref<10752xi32, #tpu.memory_space<hbm>>
      tpu.wait_dma2 semaphore(%run_scoped3A : memref<!tpu.dma_semaphore, #tpu.memory_space<semaphore_mem>>) src(%dma_wait3A_121 : memref<10752xi32, #tpu.memory_space<hbm>>) dst(%arg11 : memref<10752xi32, #tpu.memory_space<vmem>>)
      tpu.yield
    }) : () -> ()
    "tpu.region"() ({
      %run_scoped3A = tpu.sem_alloc : memref<!tpu.dma_semaphore, #tpu.memory_space<semaphore_mem>>
      %dma_start3A_118 = tpu.memref_slice %arg4[%mul3A_2] : memref<16384xi32, #tpu.memory_space<hbm>> -> memref<512xi32, #tpu.memory_space<hbm>>
      %dma_start3A_119 = tpu.memref_slice %arg4[%mul3A_2] : memref<16384xi32, #tpu.memory_space<hbm>> -> memref<512xi32, #tpu.memory_space<hbm>>
      tpu.enqueue_dma source(%dma_start3A_119 : memref<512xi32, #tpu.memory_space<hbm>>) target(%arg12 : memref<512xi32, #tpu.memory_space<vmem>>) target_semaphore(%run_scoped3A : memref<!tpu.dma_semaphore, #tpu.memory_space<semaphore_mem>>)
      %dma_wait3A_120 = tpu.memref_slice %arg4[%mul3A_2] : memref<16384xi32, #tpu.memory_space<hbm>> -> memref<512xi32, #tpu.memory_space<hbm>>
      %dma_wait3A_121 = tpu.memref_slice %arg4[%mul3A_2] : memref<16384xi32, #tpu.memory_space<hbm>> -> memref<512xi32, #tpu.memory_space<hbm>>
      tpu.wait_dma2 semaphore(%run_scoped3A : memref<!tpu.dma_semaphore, #tpu.memory_space<semaphore_mem>>) src(%dma_wait3A_121 : memref<512xi32, #tpu.memory_space<hbm>>) dst(%arg12 : memref<512xi32, #tpu.memory_space<vmem>>)
      tpu.yield
    }) : () -> ()
    "tpu.region"() ({
      %run_scoped3A = tpu.sem_alloc : memref<!tpu.dma_semaphore, #tpu.memory_space<semaphore_mem>>
      %dma_start3A_118 = tpu.memref_slice %arg5[%mul3A_2] : memref<16384xi32, #tpu.memory_space<hbm>> -> memref<512xi32, #tpu.memory_space<hbm>>
      %dma_start3A_119 = tpu.memref_slice %arg5[%mul3A_2] : memref<16384xi32, #tpu.memory_space<hbm>> -> memref<512xi32, #tpu.memory_space<hbm>>
      tpu.enqueue_dma source(%dma_start3A_119 : memref<512xi32, #tpu.memory_space<hbm>>) target(%arg13 : memref<512xi32, #tpu.memory_space<vmem>>) target_semaphore(%run_scoped3A : memref<!tpu.dma_semaphore, #tpu.memory_space<semaphore_mem>>)
      %dma_wait3A_120 = tpu.memref_slice %arg5[%mul3A_2] : memref<16384xi32, #tpu.memory_space<hbm>> -> memref<512xi32, #tpu.memory_space<hbm>>
      %dma_wait3A_121 = tpu.memref_slice %arg5[%mul3A_2] : memref<16384xi32, #tpu.memory_space<hbm>> -> memref<512xi32, #tpu.memory_space<hbm>>
      tpu.wait_dma2 semaphore(%run_scoped3A : memref<!tpu.dma_semaphore, #tpu.memory_space<semaphore_mem>>) src(%dma_wait3A_121 : memref<512xi32, #tpu.memory_space<hbm>>) dst(%arg13 : memref<512xi32, #tpu.memory_space<vmem>>)
      tpu.yield
    }) : () -> ()
    "tpu.region"() ({
      %run_scoped3A = tpu.sem_alloc : memref<!tpu.dma_semaphore, #tpu.memory_space<semaphore_mem>>
      %dma_start3A_118 = arith.constant 0 : i32
      %dma_start3A_119 = tpu.memref_slice %arg6[%dma_start3A_118, %mul3A_2] : memref<20x16384xi32, #tpu.memory_space<hbm>> -> memref<20x512xi32, #tpu.memory_space<hbm>>
      %dma_start3A_120 = arith.constant 0 : i32
      %dma_start3A_121 = tpu.memref_slice %arg6[%dma_start3A_120, %mul3A_2] : memref<20x16384xi32, #tpu.memory_space<hbm>> -> memref<20x512xi32, #tpu.memory_space<hbm>>
      tpu.enqueue_dma source(%dma_start3A_121 : memref<20x512xi32, #tpu.memory_space<hbm>>) target(%arg14 : memref<20x512xi32, #tpu.memory_space<vmem>>) target_semaphore(%run_scoped3A : memref<!tpu.dma_semaphore, #tpu.memory_space<semaphore_mem>>)
      %dma_wait3A_122 = arith.constant 0 : i32
      %dma_wait3A_123 = tpu.memref_slice %arg6[%dma_wait3A_122, %mul3A_2] : memref<20x16384xi32, #tpu.memory_space<hbm>> -> memref<20x512xi32, #tpu.memory_space<hbm>>
      %dma_wait3A_124 = arith.constant 0 : i32
      %dma_wait3A_125 = tpu.memref_slice %arg6[%dma_wait3A_124, %mul3A_2] : memref<20x16384xi32, #tpu.memory_space<hbm>> -> memref<20x512xi32, #tpu.memory_space<hbm>>
      tpu.wait_dma2 semaphore(%run_scoped3A : memref<!tpu.dma_semaphore, #tpu.memory_space<semaphore_mem>>) src(%dma_wait3A_125 : memref<20x512xi32, #tpu.memory_space<hbm>>) dst(%arg14 : memref<20x512xi32, #tpu.memory_space<vmem>>)
      tpu.yield
    }) : () -> ()
    %iota3A = tpu.iota {dimensions = array<i32: 0>} : vector<16xi32>
    %eq3A = arith.constant 15 : i32
    %eq3A_5 = vector.broadcast %eq3A : i32 to vector<16xi32>
    %eq3A_6 = arith.cmpi eq, %iota3A, %eq3A_5 : vector<16xi32>
    %broadcast_in_dim3A = arith.constant 0 : i32
    %broadcast_in_dim3A_7 = vector.broadcast %broadcast_in_dim3A : i32 to vector<16xi32>
    %broadcast_in_dim3A_8 = arith.constant 1 : i32
    %broadcast_in_dim3A_9 = vector.broadcast %broadcast_in_dim3A_8 : i32 to vector<16xi32>
    %broadcast_in_dim3A_10 = arith.constant 2 : i32
    %broadcast_in_dim3A_11 = vector.broadcast %broadcast_in_dim3A_10 : i32 to vector<16xi32>
    %broadcast_in_dim3A_12 = arith.constant 3 : i32
    %broadcast_in_dim3A_13 = vector.broadcast %broadcast_in_dim3A_12 : i32 to vector<16xi32>
    %broadcast_in_dim3A_14 = arith.constant 4 : i32
    %broadcast_in_dim3A_15 = vector.broadcast %broadcast_in_dim3A_14 : i32 to vector<16xi32>
    %broadcast_in_dim3A_16 = arith.constant 5 : i32
    %broadcast_in_dim3A_17 = vector.broadcast %broadcast_in_dim3A_16 : i32 to vector<16xi32>
    %broadcast_in_dim3A_18 = arith.constant 6 : i32
    %broadcast_in_dim3A_19 = vector.broadcast %broadcast_in_dim3A_18 : i32 to vector<16xi32>
    %broadcast_in_dim3A_20 = arith.constant 7 : i32
    %broadcast_in_dim3A_21 = vector.broadcast %broadcast_in_dim3A_20 : i32 to vector<16xi32>
    %broadcast_in_dim3A_22 = arith.constant 8 : i32
    %broadcast_in_dim3A_23 = vector.broadcast %broadcast_in_dim3A_22 : i32 to vector<16xi32>
    %broadcast_in_dim3A_24 = arith.constant 9 : i32
    %broadcast_in_dim3A_25 = vector.broadcast %broadcast_in_dim3A_24 : i32 to vector<16xi32>
    %broadcast_in_dim3A_26 = arith.constant 10 : i32
    %broadcast_in_dim3A_27 = vector.broadcast %broadcast_in_dim3A_26 : i32 to vector<16xi32>
    %broadcast_in_dim3A_28 = arith.constant 11 : i32
    %broadcast_in_dim3A_29 = vector.broadcast %broadcast_in_dim3A_28 : i32 to vector<16xi32>
    %broadcast_in_dim3A_30 = arith.constant 12 : i32
    %broadcast_in_dim3A_31 = vector.broadcast %broadcast_in_dim3A_30 : i32 to vector<16xi32>
    %broadcast_in_dim3A_32 = arith.constant 13 : i32
    %broadcast_in_dim3A_33 = vector.broadcast %broadcast_in_dim3A_32 : i32 to vector<16xi32>
    %broadcast_in_dim3A_34 = arith.constant 14 : i32
    %broadcast_in_dim3A_35 = vector.broadcast %broadcast_in_dim3A_34 : i32 to vector<16xi32>
    %broadcast_in_dim3A_36 = arith.constant 15 : i32
    %broadcast_in_dim3A_37 = vector.broadcast %broadcast_in_dim3A_36 : i32 to vector<16xi32>
    %broadcast_in_dim3A_38 = arith.constant 16 : i32
    %broadcast_in_dim3A_39 = vector.broadcast %broadcast_in_dim3A_38 : i32 to vector<16xi32>
    %broadcast_in_dim3A_40 = arith.constant 17 : i32
    %broadcast_in_dim3A_41 = vector.broadcast %broadcast_in_dim3A_40 : i32 to vector<16xi32>
    %broadcast_in_dim3A_42 = arith.constant 18 : i32
    %broadcast_in_dim3A_43 = vector.broadcast %broadcast_in_dim3A_42 : i32 to vector<16xi32>
    %broadcast_in_dim3A_44 = arith.constant 19 : i32
    %broadcast_in_dim3A_45 = vector.broadcast %broadcast_in_dim3A_44 : i32 to vector<16xi32>
    %broadcast_in_dim3A_46 = arith.constant 20 : i32
    %broadcast_in_dim3A_47 = vector.broadcast %broadcast_in_dim3A_46 : i32 to vector<16xi32>
    %dma_start3A = arith.constant 0 : i32
    %dma_start3A_48 = arith.constant 0 : i32
    %dma_start3A_49 = tpu.memref_slice %arg15[%dma_start3A, %dma_start3A_48] : memref<352x128xf32, #tpu.memory_space<vmem>> -> memref<16x128xf32, #tpu.memory_space<vmem>>
    %dma_start3A_50 = arith.constant 0 : i32
    %dma_start3A_51 = tpu.memref_slice %arg10[%dma_start3A_50] : memref<512xi32, #tpu.memory_space<vmem>> -> memref<16xi32, #tpu.memory_space<vmem>>
    %dma_start3A_52 = arith.constant 0 : i32
    %dma_start3A_53 = arith.constant 0 : i32
    %dma_start3A_54 = tpu.memref_slice %arg7[%dma_start3A_52, %dma_start3A_53] : memref<512000x128xf32, #tpu.memory_space<hbm>> -> memref<512000x128xf32, #tpu.memory_space<hbm>>
    tpu.enqueue_indirect_dma source(%dma_start3A_54 : memref<512000x128xf32, #tpu.memory_space<hbm>>) target(%dma_start3A_49 : memref<16x128xf32, #tpu.memory_space<vmem>>) offsets(%dma_start3A_51 : memref<16xi32, #tpu.memory_space<vmem>>) semaphore(%arg18 : memref<!tpu.dma_semaphore, #tpu.memory_space<semaphore_mem>>)
    %dma_start3A_55 = arith.constant 16 : i32
    %dma_start3A_56 = arith.constant 0 : i32
    %dma_start3A_57 = tpu.memref_slice %arg15[%dma_start3A_55, %dma_start3A_56] : memref<352x128xf32, #tpu.memory_space<vmem>> -> memref<128x128xf32, #tpu.memory_space<vmem>>
    %dma_start3A_58 = arith.constant 0 : i32
    %dma_start3A_59 = tpu.memref_slice %arg11[%dma_start3A_58] : memref<10752xi32, #tpu.memory_space<vmem>> -> memref<128xi32, #tpu.memory_space<vmem>>
    %dma_start3A_60 = arith.constant 0 : i32
    %dma_start3A_61 = arith.constant 0 : i32
    %dma_start3A_62 = tpu.memref_slice %arg8[%dma_start3A_60, %dma_start3A_61] : memref<512000x128xf32, #tpu.memory_space<hbm>> -> memref<512000x128xf32, #tpu.memory_space<hbm>>
    tpu.enqueue_indirect_dma source(%dma_start3A_62 : memref<512000x128xf32, #tpu.memory_space<hbm>>) target(%dma_start3A_57 : memref<128x128xf32, #tpu.memory_space<vmem>>) offsets(%dma_start3A_59 : memref<128xi32, #tpu.memory_space<vmem>>) semaphore(%arg18 : memref<!tpu.dma_semaphore, #tpu.memory_space<semaphore_mem>>)
    %dma_start3A_63 = arith.constant 144 : i32
    %dma_start3A_64 = arith.constant 0 : i32
    %dma_start3A_65 = tpu.memref_slice %arg15[%dma_start3A_63, %dma_start3A_64] : memref<352x128xf32, #tpu.memory_space<vmem>> -> memref<128x128xf32, #tpu.memory_space<vmem>>
    %dma_start3A_66 = arith.constant 128 : i32
    %dma_start3A_67 = tpu.memref_slice %arg11[%dma_start3A_66] : memref<10752xi32, #tpu.memory_space<vmem>> -> memref<128xi32, #tpu.memory_space<vmem>>
    %dma_start3A_68 = arith.constant 0 : i32
    %dma_start3A_69 = arith.constant 0 : i32
    %dma_start3A_70 = tpu.memref_slice %arg8[%dma_start3A_68, %dma_start3A_69] : memref<512000x128xf32, #tpu.memory_space<hbm>> -> memref<512000x128xf32, #tpu.memory_space<hbm>>
    tpu.enqueue_indirect_dma source(%dma_start3A_70 : memref<512000x128xf32, #tpu.memory_space<hbm>>) target(%dma_start3A_65 : memref<128x128xf32, #tpu.memory_space<vmem>>) offsets(%dma_start3A_67 : memref<128xi32, #tpu.memory_space<vmem>>) semaphore(%arg18 : memref<!tpu.dma_semaphore, #tpu.memory_space<semaphore_mem>>)
    %dma_start3A_71 = arith.constant 272 : i32
    %dma_start3A_72 = arith.constant 0 : i32
    %dma_start3A_73 = tpu.memref_slice %arg15[%dma_start3A_71, %dma_start3A_72] : memref<352x128xf32, #tpu.memory_space<vmem>> -> memref<80x128xf32, #tpu.memory_space<vmem>>
    %dma_start3A_74 = arith.constant 256 : i32
    %dma_start3A_75 = tpu.memref_slice %arg11[%dma_start3A_74] : memref<10752xi32, #tpu.memory_space<vmem>> -> memref<80xi32, #tpu.memory_space<vmem>>
    %dma_start3A_76 = arith.constant 0 : i32
    %dma_start3A_77 = arith.constant 0 : i32
    %dma_start3A_78 = tpu.memref_slice %arg8[%dma_start3A_76, %dma_start3A_77] : memref<512000x128xf32, #tpu.memory_space<hbm>> -> memref<512000x128xf32, #tpu.memory_space<hbm>>
    tpu.enqueue_indirect_dma source(%dma_start3A_78 : memref<512000x128xf32, #tpu.memory_space<hbm>>) target(%dma_start3A_73 : memref<80x128xf32, #tpu.memory_space<vmem>>) offsets(%dma_start3A_75 : memref<80xi32, #tpu.memory_space<vmem>>) semaphore(%arg18 : memref<!tpu.dma_semaphore, #tpu.memory_space<semaphore_mem>>)
    %scan3A = arith.constant 0 : i32
    %scan3A_79 = arith.constant 0 : i32
    %scan3A_80 = arith.constant 16 : i32
    %scan3A_81 = arith.addi %scan3A_79, %scan3A_80 : i32
    %scan3A_82 = arith.constant 1 : i32
    %scan3A_83 = scf.for %scan3A_118 = %scan3A_79 to %scan3A_81 step %scan3A_82 iter_args(%scan3A_119 = %scan3A) -> (i32)  : i32 {
      %mul3A_120 = arith.constant 2 : i32
      %mul3A_121 = arith.muli %mul3A_120, %scan3A_118 : i32
      %add3A_122 = arith.constant 1 : i32
      %add3A_123 = arith.addi %mul3A_121, %add3A_122 : i32
      %min3A = arith.constant 31 : i32
      %min3A_124 = arith.minsi %add3A_123, %min3A : i32
      %mul3A_125 = arith.constant 16 : i32
      %mul3A_126 = arith.muli %min3A_124, %mul3A_125 : i32
      %mul3A_127 = arith.constant 336 : i32
      %mul3A_128 = arith.muli %min3A_124, %mul3A_127 : i32
      %add3A_129 = arith.constant 0 : i32
      %add3A_130 = arith.addi %mul3A_128, %add3A_129 : i32
      %mul3A_131 = arith.constant 336 : i32
      %mul3A_132 = arith.muli %min3A_124, %mul3A_131 : i32
      %add3A_133 = arith.constant 128 : i32
      %add3A_134 = arith.addi %mul3A_132, %add3A_133 : i32
      %mul3A_135 = arith.constant 336 : i32
      %mul3A_136 = arith.muli %min3A_124, %mul3A_135 : i32
      %add3A_137 = arith.constant 256 : i32
      %add3A_138 = arith.addi %mul3A_136, %add3A_137 : i32
      %dma_start3A_139 = arith.constant 0 : i32
      %dma_start3A_140 = arith.constant 0 : i32
      %dma_start3A_141 = tpu.memref_slice %arg16[%dma_start3A_139, %dma_start3A_140] : memref<352x128xf32, #tpu.memory_space<vmem>> -> memref<16x128xf32, #tpu.memory_space<vmem>>
      %dma_start3A_142 = tpu.memref_slice %arg10[%mul3A_126] : memref<512xi32, #tpu.memory_space<vmem>> -> memref<16xi32, #tpu.memory_space<vmem>>
      %dma_start3A_143 = arith.constant 0 : i32
      %dma_start3A_144 = arith.constant 0 : i32
      %dma_start3A_145 = tpu.memref_slice %arg7[%dma_start3A_143, %dma_start3A_144] : memref<512000x128xf32, #tpu.memory_space<hbm>> -> memref<512000x128xf32, #tpu.memory_space<hbm>>
      tpu.enqueue_indirect_dma source(%dma_start3A_145 : memref<512000x128xf32, #tpu.memory_space<hbm>>) target(%dma_start3A_141 : memref<16x128xf32, #tpu.memory_space<vmem>>) offsets(%dma_start3A_142 : memref<16xi32, #tpu.memory_space<vmem>>) semaphore(%arg19 : memref<!tpu.dma_semaphore, #tpu.memory_space<semaphore_mem>>)
      %dma_start3A_146 = arith.constant 16 : i32
      %dma_start3A_147 = arith.constant 0 : i32
      %dma_start3A_148 = tpu.memref_slice %arg16[%dma_start3A_146, %dma_start3A_147] : memref<352x128xf32, #tpu.memory_space<vmem>> -> memref<128x128xf32, #tpu.memory_space<vmem>>
      %dma_start3A_149 = tpu.memref_slice %arg11[%add3A_130] : memref<10752xi32, #tpu.memory_space<vmem>> -> memref<128xi32, #tpu.memory_space<vmem>>
      %dma_start3A_150 = arith.constant 0 : i32
      %dma_start3A_151 = arith.constant 0 : i32
      %dma_start3A_152 = tpu.memref_slice %arg8[%dma_start3A_150, %dma_start3A_151] : memref<512000x128xf32, #tpu.memory_space<hbm>> -> memref<512000x128xf32, #tpu.memory_space<hbm>>
      tpu.enqueue_indirect_dma source(%dma_start3A_152 : memref<512000x128xf32, #tpu.memory_space<hbm>>) target(%dma_start3A_148 : memref<128x128xf32, #tpu.memory_space<vmem>>) offsets(%dma_start3A_149 : memref<128xi32, #tpu.memory_space<vmem>>) semaphore(%arg19 : memref<!tpu.dma_semaphore, #tpu.memory_space<semaphore_mem>>)
      %dma_start3A_153 = arith.constant 144 : i32
      %dma_start3A_154 = arith.constant 0 : i32
      %dma_start3A_155 = tpu.memref_slice %arg16[%dma_start3A_153, %dma_start3A_154] : memref<352x128xf32, #tpu.memory_space<vmem>> -> memref<128x128xf32, #tpu.memory_space<vmem>>
      %dma_start3A_156 = tpu.memref_slice %arg11[%add3A_134] : memref<10752xi32, #tpu.memory_space<vmem>> -> memref<128xi32, #tpu.memory_space<vmem>>
      %dma_start3A_157 = arith.constant 0 : i32
      %dma_start3A_158 = arith.constant 0 : i32
      %dma_start3A_159 = tpu.memref_slice %arg8[%dma_start3A_157, %dma_start3A_158] : memref<512000x128xf32, #tpu.memory_space<hbm>> -> memref<512000x128xf32, #tpu.memory_space<hbm>>
      tpu.enqueue_indirect_dma source(%dma_start3A_159 : memref<512000x128xf32, #tpu.memory_space<hbm>>) target(%dma_start3A_155 : memref<128x128xf32, #tpu.memory_space<vmem>>) offsets(%dma_start3A_156 : memref<128xi32, #tpu.memory_space<vmem>>) semaphore(%arg19 : memref<!tpu.dma_semaphore, #tpu.memory_space<semaphore_mem>>)
      %dma_start3A_160 = arith.constant 272 : i32
      %dma_start3A_161 = arith.constant 0 : i32
      %dma_start3A_162 = tpu.memref_slice %arg16[%dma_start3A_160, %dma_start3A_161] : memref<352x128xf32, #tpu.memory_space<vmem>> -> memref<80x128xf32, #tpu.memory_space<vmem>>
      %dma_start3A_163 = tpu.memref_slice %arg11[%add3A_138] : memref<10752xi32, #tpu.memory_space<vmem>> -> memref<80xi32, #tpu.memory_space<vmem>>
      %dma_start3A_164 = arith.constant 0 : i32
      %dma_start3A_165 = arith.constant 0 : i32
      %dma_start3A_166 = tpu.memref_slice %arg8[%dma_start3A_164, %dma_start3A_165] : memref<512000x128xf32, #tpu.memory_space<hbm>> -> memref<512000x128xf32, #tpu.memory_space<hbm>>
      tpu.enqueue_indirect_dma source(%dma_start3A_166 : memref<512000x128xf32, #tpu.memory_space<hbm>>) target(%dma_start3A_162 : memref<80x128xf32, #tpu.memory_space<vmem>>) offsets(%dma_start3A_163 : memref<80xi32, #tpu.memory_space<vmem>>) semaphore(%arg19 : memref<!tpu.dma_semaphore, #tpu.memory_space<semaphore_mem>>)
      %mul3A_167 = arith.constant 16 : i32
      %mul3A_168 = arith.muli %mul3A_121, %mul3A_167 : i32
      %mul3A_169 = arith.constant 336 : i32
      %mul3A_170 = arith.muli %mul3A_121, %mul3A_169 : i32
      %add3A_171 = arith.constant 0 : i32
      %add3A_172 = arith.addi %mul3A_170, %add3A_171 : i32
      %mul3A_173 = arith.constant 336 : i32
      %mul3A_174 = arith.muli %mul3A_121, %mul3A_173 : i32
      %add3A_175 = arith.constant 128 : i32
      %add3A_176 = arith.addi %mul3A_174, %add3A_175 : i32
      %mul3A_177 = arith.constant 336 : i32
      %mul3A_178 = arith.muli %mul3A_121, %mul3A_177 : i32
      %add3A_179 = arith.constant 256 : i32
      %add3A_180 = arith.addi %mul3A_178, %add3A_179 : i32
      %dma_wait3A_181 = arith.constant 0 : i32
      %dma_wait3A_182 = arith.constant 0 : i32
      %dma_wait3A_183 = tpu.memref_slice %arg15[%dma_wait3A_181, %dma_wait3A_182] : memref<352x128xf32, #tpu.memory_space<vmem>> -> memref<16x128xf32, #tpu.memory_space<vmem>>
      %dma_wait3A_184 = tpu.memref_slice %arg10[%mul3A_168] : memref<512xi32, #tpu.memory_space<vmem>> -> memref<16xi32, #tpu.memory_space<vmem>>
      %dma_wait3A_185 = arith.constant 0 : i32
      %dma_wait3A_186 = arith.constant 0 : i32
      %dma_wait3A_187 = tpu.memref_slice %arg7[%dma_wait3A_185, %dma_wait3A_186] : memref<512000x128xf32, #tpu.memory_space<hbm>> -> memref<512000x128xf32, #tpu.memory_space<hbm>>
      tpu.wait_indirect_dma semaphore(%arg18 : memref<!tpu.dma_semaphore, #tpu.memory_space<semaphore_mem>>) src(%dma_wait3A_187 : memref<512000x128xf32, #tpu.memory_space<hbm>>) dst(%dma_wait3A_183 : memref<16x128xf32, #tpu.memory_space<vmem>>)
      %dma_wait3A_188 = arith.constant 16 : i32
      %dma_wait3A_189 = arith.constant 0 : i32
      %dma_wait3A_190 = tpu.memref_slice %arg15[%dma_wait3A_188, %dma_wait3A_189] : memref<352x128xf32, #tpu.memory_space<vmem>> -> memref<128x128xf32, #tpu.memory_space<vmem>>
      %dma_wait3A_191 = tpu.memref_slice %arg11[%add3A_172] : memref<10752xi32, #tpu.memory_space<vmem>> -> memref<128xi32, #tpu.memory_space<vmem>>
      %dma_wait3A_192 = arith.constant 0 : i32
      %dma_wait3A_193 = arith.constant 0 : i32
      %dma_wait3A_194 = tpu.memref_slice %arg8[%dma_wait3A_192, %dma_wait3A_193] : memref<512000x128xf32, #tpu.memory_space<hbm>> -> memref<512000x128xf32, #tpu.memory_space<hbm>>
      tpu.wait_indirect_dma semaphore(%arg18 : memref<!tpu.dma_semaphore, #tpu.memory_space<semaphore_mem>>) src(%dma_wait3A_194 : memref<512000x128xf32, #tpu.memory_space<hbm>>) dst(%dma_wait3A_190 : memref<128x128xf32, #tpu.memory_space<vmem>>)
      %dma_wait3A_195 = arith.constant 144 : i32
      %dma_wait3A_196 = arith.constant 0 : i32
      %dma_wait3A_197 = tpu.memref_slice %arg15[%dma_wait3A_195, %dma_wait3A_196] : memref<352x128xf32, #tpu.memory_space<vmem>> -> memref<128x128xf32, #tpu.memory_space<vmem>>
      %dma_wait3A_198 = tpu.memref_slice %arg11[%add3A_176] : memref<10752xi32, #tpu.memory_space<vmem>> -> memref<128xi32, #tpu.memory_space<vmem>>
      %dma_wait3A_199 = arith.constant 0 : i32
      %dma_wait3A_200 = arith.constant 0 : i32
      %dma_wait3A_201 = tpu.memref_slice %arg8[%dma_wait3A_199, %dma_wait3A_200] : memref<512000x128xf32, #tpu.memory_space<hbm>> -> memref<512000x128xf32, #tpu.memory_space<hbm>>
      tpu.wait_indirect_dma semaphore(%arg18 : memref<!tpu.dma_semaphore, #tpu.memory_space<semaphore_mem>>) src(%dma_wait3A_201 : memref<512000x128xf32, #tpu.memory_space<hbm>>) dst(%dma_wait3A_197 : memref<128x128xf32, #tpu.memory_space<vmem>>)
      %dma_wait3A_202 = arith.constant 272 : i32
      %dma_wait3A_203 = arith.constant 0 : i32
      %dma_wait3A_204 = tpu.memref_slice %arg15[%dma_wait3A_202, %dma_wait3A_203] : memref<352x128xf32, #tpu.memory_space<vmem>> -> memref<80x128xf32, #tpu.memory_space<vmem>>
      %dma_wait3A_205 = tpu.memref_slice %arg11[%add3A_180] : memref<10752xi32, #tpu.memory_space<vmem>> -> memref<80xi32, #tpu.memory_space<vmem>>
      %dma_wait3A_206 = arith.constant 0 : i32
      %dma_wait3A_207 = arith.constant 0 : i32
      %dma_wait3A_208 = tpu.memref_slice %arg8[%dma_wait3A_206, %dma_wait3A_207] : memref<512000x128xf32, #tpu.memory_space<hbm>> -> memref<512000x128xf32, #tpu.memory_space<hbm>>
      tpu.wait_indirect_dma semaphore(%arg18 : memref<!tpu.dma_semaphore, #tpu.memory_space<semaphore_mem>>) src(%dma_wait3A_208 : memref<512000x128xf32, #tpu.memory_space<hbm>>) dst(%dma_wait3A_204 : memref<80x128xf32, #tpu.memory_space<vmem>>)
      %scan3A_209 = arith.constant 0 : i32
      %scan3A_210 = arith.constant 0 : i32
      %scan3A_211 = arith.constant 16 : i32
      %scan3A_212 = arith.addi %scan3A_210, %scan3A_211 : i32
      %scan3A_213 = arith.constant 1 : i32
      %scan3A_214 = scf.for %scan3A_318 = %scan3A_210 to %scan3A_212 step %scan3A_213 iter_args(%scan3A_319 = %scan3A_209) -> (i32)  : i32 {
        %broadcast_in_dim3A_320 = vector.broadcast %scan3A_318 : i32 to vector<16xi32>
        %mul3A_321 = arith.constant 16 : i32
        %mul3A_322 = arith.muli %mul3A_121, %mul3A_321 : i32
        %add3A_323 = arith.addi %mul3A_322, %scan3A_318 : i32
        %broadcast_in_dim3A_324 = vector.broadcast %add3A_323 : i32 to vector<16xi32>
        %gather3A = tpu.vector_load_idx %arg12[%broadcast_in_dim3A_324] : memref<512xi32, #tpu.memory_space<vmem>>[vector<16xi32>], vector<16xi32>,
        %add3A_325 = arith.addi %gather3A, %iota3A : vector<16xi32>
        %gather3A_326 = tpu.vector_load_idx %arg13[%broadcast_in_dim3A_324] : memref<512xi32, #tpu.memory_space<vmem>>[vector<16xi32>], vector<16xi32>,
        %add3A_327 = arith.addi %gather3A_326, %iota3A : vector<16xi32>
        %add3A_328 = arith.constant 0 : i32
        %add3A_329 = vector.broadcast %add3A_328 : i32 to vector<16xi32>
        %add3A_330 = arith.addi %add3A_325, %add3A_329 : vector<16xi32>
        %gather3A_331 = tpu.vector_load_idx %arg15[%broadcast_in_dim3A_320, %add3A_330] : memref<352x128xf32, #tpu.memory_space<vmem>>[vector<16xi32>, vector<16xi32>], vector<16xf32>,
        %add3A_332 = arith.constant 16 : i32
        %add3A_333 = vector.broadcast %add3A_332 : i32 to vector<16xi32>
        %add3A_334 = arith.addi %add3A_325, %add3A_333 : vector<16xi32>
        %gather3A_335 = tpu.vector_load_idx %arg15[%broadcast_in_dim3A_320, %add3A_334] : memref<352x128xf32, #tpu.memory_space<vmem>>[vector<16xi32>, vector<16xi32>], vector<16xf32>,
        %add3A_336 = arith.constant 32 : i32
        %add3A_337 = vector.broadcast %add3A_336 : i32 to vector<16xi32>
        %add3A_338 = arith.addi %add3A_325, %add3A_337 : vector<16xi32>
        %gather3A_339 = tpu.vector_load_idx %arg15[%broadcast_in_dim3A_320, %add3A_338] : memref<352x128xf32, #tpu.memory_space<vmem>>[vector<16xi32>, vector<16xi32>], vector<16xf32>,
        %add3A_340 = arith.constant 48 : i32
        %add3A_341 = vector.broadcast %add3A_340 : i32 to vector<16xi32>
        %add3A_342 = arith.addi %add3A_325, %add3A_341 : vector<16xi32>
        %gather3A_343 = tpu.vector_load_idx %arg15[%broadcast_in_dim3A_320, %add3A_342] : memref<352x128xf32, #tpu.memory_space<vmem>>[vector<16xi32>, vector<16xi32>], vector<16xf32>,
        %add3A_344 = arith.constant 16 : i32
        %add3A_345 = vector.broadcast %add3A_344 : i32 to vector<16xi32>
        %add3A_346 = arith.addi %broadcast_in_dim3A_320, %add3A_345 : vector<16xi32>
        %add3A_347 = arith.constant 0 : i32
        %add3A_348 = vector.broadcast %add3A_347 : i32 to vector<16xi32>
        %add3A_349 = arith.addi %add3A_327, %add3A_348 : vector<16xi32>
        %gather3A_350 = tpu.vector_load_idx %arg15[%add3A_346, %add3A_349] : memref<352x128xf32, #tpu.memory_space<vmem>>[vector<16xi32>, vector<16xi32>], vector<16xf32>,
        %add3A_351 = arith.constant 16 : i32
        %add3A_352 = vector.broadcast %add3A_351 : i32 to vector<16xi32>
        %add3A_353 = arith.addi %broadcast_in_dim3A_320, %add3A_352 : vector<16xi32>
        %add3A_354 = arith.constant 16 : i32
        %add3A_355 = vector.broadcast %add3A_354 : i32 to vector<16xi32>
        %add3A_356 = arith.addi %add3A_327, %add3A_355 : vector<16xi32>
        %gather3A_357 = tpu.vector_load_idx %arg15[%add3A_353, %add3A_356] : memref<352x128xf32, #tpu.memory_space<vmem>>[vector<16xi32>, vector<16xi32>], vector<16xf32>,
        %add3A_358 = arith.constant 16 : i32
        %add3A_359 = vector.broadcast %add3A_358 : i32 to vector<16xi32>
        %add3A_360 = arith.addi %broadcast_in_dim3A_320, %add3A_359 : vector<16xi32>
        %add3A_361 = arith.constant 32 : i32
        %add3A_362 = vector.broadcast %add3A_361 : i32 to vector<16xi32>
        %add3A_363 = arith.addi %add3A_327, %add3A_362 : vector<16xi32>
        %gather3A_364 = tpu.vector_load_idx %arg15[%add3A_360, %add3A_363] : memref<352x128xf32, #tpu.memory_space<vmem>>[vector<16xi32>, vector<16xi32>], vector<16xf32>,
        %add3A_365 = arith.constant 16 : i32
        %add3A_366 = vector.broadcast %add3A_365 : i32 to vector<16xi32>
        %add3A_367 = arith.addi %broadcast_in_dim3A_320, %add3A_366 : vector<16xi32>
        %add3A_368 = arith.constant 48 : i32
        %add3A_369 = vector.broadcast %add3A_368 : i32 to vector<16xi32>
        %add3A_370 = arith.addi %add3A_327, %add3A_369 : vector<16xi32>
        %gather3A_371 = tpu.vector_load_idx %arg15[%add3A_367, %add3A_370] : memref<352x128xf32, #tpu.memory_space<vmem>>[vector<16xi32>, vector<16xi32>], vector<16xf32>,
        %mul3A_372 = arith.mulf %gather3A_331, %gather3A_350 : vector<16xf32>
        %mul3A_373 = arith.mulf %gather3A_335, %gather3A_357 : vector<16xf32>
        %add3A_374 = arith.addf %mul3A_372, %mul3A_373 : vector<16xf32>
        %mul3A_375 = arith.mulf %gather3A_339, %gather3A_364 : vector<16xf32>
        %add3A_376 = arith.addf %add3A_374, %mul3A_375 : vector<16xf32>
        %mul3A_377 = arith.mulf %gather3A_343, %gather3A_371 : vector<16xf32>
        %add3A_378 = arith.addf %add3A_376, %mul3A_377 : vector<16xf32>
        %broadcast_in_dim3A_379 = arith.constant true
        %broadcast_in_dim3A_380 = vector.broadcast %broadcast_in_dim3A_379 : i1 to vector<16xi1>
        %masked_cumsum3A = tpu.scan <sum>, %add3A_378 masked %broadcast_in_dim3A_380 : vector<16xf32>, vector<16xi1> -> vector<16xf32>
        tpu.vector_store_idx %arg17[%broadcast_in_dim3A_47, %broadcast_in_dim3A_324], %masked_cumsum3A masked %eq3A_6 : memref<21x512xf32, #tpu.memory_space<vmem>>[vector<16xi32>, vector<16xi32>], vector<16xf32>, vector<16xi1>
        %mul3A_381 = arith.constant 20 : i32
        %mul3A_382 = arith.muli %scan3A_318, %mul3A_381 : i32
        %add3A_383 = arith.constant 32 : i32
        %add3A_384 = arith.addi %add3A_383, %mul3A_382 : i32
        %add3A_385 = arith.constant 0 : i32
        %add3A_386 = arith.addi %add3A_384, %add3A_385 : i32
        %broadcast_in_dim3A_387 = vector.broadcast %add3A_386 : i32 to vector<16xi32>
        %gather3A_388 = tpu.vector_load_idx %arg14[%broadcast_in_dim3A_7, %broadcast_in_dim3A_324] : memref<20x512xi32, #tpu.memory_space<vmem>>[vector<16xi32>, vector<16xi32>], vector<16xi32>,
        %add3A_389 = arith.addi %gather3A_388, %iota3A : vector<16xi32>
        %add3A_390 = arith.constant 0 : i32
        %add3A_391 = vector.broadcast %add3A_390 : i32 to vector<16xi32>
        %add3A_392 = arith.addi %add3A_389, %add3A_391 : vector<16xi32>
        %gather3A_393 = tpu.vector_load_idx %arg15[%broadcast_in_dim3A_387, %add3A_392] : memref<352x128xf32, #tpu.memory_space<vmem>>[vector<16xi32>, vector<16xi32>], vector<16xf32>,
        %add3A_394 = arith.constant 16 : i32
        %add3A_395 = vector.broadcast %add3A_394 : i32 to vector<16xi32>
        %add3A_396 = arith.addi %add3A_389, %add3A_395 : vector<16xi32>
        %gather3A_397 = tpu.vector_load_idx %arg15[%broadcast_in_dim3A_387, %add3A_396] : memref<352x128xf32, #tpu.memory_space<vmem>>[vector<16xi32>, vector<16xi32>], vector<16xf32>,
        %add3A_398 = arith.constant 32 : i32
        %add3A_399 = vector.broadcast %add3A_398 : i32 to vector<16xi32>
        %add3A_400 = arith.addi %add3A_389, %add3A_399 : vector<16xi32>
        %gather3A_401 = tpu.vector_load_idx %arg15[%broadcast_in_dim3A_387, %add3A_400] : memref<352x128xf32, #tpu.memory_space<vmem>>[vector<16xi32>, vector<16xi32>], vector<16xf32>,
        %add3A_402 = arith.constant 48 : i32
        %add3A_403 = vector.broadcast %add3A_402 : i32 to vector<16xi32>
        %add3A_404 = arith.addi %add3A_389, %add3A_403 : vector<16xi32>
        %gather3A_405 = tpu.vector_load_idx %arg15[%broadcast_in_dim3A_387, %add3A_404] : memref<352x128xf32, #tpu.memory_space<vmem>>[vector<16xi32>, vector<16xi32>], vector<16xf32>,
        %mul3A_406 = arith.mulf %gather3A_331, %gather3A_393 : vector<16xf32>
        %mul3A_407 = arith.mulf %gather3A_335, %gather3A_397 : vector<16xf32>
        %add3A_408 = arith.addf %mul3A_406, %mul3A_407 : vector<16xf32>
        %mul3A_409 = arith.mulf %gather3A_339, %gather3A_401 : vector<16xf32>
        %add3A_410 = arith.addf %add3A_408, %mul3A_409 : vector<16xf32>
        %mul3A_411 = arith.mulf %gather3A_343, %gather3A_405 : vector<16xf32>
        %add3A_412 = arith.addf %add3A_410, %mul3A_411 : vector<16xf32>
        %broadcast_in_dim3A_413 = arith.constant true
        %broadcast_in_dim3A_414 = vector.broadcast %broadcast_in_dim3A_413 : i1 to vector<16xi1>
        %masked_cumsum3A_415 = tpu.scan <sum>, %add3A_412 masked %broadcast_in_dim3A_414 : vector<16xf32>, vector<16xi1> -> vector<16xf32>
        %neg3A = arith.constant 0.000000e+00 : f32
        %neg3A_416 = vector.broadcast %neg3A : f32 to vector<16xf32>
        %neg3A_417 = arith.subf %neg3A_416, %masked_cumsum3A_415 : vector<16xf32>
        tpu.vector_store_idx %arg17[%broadcast_in_dim3A_7, %broadcast_in_dim3A_324], %neg3A_417 masked %eq3A_6 : memref<21x512xf32, #tpu.memory_space<vmem>>[vector<16xi32>, vector<16xi32>], vector<16xf32>, vector<16xi1>
        %mul3A_418 = arith.constant 20 : i32
        %mul3A_419 = arith.muli %scan3A_318, %mul3A_418 : i32
        %add3A_420 = arith.constant 32 : i32
        %add3A_421 = arith.addi %add3A_420, %mul3A_419 : i32
        %add3A_422 = arith.constant 1 : i32
        %add3A_423 = arith.addi %add3A_421, %add3A_422 : i32
        %broadcast_in_dim3A_424 = vector.broadcast %add3A_423 : i32 to vector<16xi32>
        %gather3A_425 = tpu.vector_load_idx %arg14[%broadcast_in_dim3A_9, %broadcast_in_dim3A_324] : memref<20x512xi32, #tpu.memory_space<vmem>>[vector<16xi32>, vector<16xi32>], vector<16xi32>,
        %add3A_426 = arith.addi %gather3A_425, %iota3A : vector<16xi32>
        %add3A_427 = arith.constant 0 : i32
        %add3A_428 = vector.broadcast %add3A_427 : i32 to vector<16xi32>
        %add3A_429 = arith.addi %add3A_426, %add3A_428 : vector<16xi32>
        %gather3A_430 = tpu.vector_load_idx %arg15[%broadcast_in_dim3A_424, %add3A_429] : memref<352x128xf32, #tpu.memory_space<vmem>>[vector<16xi32>, vector<16xi32>], vector<16xf32>,
        %add3A_431 = arith.constant 16 : i32
        %add3A_432 = vector.broadcast %add3A_431 : i32 to vector<16xi32>
        %add3A_433 = arith.addi %add3A_426, %add3A_432 : vector<16xi32>
        %gather3A_434 = tpu.vector_load_idx %arg15[%broadcast_in_dim3A_424, %add3A_433] : memref<352x128xf32, #tpu.memory_space<vmem>>[vector<16xi32>, vector<16xi32>], vector<16xf32>,
        %add3A_435 = arith.constant 32 : i32
        %add3A_436 = vector.broadcast %add3A_435 : i32 to vector<16xi32>
        %add3A_437 = arith.addi %add3A_426, %add3A_436 : vector<16xi32>
        %gather3A_438 = tpu.vector_load_idx %arg15[%broadcast_in_dim3A_424, %add3A_437] : memref<352x128xf32, #tpu.memory_space<vmem>>[vector<16xi32>, vector<16xi32>], vector<16xf32>,
        %add3A_439 = arith.constant 48 : i32
        %add3A_440 = vector.broadcast %add3A_439 : i32 to vector<16xi32>
        %add3A_441 = arith.addi %add3A_426, %add3A_440 : vector<16xi32>
        %gather3A_442 = tpu.vector_load_idx %arg15[%broadcast_in_dim3A_424, %add3A_441] : memref<352x128xf32, #tpu.memory_space<vmem>>[vector<16xi32>, vector<16xi32>], vector<16xf32>,
        %mul3A_443 = arith.mulf %gather3A_331, %gather3A_430 : vector<16xf32>
        %mul3A_444 = arith.mulf %gather3A_335, %gather3A_434 : vector<16xf32>
        %add3A_445 = arith.addf %mul3A_443, %mul3A_444 : vector<16xf32>
        %mul3A_446 = arith.mulf %gather3A_339, %gather3A_438 : vector<16xf32>
        %add3A_447 = arith.addf %add3A_445, %mul3A_446 : vector<16xf32>
        %mul3A_448 = arith.mulf %gather3A_343, %gather3A_442 : vector<16xf32>
        %add3A_449 = arith.addf %add3A_447, %mul3A_448 : vector<16xf32>
        %broadcast_in_dim3A_450 = arith.constant true
        %broadcast_in_dim3A_451 = vector.broadcast %broadcast_in_dim3A_450 : i1 to vector<16xi1>
        %masked_cumsum3A_452 = tpu.scan <sum>, %add3A_449 masked %broadcast_in_dim3A_451 : vector<16xf32>, vector<16xi1> -> vector<16xf32>
        %neg3A_453 = arith.constant 0.000000e+00 : f32
        %neg3A_454 = vector.broadcast %neg3A_453 : f32 to vector<16xf32>
        %neg3A_455 = arith.subf %neg3A_454, %masked_cumsum3A_452 : vector<16xf32>
        tpu.vector_store_idx %arg17[%broadcast_in_dim3A_9, %broadcast_in_dim3A_324], %neg3A_455 masked %eq3A_6 : memref<21x512xf32, #tpu.memory_space<vmem>>[vector<16xi32>, vector<16xi32>], vector<16xf32>, vector<16xi1>
        %mul3A_456 = arith.constant 20 : i32
        %mul3A_457 = arith.muli %scan3A_318, %mul3A_456 : i32
        %add3A_458 = arith.constant 32 : i32
        %add3A_459 = arith.addi %add3A_458, %mul3A_457 : i32
        %add3A_460 = arith.constant 2 : i32
        %add3A_461 = arith.addi %add3A_459, %add3A_460 : i32
        %broadcast_in_dim3A_462 = vector.broadcast %add3A_461 : i32 to vector<16xi32>
        %gather3A_463 = tpu.vector_load_idx %arg14[%broadcast_in_dim3A_11, %broadcast_in_dim3A_324] : memref<20x512xi32, #tpu.memory_space<vmem>>[vector<16xi32>, vector<16xi32>], vector<16xi32>,
        %add3A_464 = arith.addi %gather3A_463, %iota3A : vector<16xi32>
        %add3A_465 = arith.constant 0 : i32
        %add3A_466 = vector.broadcast %add3A_465 : i32 to vector<16xi32>
        %add3A_467 = arith.addi %add3A_464, %add3A_466 : vector<16xi32>
        %gather3A_468 = tpu.vector_load_idx %arg15[%broadcast_in_dim3A_462, %add3A_467] : memref<352x128xf32, #tpu.memory_space<vmem>>[vector<16xi32>, vector<16xi32>], vector<16xf32>,
        %add3A_469 = arith.constant 16 : i32
        %add3A_470 = vector.broadcast %add3A_469 : i32 to vector<16xi32>
        %add3A_471 = arith.addi %add3A_464, %add3A_470 : vector<16xi32>
        %gather3A_472 = tpu.vector_load_idx %arg15[%broadcast_in_dim3A_462, %add3A_471] : memref<352x128xf32, #tpu.memory_space<vmem>>[vector<16xi32>, vector<16xi32>], vector<16xf32>,
        %add3A_473 = arith.constant 32 : i32
        %add3A_474 = vector.broadcast %add3A_473 : i32 to vector<16xi32>
        %add3A_475 = arith.addi %add3A_464, %add3A_474 : vector<16xi32>
        %gather3A_476 = tpu.vector_load_idx %arg15[%broadcast_in_dim3A_462, %add3A_475] : memref<352x128xf32, #tpu.memory_space<vmem>>[vector<16xi32>, vector<16xi32>], vector<16xf32>,
        %add3A_477 = arith.constant 48 : i32
        %add3A_478 = vector.broadcast %add3A_477 : i32 to vector<16xi32>
        %add3A_479 = arith.addi %add3A_464, %add3A_478 : vector<16xi32>
        %gather3A_480 = tpu.vector_load_idx %arg15[%broadcast_in_dim3A_462, %add3A_479] : memref<352x128xf32, #tpu.memory_space<vmem>>[vector<16xi32>, vector<16xi32>], vector<16xf32>,
        %mul3A_481 = arith.mulf %gather3A_331, %gather3A_468 : vector<16xf32>
        %mul3A_482 = arith.mulf %gather3A_335, %gather3A_472 : vector<16xf32>
        %add3A_483 = arith.addf %mul3A_481, %mul3A_482 : vector<16xf32>
        %mul3A_484 = arith.mulf %gather3A_339, %gather3A_476 : vector<16xf32>
        %add3A_485 = arith.addf %add3A_483, %mul3A_484 : vector<16xf32>
        %mul3A_486 = arith.mulf %gather3A_343, %gather3A_480 : vector<16xf32>
        %add3A_487 = arith.addf %add3A_485, %mul3A_486 : vector<16xf32>
        %broadcast_in_dim3A_488 = arith.constant true
        %broadcast_in_dim3A_489 = vector.broadcast %broadcast_in_dim3A_488 : i1 to vector<16xi1>
        %masked_cumsum3A_490 = tpu.scan <sum>, %add3A_487 masked %broadcast_in_dim3A_489 : vector<16xf32>, vector<16xi1> -> vector<16xf32>
        %neg3A_491 = arith.constant 0.000000e+00 : f32
        %neg3A_492 = vector.broadcast %neg3A_491 : f32 to vector<16xf32>
        %neg3A_493 = arith.subf %neg3A_492, %masked_cumsum3A_490 : vector<16xf32>
        tpu.vector_store_idx %arg17[%broadcast_in_dim3A_11, %broadcast_in_dim3A_324], %neg3A_493 masked %eq3A_6 : memref<21x512xf32, #tpu.memory_space<vmem>>[vector<16xi32>, vector<16xi32>], vector<16xf32>, vector<16xi1>
        %mul3A_494 = arith.constant 20 : i32
        %mul3A_495 = arith.muli %scan3A_318, %mul3A_494 : i32
        %add3A_496 = arith.constant 32 : i32
        %add3A_497 = arith.addi %add3A_496, %mul3A_495 : i32
        %add3A_498 = arith.constant 3 : i32
        %add3A_499 = arith.addi %add3A_497, %add3A_498 : i32
        %broadcast_in_dim3A_500 = vector.broadcast %add3A_499 : i32 to vector<16xi32>
        %gather3A_501 = tpu.vector_load_idx %arg14[%broadcast_in_dim3A_13, %broadcast_in_dim3A_324] : memref<20x512xi32, #tpu.memory_space<vmem>>[vector<16xi32>, vector<16xi32>], vector<16xi32>,
        %add3A_502 = arith.addi %gather3A_501, %iota3A : vector<16xi32>
        %add3A_503 = arith.constant 0 : i32
        %add3A_504 = vector.broadcast %add3A_503 : i32 to vector<16xi32>
        %add3A_505 = arith.addi %add3A_502, %add3A_504 : vector<16xi32>
        %gather3A_506 = tpu.vector_load_idx %arg15[%broadcast_in_dim3A_500, %add3A_505] : memref<352x128xf32, #tpu.memory_space<vmem>>[vector<16xi32>, vector<16xi32>], vector<16xf32>,
        %add3A_507 = arith.constant 16 : i32
        %add3A_508 = vector.broadcast %add3A_507 : i32 to vector<16xi32>
        %add3A_509 = arith.addi %add3A_502, %add3A_508 : vector<16xi32>
        %gather3A_510 = tpu.vector_load_idx %arg15[%broadcast_in_dim3A_500, %add3A_509] : memref<352x128xf32, #tpu.memory_space<vmem>>[vector<16xi32>, vector<16xi32>], vector<16xf32>,
        %add3A_511 = arith.constant 32 : i32
        %add3A_512 = vector.broadcast %add3A_511 : i32 to vector<16xi32>
        %add3A_513 = arith.addi %add3A_502, %add3A_512 : vector<16xi32>
        %gather3A_514 = tpu.vector_load_idx %arg15[%broadcast_in_dim3A_500, %add3A_513] : memref<352x128xf32, #tpu.memory_space<vmem>>[vector<16xi32>, vector<16xi32>], vector<16xf32>,
        %add3A_515 = arith.constant 48 : i32
        %add3A_516 = vector.broadcast %add3A_515 : i32 to vector<16xi32>
        %add3A_517 = arith.addi %add3A_502, %add3A_516 : vector<16xi32>
        %gather3A_518 = tpu.vector_load_idx %arg15[%broadcast_in_dim3A_500, %add3A_517] : memref<352x128xf32, #tpu.memory_space<vmem>>[vector<16xi32>, vector<16xi32>], vector<16xf32>,
        %mul3A_519 = arith.mulf %gather3A_331, %gather3A_506 : vector<16xf32>
        %mul3A_520 = arith.mulf %gather3A_335, %gather3A_510 : vector<16xf32>
        %add3A_521 = arith.addf %mul3A_519, %mul3A_520 : vector<16xf32>
        %mul3A_522 = arith.mulf %gather3A_339, %gather3A_514 : vector<16xf32>
        %add3A_523 = arith.addf %add3A_521, %mul3A_522 : vector<16xf32>
        %mul3A_524 = arith.mulf %gather3A_343, %gather3A_518 : vector<16xf32>
        %add3A_525 = arith.addf %add3A_523, %mul3A_524 : vector<16xf32>
        %broadcast_in_dim3A_526 = arith.constant true
        %broadcast_in_dim3A_527 = vector.broadcast %broadcast_in_dim3A_526 : i1 to vector<16xi1>
        %masked_cumsum3A_528 = tpu.scan <sum>, %add3A_525 masked %broadcast_in_dim3A_527 : vector<16xf32>, vector<16xi1> -> vector<16xf32>
        %neg3A_529 = arith.constant 0.000000e+00 : f32
        %neg3A_530 = vector.broadcast %neg3A_529 : f32 to vector<16xf32>
        %neg3A_531 = arith.subf %neg3A_530, %masked_cumsum3A_528 : vector<16xf32>
        tpu.vector_store_idx %arg17[%broadcast_in_dim3A_13, %broadcast_in_dim3A_324], %neg3A_531 masked %eq3A_6 : memref<21x512xf32, #tpu.memory_space<vmem>>[vector<16xi32>, vector<16xi32>], vector<16xf32>, vector<16xi1>
        %mul3A_532 = arith.constant 20 : i32
        %mul3A_533 = arith.muli %scan3A_318, %mul3A_532 : i32
        %add3A_534 = arith.constant 32 : i32
        %add3A_535 = arith.addi %add3A_534, %mul3A_533 : i32
        %add3A_536 = arith.constant 4 : i32
        %add3A_537 = arith.addi %add3A_535, %add3A_536 : i32
        %broadcast_in_dim3A_538 = vector.broadcast %add3A_537 : i32 to vector<16xi32>
        %gather3A_539 = tpu.vector_load_idx %arg14[%broadcast_in_dim3A_15, %broadcast_in_dim3A_324] : memref<20x512xi32, #tpu.memory_space<vmem>>[vector<16xi32>, vector<16xi32>], vector<16xi32>,
        %add3A_540 = arith.addi %gather3A_539, %iota3A : vector<16xi32>
        %add3A_541 = arith.constant 0 : i32
        %add3A_542 = vector.broadcast %add3A_541 : i32 to vector<16xi32>
        %add3A_543 = arith.addi %add3A_540, %add3A_542 : vector<16xi32>
        %gather3A_544 = tpu.vector_load_idx %arg15[%broadcast_in_dim3A_538, %add3A_543] : memref<352x128xf32, #tpu.memory_space<vmem>>[vector<16xi32>, vector<16xi32>], vector<16xf32>,
        %add3A_545 = arith.constant 16 : i32
        %add3A_546 = vector.broadcast %add3A_545 : i32 to vector<16xi32>
        %add3A_547 = arith.addi %add3A_540, %add3A_546 : vector<16xi32>
        %gather3A_548 = tpu.vector_load_idx %arg15[%broadcast_in_dim3A_538, %add3A_547] : memref<352x128xf32, #tpu.memory_space<vmem>>[vector<16xi32>, vector<16xi32>], vector<16xf32>,
        %add3A_549 = arith.constant 32 : i32
        %add3A_550 = vector.broadcast %add3A_549 : i32 to vector<16xi32>
        %add3A_551 = arith.addi %add3A_540, %add3A_550 : vector<16xi32>
        %gather3A_552 = tpu.vector_load_idx %arg15[%broadcast_in_dim3A_538, %add3A_551] : memref<352x128xf32, #tpu.memory_space<vmem>>[vector<16xi32>, vector<16xi32>], vector<16xf32>,
        %add3A_553 = arith.constant 48 : i32
        %add3A_554 = vector.broadcast %add3A_553 : i32 to vector<16xi32>
        %add3A_555 = arith.addi %add3A_540, %add3A_554 : vector<16xi32>
        %gather3A_556 = tpu.vector_load_idx %arg15[%broadcast_in_dim3A_538, %add3A_555] : memref<352x128xf32, #tpu.memory_space<vmem>>[vector<16xi32>, vector<16xi32>], vector<16xf32>,
        %mul3A_557 = arith.mulf %gather3A_331, %gather3A_544 : vector<16xf32>
        %mul3A_558 = arith.mulf %gather3A_335, %gather3A_548 : vector<16xf32>
        %add3A_559 = arith.addf %mul3A_557, %mul3A_558 : vector<16xf32>
        %mul3A_560 = arith.mulf %gather3A_339, %gather3A_552 : vector<16xf32>
        %add3A_561 = arith.addf %add3A_559, %mul3A_560 : vector<16xf32>
        %mul3A_562 = arith.mulf %gather3A_343, %gather3A_556 : vector<16xf32>
        %add3A_563 = arith.addf %add3A_561, %mul3A_562 : vector<16xf32>
        %broadcast_in_dim3A_564 = arith.constant true
        %broadcast_in_dim3A_565 = vector.broadcast %broadcast_in_dim3A_564 : i1 to vector<16xi1>
        %masked_cumsum3A_566 = tpu.scan <sum>, %add3A_563 masked %broadcast_in_dim3A_565 : vector<16xf32>, vector<16xi1> -> vector<16xf32>
        %neg3A_567 = arith.constant 0.000000e+00 : f32
        %neg3A_568 = vector.broadcast %neg3A_567 : f32 to vector<16xf32>
        %neg3A_569 = arith.subf %neg3A_568, %masked_cumsum3A_566 : vector<16xf32>
        tpu.vector_store_idx %arg17[%broadcast_in_dim3A_15, %broadcast_in_dim3A_324], %neg3A_569 masked %eq3A_6 : memref<21x512xf32, #tpu.memory_space<vmem>>[vector<16xi32>, vector<16xi32>], vector<16xf32>, vector<16xi1>
        %mul3A_570 = arith.constant 20 : i32
        %mul3A_571 = arith.muli %scan3A_318, %mul3A_570 : i32
        %add3A_572 = arith.constant 32 : i32
        %add3A_573 = arith.addi %add3A_572, %mul3A_571 : i32
        %add3A_574 = arith.constant 5 : i32
        %add3A_575 = arith.addi %add3A_573, %add3A_574 : i32
        %broadcast_in_dim3A_576 = vector.broadcast %add3A_575 : i32 to vector<16xi32>
        %gather3A_577 = tpu.vector_load_idx %arg14[%broadcast_in_dim3A_17, %broadcast_in_dim3A_324] : memref<20x512xi32, #tpu.memory_space<vmem>>[vector<16xi32>, vector<16xi32>], vector<16xi32>,
        %add3A_578 = arith.addi %gather3A_577, %iota3A : vector<16xi32>
        %add3A_579 = arith.constant 0 : i32
        %add3A_580 = vector.broadcast %add3A_579 : i32 to vector<16xi32>
        %add3A_581 = arith.addi %add3A_578, %add3A_580 : vector<16xi32>
        %gather3A_582 = tpu.vector_load_idx %arg15[%broadcast_in_dim3A_576, %add3A_581] : memref<352x128xf32, #tpu.memory_space<vmem>>[vector<16xi32>, vector<16xi32>], vector<16xf32>,
        %add3A_583 = arith.constant 16 : i32
        %add3A_584 = vector.broadcast %add3A_583 : i32 to vector<16xi32>
        %add3A_585 = arith.addi %add3A_578, %add3A_584 : vector<16xi32>
        %gather3A_586 = tpu.vector_load_idx %arg15[%broadcast_in_dim3A_576, %add3A_585] : memref<352x128xf32, #tpu.memory_space<vmem>>[vector<16xi32>, vector<16xi32>], vector<16xf32>,
        %add3A_587 = arith.constant 32 : i32
        %add3A_588 = vector.broadcast %add3A_587 : i32 to vector<16xi32>
        %add3A_589 = arith.addi %add3A_578, %add3A_588 : vector<16xi32>
        %gather3A_590 = tpu.vector_load_idx %arg15[%broadcast_in_dim3A_576, %add3A_589] : memref<352x128xf32, #tpu.memory_space<vmem>>[vector<16xi32>, vector<16xi32>], vector<16xf32>,
        %add3A_591 = arith.constant 48 : i32
        %add3A_592 = vector.broadcast %add3A_591 : i32 to vector<16xi32>
        %add3A_593 = arith.addi %add3A_578, %add3A_592 : vector<16xi32>
        %gather3A_594 = tpu.vector_load_idx %arg15[%broadcast_in_dim3A_576, %add3A_593] : memref<352x128xf32, #tpu.memory_space<vmem>>[vector<16xi32>, vector<16xi32>], vector<16xf32>,
        %mul3A_595 = arith.mulf %gather3A_331, %gather3A_582 : vector<16xf32>
        %mul3A_596 = arith.mulf %gather3A_335, %gather3A_586 : vector<16xf32>
        %add3A_597 = arith.addf %mul3A_595, %mul3A_596 : vector<16xf32>
        %mul3A_598 = arith.mulf %gather3A_339, %gather3A_590 : vector<16xf32>
        %add3A_599 = arith.addf %add3A_597, %mul3A_598 : vector<16xf32>
        %mul3A_600 = arith.mulf %gather3A_343, %gather3A_594 : vector<16xf32>
        %add3A_601 = arith.addf %add3A_599, %mul3A_600 : vector<16xf32>
        %broadcast_in_dim3A_602 = arith.constant true
        %broadcast_in_dim3A_603 = vector.broadcast %broadcast_in_dim3A_602 : i1 to vector<16xi1>
        %masked_cumsum3A_604 = tpu.scan <sum>, %add3A_601 masked %broadcast_in_dim3A_603 : vector<16xf32>, vector<16xi1> -> vector<16xf32>
        %neg3A_605 = arith.constant 0.000000e+00 : f32
        %neg3A_606 = vector.broadcast %neg3A_605 : f32 to vector<16xf32>
        %neg3A_607 = arith.subf %neg3A_606, %masked_cumsum3A_604 : vector<16xf32>
        tpu.vector_store_idx %arg17[%broadcast_in_dim3A_17, %broadcast_in_dim3A_324], %neg3A_607 masked %eq3A_6 : memref<21x512xf32, #tpu.memory_space<vmem>>[vector<16xi32>, vector<16xi32>], vector<16xf32>, vector<16xi1>
        %mul3A_608 = arith.constant 20 : i32
        %mul3A_609 = arith.muli %scan3A_318, %mul3A_608 : i32
        %add3A_610 = arith.constant 32 : i32
        %add3A_611 = arith.addi %add3A_610, %mul3A_609 : i32
        %add3A_612 = arith.constant 6 : i32
        %add3A_613 = arith.addi %add3A_611, %add3A_612 : i32
        %broadcast_in_dim3A_614 = vector.broadcast %add3A_613 : i32 to vector<16xi32>
        %gather3A_615 = tpu.vector_load_idx %arg14[%broadcast_in_dim3A_19, %broadcast_in_dim3A_324] : memref<20x512xi32, #tpu.memory_space<vmem>>[vector<16xi32>, vector<16xi32>], vector<16xi32>,
        %add3A_616 = arith.addi %gather3A_615, %iota3A : vector<16xi32>
        %add3A_617 = arith.constant 0 : i32
        %add3A_618 = vector.broadcast %add3A_617 : i32 to vector<16xi32>
        %add3A_619 = arith.addi %add3A_616, %add3A_618 : vector<16xi32>
        %gather3A_620 = tpu.vector_load_idx %arg15[%broadcast_in_dim3A_614, %add3A_619] : memref<352x128xf32, #tpu.memory_space<vmem>>[vector<16xi32>, vector<16xi32>], vector<16xf32>,
        %add3A_621 = arith.constant 16 : i32
        %add3A_622 = vector.broadcast %add3A_621 : i32 to vector<16xi32>
        %add3A_623 = arith.addi %add3A_616, %add3A_622 : vector<16xi32>
        %gather3A_624 = tpu.vector_load_idx %arg15[%broadcast_in_dim3A_614, %add3A_623] : memref<352x128xf32, #tpu.memory_space<vmem>>[vector<16xi32>, vector<16xi32>], vector<16xf32>,
        %add3A_625 = arith.constant 32 : i32
        %add3A_626 = vector.broadcast %add3A_625 : i32 to vector<16xi32>
        %add3A_627 = arith.addi %add3A_616, %add3A_626 : vector<16xi32>
        %gather3A_628 = tpu.vector_load_idx %arg15[%broadcast_in_dim3A_614, %add3A_627] : memref<352x128xf32, #tpu.memory_space<vmem>>[vector<16xi32>, vector<16xi32>], vector<16xf32>,
        %add3A_629 = arith.constant 48 : i32
        %add3A_630 = vector.broadcast %add3A_629 : i32 to vector<16xi32>
        %add3A_631 = arith.addi %add3A_616, %add3A_630 : vector<16xi32>
        %gather3A_632 = tpu.vector_load_idx %arg15[%broadcast_in_dim3A_614, %add3A_631] : memref<352x128xf32, #tpu.memory_space<vmem>>[vector<16xi32>, vector<16xi32>], vector<16xf32>,
        %mul3A_633 = arith.mulf %gather3A_331, %gather3A_620 : vector<16xf32>
        %mul3A_634 = arith.mulf %gather3A_335, %gather3A_624 : vector<16xf32>
        %add3A_635 = arith.addf %mul3A_633, %mul3A_634 : vector<16xf32>
        %mul3A_636 = arith.mulf %gather3A_339, %gather3A_628 : vector<16xf32>
        %add3A_637 = arith.addf %add3A_635, %mul3A_636 : vector<16xf32>
        %mul3A_638 = arith.mulf %gather3A_343, %gather3A_632 : vector<16xf32>
        %add3A_639 = arith.addf %add3A_637, %mul3A_638 : vector<16xf32>
        %broadcast_in_dim3A_640 = arith.constant true
        %broadcast_in_dim3A_641 = vector.broadcast %broadcast_in_dim3A_640 : i1 to vector<16xi1>
        %masked_cumsum3A_642 = tpu.scan <sum>, %add3A_639 masked %broadcast_in_dim3A_641 : vector<16xf32>, vector<16xi1> -> vector<16xf32>
        %neg3A_643 = arith.constant 0.000000e+00 : f32
        %neg3A_644 = vector.broadcast %neg3A_643 : f32 to vector<16xf32>
        %neg3A_645 = arith.subf %neg3A_644, %masked_cumsum3A_642 : vector<16xf32>
        tpu.vector_store_idx %arg17[%broadcast_in_dim3A_19, %broadcast_in_dim3A_324], %neg3A_645 masked %eq3A_6 : memref<21x512xf32, #tpu.memory_space<vmem>>[vector<16xi32>, vector<16xi32>], vector<16xf32>, vector<16xi1>
        %mul3A_646 = arith.constant 20 : i32
        %mul3A_647 = arith.muli %scan3A_318, %mul3A_646 : i32
        %add3A_648 = arith.constant 32 : i32
        %add3A_649 = arith.addi %add3A_648, %mul3A_647 : i32
        %add3A_650 = arith.constant 7 : i32
        %add3A_651 = arith.addi %add3A_649, %add3A_650 : i32
        %broadcast_in_dim3A_652 = vector.broadcast %add3A_651 : i32 to vector<16xi32>
        %gather3A_653 = tpu.vector_load_idx %arg14[%broadcast_in_dim3A_21, %broadcast_in_dim3A_324] : memref<20x512xi32, #tpu.memory_space<vmem>>[vector<16xi32>, vector<16xi32>], vector<16xi32>,
        %add3A_654 = arith.addi %gather3A_653, %iota3A : vector<16xi32>
        %add3A_655 = arith.constant 0 : i32
        %add3A_656 = vector.broadcast %add3A_655 : i32 to vector<16xi32>
        %add3A_657 = arith.addi %add3A_654, %add3A_656 : vector<16xi32>
        %gather3A_658 = tpu.vector_load_idx %arg15[%broadcast_in_dim3A_652, %add3A_657] : memref<352x128xf32, #tpu.memory_space<vmem>>[vector<16xi32>, vector<16xi32>], vector<16xf32>,
        %add3A_659 = arith.constant 16 : i32
        %add3A_660 = vector.broadcast %add3A_659 : i32 to vector<16xi32>
        %add3A_661 = arith.addi %add3A_654, %add3A_660 : vector<16xi32>
        %gather3A_662 = tpu.vector_load_idx %arg15[%broadcast_in_dim3A_652, %add3A_661] : memref<352x128xf32, #tpu.memory_space<vmem>>[vector<16xi32>, vector<16xi32>], vector<16xf32>,
        %add3A_663 = arith.constant 32 : i32
        %add3A_664 = vector.broadcast %add3A_663 : i32 to vector<16xi32>
        %add3A_665 = arith.addi %add3A_654, %add3A_664 : vector<16xi32>
        %gather3A_666 = tpu.vector_load_idx %arg15[%broadcast_in_dim3A_652, %add3A_665] : memref<352x128xf32, #tpu.memory_space<vmem>>[vector<16xi32>, vector<16xi32>], vector<16xf32>,
        %add3A_667 = arith.constant 48 : i32
        %add3A_668 = vector.broadcast %add3A_667 : i32 to vector<16xi32>
        %add3A_669 = arith.addi %add3A_654, %add3A_668 : vector<16xi32>
        %gather3A_670 = tpu.vector_load_idx %arg15[%broadcast_in_dim3A_652, %add3A_669] : memref<352x128xf32, #tpu.memory_space<vmem>>[vector<16xi32>, vector<16xi32>], vector<16xf32>,
        %mul3A_671 = arith.mulf %gather3A_331, %gather3A_658 : vector<16xf32>
        %mul3A_672 = arith.mulf %gather3A_335, %gather3A_662 : vector<16xf32>
        %add3A_673 = arith.addf %mul3A_671, %mul3A_672 : vector<16xf32>
        %mul3A_674 = arith.mulf %gather3A_339, %gather3A_666 : vector<16xf32>
        %add3A_675 = arith.addf %add3A_673, %mul3A_674 : vector<16xf32>
        %mul3A_676 = arith.mulf %gather3A_343, %gather3A_670 : vector<16xf32>
        %add3A_677 = arith.addf %add3A_675, %mul3A_676 : vector<16xf32>
        %broadcast_in_dim3A_678 = arith.constant true
        %broadcast_in_dim3A_679 = vector.broadcast %broadcast_in_dim3A_678 : i1 to vector<16xi1>
        %masked_cumsum3A_680 = tpu.scan <sum>, %add3A_677 masked %broadcast_in_dim3A_679 : vector<16xf32>, vector<16xi1> -> vector<16xf32>
        %neg3A_681 = arith.constant 0.000000e+00 : f32
        %neg3A_682 = vector.broadcast %neg3A_681 : f32 to vector<16xf32>
        %neg3A_683 = arith.subf %neg3A_682, %masked_cumsum3A_680 : vector<16xf32>
        tpu.vector_store_idx %arg17[%broadcast_in_dim3A_21, %broadcast_in_dim3A_324], %neg3A_683 masked %eq3A_6 : memref<21x512xf32, #tpu.memory_space<vmem>>[vector<16xi32>, vector<16xi32>], vector<16xf32>, vector<16xi1>
        %mul3A_684 = arith.constant 20 : i32
        %mul3A_685 = arith.muli %scan3A_318, %mul3A_684 : i32
        %add3A_686 = arith.constant 32 : i32
        %add3A_687 = arith.addi %add3A_686, %mul3A_685 : i32
        %add3A_688 = arith.constant 8 : i32
        %add3A_689 = arith.addi %add3A_687, %add3A_688 : i32
        %broadcast_in_dim3A_690 = vector.broadcast %add3A_689 : i32 to vector<16xi32>
        %gather3A_691 = tpu.vector_load_idx %arg14[%broadcast_in_dim3A_23, %broadcast_in_dim3A_324] : memref<20x512xi32, #tpu.memory_space<vmem>>[vector<16xi32>, vector<16xi32>], vector<16xi32>,
        %add3A_692 = arith.addi %gather3A_691, %iota3A : vector<16xi32>
        %add3A_693 = arith.constant 0 : i32
        %add3A_694 = vector.broadcast %add3A_693 : i32 to vector<16xi32>
        %add3A_695 = arith.addi %add3A_692, %add3A_694 : vector<16xi32>
        %gather3A_696 = tpu.vector_load_idx %arg15[%broadcast_in_dim3A_690, %add3A_695] : memref<352x128xf32, #tpu.memory_space<vmem>>[vector<16xi32>, vector<16xi32>], vector<16xf32>,
        %add3A_697 = arith.constant 16 : i32
        %add3A_698 = vector.broadcast %add3A_697 : i32 to vector<16xi32>
        %add3A_699 = arith.addi %add3A_692, %add3A_698 : vector<16xi32>
        %gather3A_700 = tpu.vector_load_idx %arg15[%broadcast_in_dim3A_690, %add3A_699] : memref<352x128xf32, #tpu.memory_space<vmem>>[vector<16xi32>, vector<16xi32>], vector<16xf32>,
        %add3A_701 = arith.constant 32 : i32
        %add3A_702 = vector.broadcast %add3A_701 : i32 to vector<16xi32>
        %add3A_703 = arith.addi %add3A_692, %add3A_702 : vector<16xi32>
        %gather3A_704 = tpu.vector_load_idx %arg15[%broadcast_in_dim3A_690, %add3A_703] : memref<352x128xf32, #tpu.memory_space<vmem>>[vector<16xi32>, vector<16xi32>], vector<16xf32>,
        %add3A_705 = arith.constant 48 : i32
        %add3A_706 = vector.broadcast %add3A_705 : i32 to vector<16xi32>
        %add3A_707 = arith.addi %add3A_692, %add3A_706 : vector<16xi32>
        %gather3A_708 = tpu.vector_load_idx %arg15[%broadcast_in_dim3A_690, %add3A_707] : memref<352x128xf32, #tpu.memory_space<vmem>>[vector<16xi32>, vector<16xi32>], vector<16xf32>,
        %mul3A_709 = arith.mulf %gather3A_331, %gather3A_696 : vector<16xf32>
        %mul3A_710 = arith.mulf %gather3A_335, %gather3A_700 : vector<16xf32>
        %add3A_711 = arith.addf %mul3A_709, %mul3A_710 : vector<16xf32>
        %mul3A_712 = arith.mulf %gather3A_339, %gather3A_704 : vector<16xf32>
        %add3A_713 = arith.addf %add3A_711, %mul3A_712 : vector<16xf32>
        %mul3A_714 = arith.mulf %gather3A_343, %gather3A_708 : vector<16xf32>
        %add3A_715 = arith.addf %add3A_713, %mul3A_714 : vector<16xf32>
        %broadcast_in_dim3A_716 = arith.constant true
        %broadcast_in_dim3A_717 = vector.broadcast %broadcast_in_dim3A_716 : i1 to vector<16xi1>
        %masked_cumsum3A_718 = tpu.scan <sum>, %add3A_715 masked %broadcast_in_dim3A_717 : vector<16xf32>, vector<16xi1> -> vector<16xf32>
        %neg3A_719 = arith.constant 0.000000e+00 : f32
        %neg3A_720 = vector.broadcast %neg3A_719 : f32 to vector<16xf32>
        %neg3A_721 = arith.subf %neg3A_720, %masked_cumsum3A_718 : vector<16xf32>
        tpu.vector_store_idx %arg17[%broadcast_in_dim3A_23, %broadcast_in_dim3A_324], %neg3A_721 masked %eq3A_6 : memref<21x512xf32, #tpu.memory_space<vmem>>[vector<16xi32>, vector<16xi32>], vector<16xf32>, vector<16xi1>
        %mul3A_722 = arith.constant 20 : i32
        %mul3A_723 = arith.muli %scan3A_318, %mul3A_722 : i32
        %add3A_724 = arith.constant 32 : i32
        %add3A_725 = arith.addi %add3A_724, %mul3A_723 : i32
        %add3A_726 = arith.constant 9 : i32
        %add3A_727 = arith.addi %add3A_725, %add3A_726 : i32
        %broadcast_in_dim3A_728 = vector.broadcast %add3A_727 : i32 to vector<16xi32>
        %gather3A_729 = tpu.vector_load_idx %arg14[%broadcast_in_dim3A_25, %broadcast_in_dim3A_324] : memref<20x512xi32, #tpu.memory_space<vmem>>[vector<16xi32>, vector<16xi32>], vector<16xi32>,
        %add3A_730 = arith.addi %gather3A_729, %iota3A : vector<16xi32>
        %add3A_731 = arith.constant 0 : i32
        %add3A_732 = vector.broadcast %add3A_731 : i32 to vector<16xi32>
        %add3A_733 = arith.addi %add3A_730, %add3A_732 : vector<16xi32>
        %gather3A_734 = tpu.vector_load_idx %arg15[%broadcast_in_dim3A_728, %add3A_733] : memref<352x128xf32, #tpu.memory_space<vmem>>[vector<16xi32>, vector<16xi32>], vector<16xf32>,
        %add3A_735 = arith.constant 16 : i32
        %add3A_736 = vector.broadcast %add3A_735 : i32 to vector<16xi32>
        %add3A_737 = arith.addi %add3A_730, %add3A_736 : vector<16xi32>
        %gather3A_738 = tpu.vector_load_idx %arg15[%broadcast_in_dim3A_728, %add3A_737] : memref<352x128xf32, #tpu.memory_space<vmem>>[vector<16xi32>, vector<16xi32>], vector<16xf32>,
        %add3A_739 = arith.constant 32 : i32
        %add3A_740 = vector.broadcast %add3A_739 : i32 to vector<16xi32>
        %add3A_741 = arith.addi %add3A_730, %add3A_740 : vector<16xi32>
        %gather3A_742 = tpu.vector_load_idx %arg15[%broadcast_in_dim3A_728, %add3A_741] : memref<352x128xf32, #tpu.memory_space<vmem>>[vector<16xi32>, vector<16xi32>], vector<16xf32>,
        %add3A_743 = arith.constant 48 : i32
        %add3A_744 = vector.broadcast %add3A_743 : i32 to vector<16xi32>
        %add3A_745 = arith.addi %add3A_730, %add3A_744 : vector<16xi32>
        %gather3A_746 = tpu.vector_load_idx %arg15[%broadcast_in_dim3A_728, %add3A_745] : memref<352x128xf32, #tpu.memory_space<vmem>>[vector<16xi32>, vector<16xi32>], vector<16xf32>,
        %mul3A_747 = arith.mulf %gather3A_331, %gather3A_734 : vector<16xf32>
        %mul3A_748 = arith.mulf %gather3A_335, %gather3A_738 : vector<16xf32>
        %add3A_749 = arith.addf %mul3A_747, %mul3A_748 : vector<16xf32>
        %mul3A_750 = arith.mulf %gather3A_339, %gather3A_742 : vector<16xf32>
        %add3A_751 = arith.addf %add3A_749, %mul3A_750 : vector<16xf32>
        %mul3A_752 = arith.mulf %gather3A_343, %gather3A_746 : vector<16xf32>
        %add3A_753 = arith.addf %add3A_751, %mul3A_752 : vector<16xf32>
        %broadcast_in_dim3A_754 = arith.constant true
        %broadcast_in_dim3A_755 = vector.broadcast %broadcast_in_dim3A_754 : i1 to vector<16xi1>
        %masked_cumsum3A_756 = tpu.scan <sum>, %add3A_753 masked %broadcast_in_dim3A_755 : vector<16xf32>, vector<16xi1> -> vector<16xf32>
        %neg3A_757 = arith.constant 0.000000e+00 : f32
        %neg3A_758 = vector.broadcast %neg3A_757 : f32 to vector<16xf32>
        %neg3A_759 = arith.subf %neg3A_758, %masked_cumsum3A_756 : vector<16xf32>
        tpu.vector_store_idx %arg17[%broadcast_in_dim3A_25, %broadcast_in_dim3A_324], %neg3A_759 masked %eq3A_6 : memref<21x512xf32, #tpu.memory_space<vmem>>[vector<16xi32>, vector<16xi32>], vector<16xf32>, vector<16xi1>
        %mul3A_760 = arith.constant 20 : i32
        %mul3A_761 = arith.muli %scan3A_318, %mul3A_760 : i32
        %add3A_762 = arith.constant 32 : i32
        %add3A_763 = arith.addi %add3A_762, %mul3A_761 : i32
        %add3A_764 = arith.constant 10 : i32
        %add3A_765 = arith.addi %add3A_763, %add3A_764 : i32
        %broadcast_in_dim3A_766 = vector.broadcast %add3A_765 : i32 to vector<16xi32>
        %gather3A_767 = tpu.vector_load_idx %arg14[%broadcast_in_dim3A_27, %broadcast_in_dim3A_324] : memref<20x512xi32, #tpu.memory_space<vmem>>[vector<16xi32>, vector<16xi32>], vector<16xi32>,
        %add3A_768 = arith.addi %gather3A_767, %iota3A : vector<16xi32>
        %add3A_769 = arith.constant 0 : i32
        %add3A_770 = vector.broadcast %add3A_769 : i32 to vector<16xi32>
        %add3A_771 = arith.addi %add3A_768, %add3A_770 : vector<16xi32>
        %gather3A_772 = tpu.vector_load_idx %arg15[%broadcast_in_dim3A_766, %add3A_771] : memref<352x128xf32, #tpu.memory_space<vmem>>[vector<16xi32>, vector<16xi32>], vector<16xf32>,
        %add3A_773 = arith.constant 16 : i32
        %add3A_774 = vector.broadcast %add3A_773 : i32 to vector<16xi32>
        %add3A_775 = arith.addi %add3A_768, %add3A_774 : vector<16xi32>
        %gather3A_776 = tpu.vector_load_idx %arg15[%broadcast_in_dim3A_766, %add3A_775] : memref<352x128xf32, #tpu.memory_space<vmem>>[vector<16xi32>, vector<16xi32>], vector<16xf32>,
        %add3A_777 = arith.constant 32 : i32
        %add3A_778 = vector.broadcast %add3A_777 : i32 to vector<16xi32>
        %add3A_779 = arith.addi %add3A_768, %add3A_778 : vector<16xi32>
        %gather3A_780 = tpu.vector_load_idx %arg15[%broadcast_in_dim3A_766, %add3A_779] : memref<352x128xf32, #tpu.memory_space<vmem>>[vector<16xi32>, vector<16xi32>], vector<16xf32>,
        %add3A_781 = arith.constant 48 : i32
        %add3A_782 = vector.broadcast %add3A_781 : i32 to vector<16xi32>
        %add3A_783 = arith.addi %add3A_768, %add3A_782 : vector<16xi32>
        %gather3A_784 = tpu.vector_load_idx %arg15[%broadcast_in_dim3A_766, %add3A_783] : memref<352x128xf32, #tpu.memory_space<vmem>>[vector<16xi32>, vector<16xi32>], vector<16xf32>,
        %mul3A_785 = arith.mulf %gather3A_331, %gather3A_772 : vector<16xf32>
        %mul3A_786 = arith.mulf %gather3A_335, %gather3A_776 : vector<16xf32>
        %add3A_787 = arith.addf %mul3A_785, %mul3A_786 : vector<16xf32>
        %mul3A_788 = arith.mulf %gather3A_339, %gather3A_780 : vector<16xf32>
        %add3A_789 = arith.addf %add3A_787, %mul3A_788 : vector<16xf32>
        %mul3A_790 = arith.mulf %gather3A_343, %gather3A_784 : vector<16xf32>
        %add3A_791 = arith.addf %add3A_789, %mul3A_790 : vector<16xf32>
        %broadcast_in_dim3A_792 = arith.constant true
        %broadcast_in_dim3A_793 = vector.broadcast %broadcast_in_dim3A_792 : i1 to vector<16xi1>
        %masked_cumsum3A_794 = tpu.scan <sum>, %add3A_791 masked %broadcast_in_dim3A_793 : vector<16xf32>, vector<16xi1> -> vector<16xf32>
        %neg3A_795 = arith.constant 0.000000e+00 : f32
        %neg3A_796 = vector.broadcast %neg3A_795 : f32 to vector<16xf32>
        %neg3A_797 = arith.subf %neg3A_796, %masked_cumsum3A_794 : vector<16xf32>
        tpu.vector_store_idx %arg17[%broadcast_in_dim3A_27, %broadcast_in_dim3A_324], %neg3A_797 masked %eq3A_6 : memref<21x512xf32, #tpu.memory_space<vmem>>[vector<16xi32>, vector<16xi32>], vector<16xf32>, vector<16xi1>
        %mul3A_798 = arith.constant 20 : i32
        %mul3A_799 = arith.muli %scan3A_318, %mul3A_798 : i32
        %add3A_800 = arith.constant 32 : i32
        %add3A_801 = arith.addi %add3A_800, %mul3A_799 : i32
        %add3A_802 = arith.constant 11 : i32
        %add3A_803 = arith.addi %add3A_801, %add3A_802 : i32
        %broadcast_in_dim3A_804 = vector.broadcast %add3A_803 : i32 to vector<16xi32>
        %gather3A_805 = tpu.vector_load_idx %arg14[%broadcast_in_dim3A_29, %broadcast_in_dim3A_324] : memref<20x512xi32, #tpu.memory_space<vmem>>[vector<16xi32>, vector<16xi32>], vector<16xi32>,
        %add3A_806 = arith.addi %gather3A_805, %iota3A : vector<16xi32>
        %add3A_807 = arith.constant 0 : i32
        %add3A_808 = vector.broadcast %add3A_807 : i32 to vector<16xi32>
        %add3A_809 = arith.addi %add3A_806, %add3A_808 : vector<16xi32>
        %gather3A_810 = tpu.vector_load_idx %arg15[%broadcast_in_dim3A_804, %add3A_809] : memref<352x128xf32, #tpu.memory_space<vmem>>[vector<16xi32>, vector<16xi32>], vector<16xf32>,
        %add3A_811 = arith.constant 16 : i32
        %add3A_812 = vector.broadcast %add3A_811 : i32 to vector<16xi32>
        %add3A_813 = arith.addi %add3A_806, %add3A_812 : vector<16xi32>
        %gather3A_814 = tpu.vector_load_idx %arg15[%broadcast_in_dim3A_804, %add3A_813] : memref<352x128xf32, #tpu.memory_space<vmem>>[vector<16xi32>, vector<16xi32>], vector<16xf32>,
        %add3A_815 = arith.constant 32 : i32
        %add3A_816 = vector.broadcast %add3A_815 : i32 to vector<16xi32>
        %add3A_817 = arith.addi %add3A_806, %add3A_816 : vector<16xi32>
        %gather3A_818 = tpu.vector_load_idx %arg15[%broadcast_in_dim3A_804, %add3A_817] : memref<352x128xf32, #tpu.memory_space<vmem>>[vector<16xi32>, vector<16xi32>], vector<16xf32>,
        %add3A_819 = arith.constant 48 : i32
        %add3A_820 = vector.broadcast %add3A_819 : i32 to vector<16xi32>
        %add3A_821 = arith.addi %add3A_806, %add3A_820 : vector<16xi32>
        %gather3A_822 = tpu.vector_load_idx %arg15[%broadcast_in_dim3A_804, %add3A_821] : memref<352x128xf32, #tpu.memory_space<vmem>>[vector<16xi32>, vector<16xi32>], vector<16xf32>,
        %mul3A_823 = arith.mulf %gather3A_331, %gather3A_810 : vector<16xf32>
        %mul3A_824 = arith.mulf %gather3A_335, %gather3A_814 : vector<16xf32>
        %add3A_825 = arith.addf %mul3A_823, %mul3A_824 : vector<16xf32>
        %mul3A_826 = arith.mulf %gather3A_339, %gather3A_818 : vector<16xf32>
        %add3A_827 = arith.addf %add3A_825, %mul3A_826 : vector<16xf32>
        %mul3A_828 = arith.mulf %gather3A_343, %gather3A_822 : vector<16xf32>
        %add3A_829 = arith.addf %add3A_827, %mul3A_828 : vector<16xf32>
        %broadcast_in_dim3A_830 = arith.constant true
        %broadcast_in_dim3A_831 = vector.broadcast %broadcast_in_dim3A_830 : i1 to vector<16xi1>
        %masked_cumsum3A_832 = tpu.scan <sum>, %add3A_829 masked %broadcast_in_dim3A_831 : vector<16xf32>, vector<16xi1> -> vector<16xf32>
        %neg3A_833 = arith.constant 0.000000e+00 : f32
        %neg3A_834 = vector.broadcast %neg3A_833 : f32 to vector<16xf32>
        %neg3A_835 = arith.subf %neg3A_834, %masked_cumsum3A_832 : vector<16xf32>
        tpu.vector_store_idx %arg17[%broadcast_in_dim3A_29, %broadcast_in_dim3A_324], %neg3A_835 masked %eq3A_6 : memref<21x512xf32, #tpu.memory_space<vmem>>[vector<16xi32>, vector<16xi32>], vector<16xf32>, vector<16xi1>
        %mul3A_836 = arith.constant 20 : i32
        %mul3A_837 = arith.muli %scan3A_318, %mul3A_836 : i32
        %add3A_838 = arith.constant 32 : i32
        %add3A_839 = arith.addi %add3A_838, %mul3A_837 : i32
        %add3A_840 = arith.constant 12 : i32
        %add3A_841 = arith.addi %add3A_839, %add3A_840 : i32
        %broadcast_in_dim3A_842 = vector.broadcast %add3A_841 : i32 to vector<16xi32>
        %gather3A_843 = tpu.vector_load_idx %arg14[%broadcast_in_dim3A_31, %broadcast_in_dim3A_324] : memref<20x512xi32, #tpu.memory_space<vmem>>[vector<16xi32>, vector<16xi32>], vector<16xi32>,
        %add3A_844 = arith.addi %gather3A_843, %iota3A : vector<16xi32>
        %add3A_845 = arith.constant 0 : i32
        %add3A_846 = vector.broadcast %add3A_845 : i32 to vector<16xi32>
        %add3A_847 = arith.addi %add3A_844, %add3A_846 : vector<16xi32>
        %gather3A_848 = tpu.vector_load_idx %arg15[%broadcast_in_dim3A_842, %add3A_847] : memref<352x128xf32, #tpu.memory_space<vmem>>[vector<16xi32>, vector<16xi32>], vector<16xf32>,
        %add3A_849 = arith.constant 16 : i32
        %add3A_850 = vector.broadcast %add3A_849 : i32 to vector<16xi32>
        %add3A_851 = arith.addi %add3A_844, %add3A_850 : vector<16xi32>
        %gather3A_852 = tpu.vector_load_idx %arg15[%broadcast_in_dim3A_842, %add3A_851] : memref<352x128xf32, #tpu.memory_space<vmem>>[vector<16xi32>, vector<16xi32>], vector<16xf32>,
        %add3A_853 = arith.constant 32 : i32
        %add3A_854 = vector.broadcast %add3A_853 : i32 to vector<16xi32>
        %add3A_855 = arith.addi %add3A_844, %add3A_854 : vector<16xi32>
        %gather3A_856 = tpu.vector_load_idx %arg15[%broadcast_in_dim3A_842, %add3A_855] : memref<352x128xf32, #tpu.memory_space<vmem>>[vector<16xi32>, vector<16xi32>], vector<16xf32>,
        %add3A_857 = arith.constant 48 : i32
        %add3A_858 = vector.broadcast %add3A_857 : i32 to vector<16xi32>
        %add3A_859 = arith.addi %add3A_844, %add3A_858 : vector<16xi32>
        %gather3A_860 = tpu.vector_load_idx %arg15[%broadcast_in_dim3A_842, %add3A_859] : memref<352x128xf32, #tpu.memory_space<vmem>>[vector<16xi32>, vector<16xi32>], vector<16xf32>,
        %mul3A_861 = arith.mulf %gather3A_331, %gather3A_848 : vector<16xf32>
        %mul3A_862 = arith.mulf %gather3A_335, %gather3A_852 : vector<16xf32>
        %add3A_863 = arith.addf %mul3A_861, %mul3A_862 : vector<16xf32>
        %mul3A_864 = arith.mulf %gather3A_339, %gather3A_856 : vector<16xf32>
        %add3A_865 = arith.addf %add3A_863, %mul3A_864 : vector<16xf32>
        %mul3A_866 = arith.mulf %gather3A_343, %gather3A_860 : vector<16xf32>
        %add3A_867 = arith.addf %add3A_865, %mul3A_866 : vector<16xf32>
        %broadcast_in_dim3A_868 = arith.constant true
        %broadcast_in_dim3A_869 = vector.broadcast %broadcast_in_dim3A_868 : i1 to vector<16xi1>
        %masked_cumsum3A_870 = tpu.scan <sum>, %add3A_867 masked %broadcast_in_dim3A_869 : vector<16xf32>, vector<16xi1> -> vector<16xf32>
        %neg3A_871 = arith.constant 0.000000e+00 : f32
        %neg3A_872 = vector.broadcast %neg3A_871 : f32 to vector<16xf32>
        %neg3A_873 = arith.subf %neg3A_872, %masked_cumsum3A_870 : vector<16xf32>
        tpu.vector_store_idx %arg17[%broadcast_in_dim3A_31, %broadcast_in_dim3A_324], %neg3A_873 masked %eq3A_6 : memref<21x512xf32, #tpu.memory_space<vmem>>[vector<16xi32>, vector<16xi32>], vector<16xf32>, vector<16xi1>
        %mul3A_874 = arith.constant 20 : i32
        %mul3A_875 = arith.muli %scan3A_318, %mul3A_874 : i32
        %add3A_876 = arith.constant 32 : i32
        %add3A_877 = arith.addi %add3A_876, %mul3A_875 : i32
        %add3A_878 = arith.constant 13 : i32
        %add3A_879 = arith.addi %add3A_877, %add3A_878 : i32
        %broadcast_in_dim3A_880 = vector.broadcast %add3A_879 : i32 to vector<16xi32>
        %gather3A_881 = tpu.vector_load_idx %arg14[%broadcast_in_dim3A_33, %broadcast_in_dim3A_324] : memref<20x512xi32, #tpu.memory_space<vmem>>[vector<16xi32>, vector<16xi32>], vector<16xi32>,
        %add3A_882 = arith.addi %gather3A_881, %iota3A : vector<16xi32>
        %add3A_883 = arith.constant 0 : i32
        %add3A_884 = vector.broadcast %add3A_883 : i32 to vector<16xi32>
        %add3A_885 = arith.addi %add3A_882, %add3A_884 : vector<16xi32>
        %gather3A_886 = tpu.vector_load_idx %arg15[%broadcast_in_dim3A_880, %add3A_885] : memref<352x128xf32, #tpu.memory_space<vmem>>[vector<16xi32>, vector<16xi32>], vector<16xf32>,
        %add3A_887 = arith.constant 16 : i32
        %add3A_888 = vector.broadcast %add3A_887 : i32 to vector<16xi32>
        %add3A_889 = arith.addi %add3A_882, %add3A_888 : vector<16xi32>
        %gather3A_890 = tpu.vector_load_idx %arg15[%broadcast_in_dim3A_880, %add3A_889] : memref<352x128xf32, #tpu.memory_space<vmem>>[vector<16xi32>, vector<16xi32>], vector<16xf32>,
        %add3A_891 = arith.constant 32 : i32
        %add3A_892 = vector.broadcast %add3A_891 : i32 to vector<16xi32>
        %add3A_893 = arith.addi %add3A_882, %add3A_892 : vector<16xi32>
        %gather3A_894 = tpu.vector_load_idx %arg15[%broadcast_in_dim3A_880, %add3A_893] : memref<352x128xf32, #tpu.memory_space<vmem>>[vector<16xi32>, vector<16xi32>], vector<16xf32>,
        %add3A_895 = arith.constant 48 : i32
        %add3A_896 = vector.broadcast %add3A_895 : i32 to vector<16xi32>
        %add3A_897 = arith.addi %add3A_882, %add3A_896 : vector<16xi32>
        %gather3A_898 = tpu.vector_load_idx %arg15[%broadcast_in_dim3A_880, %add3A_897] : memref<352x128xf32, #tpu.memory_space<vmem>>[vector<16xi32>, vector<16xi32>], vector<16xf32>,
        %mul3A_899 = arith.mulf %gather3A_331, %gather3A_886 : vector<16xf32>
        %mul3A_900 = arith.mulf %gather3A_335, %gather3A_890 : vector<16xf32>
        %add3A_901 = arith.addf %mul3A_899, %mul3A_900 : vector<16xf32>
        %mul3A_902 = arith.mulf %gather3A_339, %gather3A_894 : vector<16xf32>
        %add3A_903 = arith.addf %add3A_901, %mul3A_902 : vector<16xf32>
        %mul3A_904 = arith.mulf %gather3A_343, %gather3A_898 : vector<16xf32>
        %add3A_905 = arith.addf %add3A_903, %mul3A_904 : vector<16xf32>
        %broadcast_in_dim3A_906 = arith.constant true
        %broadcast_in_dim3A_907 = vector.broadcast %broadcast_in_dim3A_906 : i1 to vector<16xi1>
        %masked_cumsum3A_908 = tpu.scan <sum>, %add3A_905 masked %broadcast_in_dim3A_907 : vector<16xf32>, vector<16xi1> -> vector<16xf32>
        %neg3A_909 = arith.constant 0.000000e+00 : f32
        %neg3A_910 = vector.broadcast %neg3A_909 : f32 to vector<16xf32>
        %neg3A_911 = arith.subf %neg3A_910, %masked_cumsum3A_908 : vector<16xf32>
        tpu.vector_store_idx %arg17[%broadcast_in_dim3A_33, %broadcast_in_dim3A_324], %neg3A_911 masked %eq3A_6 : memref<21x512xf32, #tpu.memory_space<vmem>>[vector<16xi32>, vector<16xi32>], vector<16xf32>, vector<16xi1>
        %mul3A_912 = arith.constant 20 : i32
        %mul3A_913 = arith.muli %scan3A_318, %mul3A_912 : i32
        %add3A_914 = arith.constant 32 : i32
        %add3A_915 = arith.addi %add3A_914, %mul3A_913 : i32
        %add3A_916 = arith.constant 14 : i32
        %add3A_917 = arith.addi %add3A_915, %add3A_916 : i32
        %broadcast_in_dim3A_918 = vector.broadcast %add3A_917 : i32 to vector<16xi32>
        %gather3A_919 = tpu.vector_load_idx %arg14[%broadcast_in_dim3A_35, %broadcast_in_dim3A_324] : memref<20x512xi32, #tpu.memory_space<vmem>>[vector<16xi32>, vector<16xi32>], vector<16xi32>,
        %add3A_920 = arith.addi %gather3A_919, %iota3A : vector<16xi32>
        %add3A_921 = arith.constant 0 : i32
        %add3A_922 = vector.broadcast %add3A_921 : i32 to vector<16xi32>
        %add3A_923 = arith.addi %add3A_920, %add3A_922 : vector<16xi32>
        %gather3A_924 = tpu.vector_load_idx %arg15[%broadcast_in_dim3A_918, %add3A_923] : memref<352x128xf32, #tpu.memory_space<vmem>>[vector<16xi32>, vector<16xi32>], vector<16xf32>,
        %add3A_925 = arith.constant 16 : i32
        %add3A_926 = vector.broadcast %add3A_925 : i32 to vector<16xi32>
        %add3A_927 = arith.addi %add3A_920, %add3A_926 : vector<16xi32>
        %gather3A_928 = tpu.vector_load_idx %arg15[%broadcast_in_dim3A_918, %add3A_927] : memref<352x128xf32, #tpu.memory_space<vmem>>[vector<16xi32>, vector<16xi32>], vector<16xf32>,
        %add3A_929 = arith.constant 32 : i32
        %add3A_930 = vector.broadcast %add3A_929 : i32 to vector<16xi32>
        %add3A_931 = arith.addi %add3A_920, %add3A_930 : vector<16xi32>
        %gather3A_932 = tpu.vector_load_idx %arg15[%broadcast_in_dim3A_918, %add3A_931] : memref<352x128xf32, #tpu.memory_space<vmem>>[vector<16xi32>, vector<16xi32>], vector<16xf32>,
        %add3A_933 = arith.constant 48 : i32
        %add3A_934 = vector.broadcast %add3A_933 : i32 to vector<16xi32>
        %add3A_935 = arith.addi %add3A_920, %add3A_934 : vector<16xi32>
        %gather3A_936 = tpu.vector_load_idx %arg15[%broadcast_in_dim3A_918, %add3A_935] : memref<352x128xf32, #tpu.memory_space<vmem>>[vector<16xi32>, vector<16xi32>], vector<16xf32>,
        %mul3A_937 = arith.mulf %gather3A_331, %gather3A_924 : vector<16xf32>
        %mul3A_938 = arith.mulf %gather3A_335, %gather3A_928 : vector<16xf32>
        %add3A_939 = arith.addf %mul3A_937, %mul3A_938 : vector<16xf32>
        %mul3A_940 = arith.mulf %gather3A_339, %gather3A_932 : vector<16xf32>
        %add3A_941 = arith.addf %add3A_939, %mul3A_940 : vector<16xf32>
        %mul3A_942 = arith.mulf %gather3A_343, %gather3A_936 : vector<16xf32>
        %add3A_943 = arith.addf %add3A_941, %mul3A_942 : vector<16xf32>
        %broadcast_in_dim3A_944 = arith.constant true
        %broadcast_in_dim3A_945 = vector.broadcast %broadcast_in_dim3A_944 : i1 to vector<16xi1>
        %masked_cumsum3A_946 = tpu.scan <sum>, %add3A_943 masked %broadcast_in_dim3A_945 : vector<16xf32>, vector<16xi1> -> vector<16xf32>
        %neg3A_947 = arith.constant 0.000000e+00 : f32
        %neg3A_948 = vector.broadcast %neg3A_947 : f32 to vector<16xf32>
        %neg3A_949 = arith.subf %neg3A_948, %masked_cumsum3A_946 : vector<16xf32>
        tpu.vector_store_idx %arg17[%broadcast_in_dim3A_35, %broadcast_in_dim3A_324], %neg3A_949 masked %eq3A_6 : memref<21x512xf32, #tpu.memory_space<vmem>>[vector<16xi32>, vector<16xi32>], vector<16xf32>, vector<16xi1>
        %mul3A_950 = arith.constant 20 : i32
        %mul3A_951 = arith.muli %scan3A_318, %mul3A_950 : i32
        %add3A_952 = arith.constant 32 : i32
        %add3A_953 = arith.addi %add3A_952, %mul3A_951 : i32
        %add3A_954 = arith.constant 15 : i32
        %add3A_955 = arith.addi %add3A_953, %add3A_954 : i32
        %broadcast_in_dim3A_956 = vector.broadcast %add3A_955 : i32 to vector<16xi32>
        %gather3A_957 = tpu.vector_load_idx %arg14[%broadcast_in_dim3A_37, %broadcast_in_dim3A_324] : memref<20x512xi32, #tpu.memory_space<vmem>>[vector<16xi32>, vector<16xi32>], vector<16xi32>,
        %add3A_958 = arith.addi %gather3A_957, %iota3A : vector<16xi32>
        %add3A_959 = arith.constant 0 : i32
        %add3A_960 = vector.broadcast %add3A_959 : i32 to vector<16xi32>
        %add3A_961 = arith.addi %add3A_958, %add3A_960 : vector<16xi32>
        %gather3A_962 = tpu.vector_load_idx %arg15[%broadcast_in_dim3A_956, %add3A_961] : memref<352x128xf32, #tpu.memory_space<vmem>>[vector<16xi32>, vector<16xi32>], vector<16xf32>,
        %add3A_963 = arith.constant 16 : i32
        %add3A_964 = vector.broadcast %add3A_963 : i32 to vector<16xi32>
        %add3A_965 = arith.addi %add3A_958, %add3A_964 : vector<16xi32>
        %gather3A_966 = tpu.vector_load_idx %arg15[%broadcast_in_dim3A_956, %add3A_965] : memref<352x128xf32, #tpu.memory_space<vmem>>[vector<16xi32>, vector<16xi32>], vector<16xf32>,
        %add3A_967 = arith.constant 32 : i32
        %add3A_968 = vector.broadcast %add3A_967 : i32 to vector<16xi32>
        %add3A_969 = arith.addi %add3A_958, %add3A_968 : vector<16xi32>
        %gather3A_970 = tpu.vector_load_idx %arg15[%broadcast_in_dim3A_956, %add3A_969] : memref<352x128xf32, #tpu.memory_space<vmem>>[vector<16xi32>, vector<16xi32>], vector<16xf32>,
        %add3A_971 = arith.constant 48 : i32
        %add3A_972 = vector.broadcast %add3A_971 : i32 to vector<16xi32>
        %add3A_973 = arith.addi %add3A_958, %add3A_972 : vector<16xi32>
        %gather3A_974 = tpu.vector_load_idx %arg15[%broadcast_in_dim3A_956, %add3A_973] : memref<352x128xf32, #tpu.memory_space<vmem>>[vector<16xi32>, vector<16xi32>], vector<16xf32>,
        %mul3A_975 = arith.mulf %gather3A_331, %gather3A_962 : vector<16xf32>
        %mul3A_976 = arith.mulf %gather3A_335, %gather3A_966 : vector<16xf32>
        %add3A_977 = arith.addf %mul3A_975, %mul3A_976 : vector<16xf32>
        %mul3A_978 = arith.mulf %gather3A_339, %gather3A_970 : vector<16xf32>
        %add3A_979 = arith.addf %add3A_977, %mul3A_978 : vector<16xf32>
        %mul3A_980 = arith.mulf %gather3A_343, %gather3A_974 : vector<16xf32>
        %add3A_981 = arith.addf %add3A_979, %mul3A_980 : vector<16xf32>
        %broadcast_in_dim3A_982 = arith.constant true
        %broadcast_in_dim3A_983 = vector.broadcast %broadcast_in_dim3A_982 : i1 to vector<16xi1>
        %masked_cumsum3A_984 = tpu.scan <sum>, %add3A_981 masked %broadcast_in_dim3A_983 : vector<16xf32>, vector<16xi1> -> vector<16xf32>
        %neg3A_985 = arith.constant 0.000000e+00 : f32
        %neg3A_986 = vector.broadcast %neg3A_985 : f32 to vector<16xf32>
        %neg3A_987 = arith.subf %neg3A_986, %masked_cumsum3A_984 : vector<16xf32>
        tpu.vector_store_idx %arg17[%broadcast_in_dim3A_37, %broadcast_in_dim3A_324], %neg3A_987 masked %eq3A_6 : memref<21x512xf32, #tpu.memory_space<vmem>>[vector<16xi32>, vector<16xi32>], vector<16xf32>, vector<16xi1>
        %mul3A_988 = arith.constant 20 : i32
        %mul3A_989 = arith.muli %scan3A_318, %mul3A_988 : i32
        %add3A_990 = arith.constant 32 : i32
        %add3A_991 = arith.addi %add3A_990, %mul3A_989 : i32
        %add3A_992 = arith.constant 16 : i32
        %add3A_993 = arith.addi %add3A_991, %add3A_992 : i32
        %broadcast_in_dim3A_994 = vector.broadcast %add3A_993 : i32 to vector<16xi32>
        %gather3A_995 = tpu.vector_load_idx %arg14[%broadcast_in_dim3A_39, %broadcast_in_dim3A_324] : memref<20x512xi32, #tpu.memory_space<vmem>>[vector<16xi32>, vector<16xi32>], vector<16xi32>,
        %add3A_996 = arith.addi %gather3A_995, %iota3A : vector<16xi32>
        %add3A_997 = arith.constant 0 : i32
        %add3A_998 = vector.broadcast %add3A_997 : i32 to vector<16xi32>
        %add3A_999 = arith.addi %add3A_996, %add3A_998 : vector<16xi32>
        %gather3A_1000 = tpu.vector_load_idx %arg15[%broadcast_in_dim3A_994, %add3A_999] : memref<352x128xf32, #tpu.memory_space<vmem>>[vector<16xi32>, vector<16xi32>], vector<16xf32>,
        %add3A_1001 = arith.constant 16 : i32
        %add3A_1002 = vector.broadcast %add3A_1001 : i32 to vector<16xi32>
        %add3A_1003 = arith.addi %add3A_996, %add3A_1002 : vector<16xi32>
        %gather3A_1004 = tpu.vector_load_idx %arg15[%broadcast_in_dim3A_994, %add3A_1003] : memref<352x128xf32, #tpu.memory_space<vmem>>[vector<16xi32>, vector<16xi32>], vector<16xf32>,
        %add3A_1005 = arith.constant 32 : i32
        %add3A_1006 = vector.broadcast %add3A_1005 : i32 to vector<16xi32>
        %add3A_1007 = arith.addi %add3A_996, %add3A_1006 : vector<16xi32>
        %gather3A_1008 = tpu.vector_load_idx %arg15[%broadcast_in_dim3A_994, %add3A_1007] : memref<352x128xf32, #tpu.memory_space<vmem>>[vector<16xi32>, vector<16xi32>], vector<16xf32>,
        %add3A_1009 = arith.constant 48 : i32
        %add3A_1010 = vector.broadcast %add3A_1009 : i32 to vector<16xi32>
        %add3A_1011 = arith.addi %add3A_996, %add3A_1010 : vector<16xi32>
        %gather3A_1012 = tpu.vector_load_idx %arg15[%broadcast_in_dim3A_994, %add3A_1011] : memref<352x128xf32, #tpu.memory_space<vmem>>[vector<16xi32>, vector<16xi32>], vector<16xf32>,
        %mul3A_1013 = arith.mulf %gather3A_331, %gather3A_1000 : vector<16xf32>
        %mul3A_1014 = arith.mulf %gather3A_335, %gather3A_1004 : vector<16xf32>
        %add3A_1015 = arith.addf %mul3A_1013, %mul3A_1014 : vector<16xf32>
        %mul3A_1016 = arith.mulf %gather3A_339, %gather3A_1008 : vector<16xf32>
        %add3A_1017 = arith.addf %add3A_1015, %mul3A_1016 : vector<16xf32>
        %mul3A_1018 = arith.mulf %gather3A_343, %gather3A_1012 : vector<16xf32>
        %add3A_1019 = arith.addf %add3A_1017, %mul3A_1018 : vector<16xf32>
        %broadcast_in_dim3A_1020 = arith.constant true
        %broadcast_in_dim3A_1021 = vector.broadcast %broadcast_in_dim3A_1020 : i1 to vector<16xi1>
        %masked_cumsum3A_1022 = tpu.scan <sum>, %add3A_1019 masked %broadcast_in_dim3A_1021 : vector<16xf32>, vector<16xi1> -> vector<16xf32>
        %neg3A_1023 = arith.constant 0.000000e+00 : f32
        %neg3A_1024 = vector.broadcast %neg3A_1023 : f32 to vector<16xf32>
        %neg3A_1025 = arith.subf %neg3A_1024, %masked_cumsum3A_1022 : vector<16xf32>
        tpu.vector_store_idx %arg17[%broadcast_in_dim3A_39, %broadcast_in_dim3A_324], %neg3A_1025 masked %eq3A_6 : memref<21x512xf32, #tpu.memory_space<vmem>>[vector<16xi32>, vector<16xi32>], vector<16xf32>, vector<16xi1>
        %mul3A_1026 = arith.constant 20 : i32
        %mul3A_1027 = arith.muli %scan3A_318, %mul3A_1026 : i32
        %add3A_1028 = arith.constant 32 : i32
        %add3A_1029 = arith.addi %add3A_1028, %mul3A_1027 : i32
        %add3A_1030 = arith.constant 17 : i32
        %add3A_1031 = arith.addi %add3A_1029, %add3A_1030 : i32
        %broadcast_in_dim3A_1032 = vector.broadcast %add3A_1031 : i32 to vector<16xi32>
        %gather3A_1033 = tpu.vector_load_idx %arg14[%broadcast_in_dim3A_41, %broadcast_in_dim3A_324] : memref<20x512xi32, #tpu.memory_space<vmem>>[vector<16xi32>, vector<16xi32>], vector<16xi32>,
        %add3A_1034 = arith.addi %gather3A_1033, %iota3A : vector<16xi32>
        %add3A_1035 = arith.constant 0 : i32
        %add3A_1036 = vector.broadcast %add3A_1035 : i32 to vector<16xi32>
        %add3A_1037 = arith.addi %add3A_1034, %add3A_1036 : vector<16xi32>
        %gather3A_1038 = tpu.vector_load_idx %arg15[%broadcast_in_dim3A_1032, %add3A_1037] : memref<352x128xf32, #tpu.memory_space<vmem>>[vector<16xi32>, vector<16xi32>], vector<16xf32>,
        %add3A_1039 = arith.constant 16 : i32
        %add3A_1040 = vector.broadcast %add3A_1039 : i32 to vector<16xi32>
        %add3A_1041 = arith.addi %add3A_1034, %add3A_1040 : vector<16xi32>
        %gather3A_1042 = tpu.vector_load_idx %arg15[%broadcast_in_dim3A_1032, %add3A_1041] : memref<352x128xf32, #tpu.memory_space<vmem>>[vector<16xi32>, vector<16xi32>], vector<16xf32>,
        %add3A_1043 = arith.constant 32 : i32
        %add3A_1044 = vector.broadcast %add3A_1043 : i32 to vector<16xi32>
        %add3A_1045 = arith.addi %add3A_1034, %add3A_1044 : vector<16xi32>
        %gather3A_1046 = tpu.vector_load_idx %arg15[%broadcast_in_dim3A_1032, %add3A_1045] : memref<352x128xf32, #tpu.memory_space<vmem>>[vector<16xi32>, vector<16xi32>], vector<16xf32>,
        %add3A_1047 = arith.constant 48 : i32
        %add3A_1048 = vector.broadcast %add3A_1047 : i32 to vector<16xi32>
        %add3A_1049 = arith.addi %add3A_1034, %add3A_1048 : vector<16xi32>
        %gather3A_1050 = tpu.vector_load_idx %arg15[%broadcast_in_dim3A_1032, %add3A_1049] : memref<352x128xf32, #tpu.memory_space<vmem>>[vector<16xi32>, vector<16xi32>], vector<16xf32>,
        %mul3A_1051 = arith.mulf %gather3A_331, %gather3A_1038 : vector<16xf32>
        %mul3A_1052 = arith.mulf %gather3A_335, %gather3A_1042 : vector<16xf32>
        %add3A_1053 = arith.addf %mul3A_1051, %mul3A_1052 : vector<16xf32>
        %mul3A_1054 = arith.mulf %gather3A_339, %gather3A_1046 : vector<16xf32>
        %add3A_1055 = arith.addf %add3A_1053, %mul3A_1054 : vector<16xf32>
        %mul3A_1056 = arith.mulf %gather3A_343, %gather3A_1050 : vector<16xf32>
        %add3A_1057 = arith.addf %add3A_1055, %mul3A_1056 : vector<16xf32>
        %broadcast_in_dim3A_1058 = arith.constant true
        %broadcast_in_dim3A_1059 = vector.broadcast %broadcast_in_dim3A_1058 : i1 to vector<16xi1>
        %masked_cumsum3A_1060 = tpu.scan <sum>, %add3A_1057 masked %broadcast_in_dim3A_1059 : vector<16xf32>, vector<16xi1> -> vector<16xf32>
        %neg3A_1061 = arith.constant 0.000000e+00 : f32
        %neg3A_1062 = vector.broadcast %neg3A_1061 : f32 to vector<16xf32>
        %neg3A_1063 = arith.subf %neg3A_1062, %masked_cumsum3A_1060 : vector<16xf32>
        tpu.vector_store_idx %arg17[%broadcast_in_dim3A_41, %broadcast_in_dim3A_324], %neg3A_1063 masked %eq3A_6 : memref<21x512xf32, #tpu.memory_space<vmem>>[vector<16xi32>, vector<16xi32>], vector<16xf32>, vector<16xi1>
        %mul3A_1064 = arith.constant 20 : i32
        %mul3A_1065 = arith.muli %scan3A_318, %mul3A_1064 : i32
        %add3A_1066 = arith.constant 32 : i32
        %add3A_1067 = arith.addi %add3A_1066, %mul3A_1065 : i32
        %add3A_1068 = arith.constant 18 : i32
        %add3A_1069 = arith.addi %add3A_1067, %add3A_1068 : i32
        %broadcast_in_dim3A_1070 = vector.broadcast %add3A_1069 : i32 to vector<16xi32>
        %gather3A_1071 = tpu.vector_load_idx %arg14[%broadcast_in_dim3A_43, %broadcast_in_dim3A_324] : memref<20x512xi32, #tpu.memory_space<vmem>>[vector<16xi32>, vector<16xi32>], vector<16xi32>,
        %add3A_1072 = arith.addi %gather3A_1071, %iota3A : vector<16xi32>
        %add3A_1073 = arith.constant 0 : i32
        %add3A_1074 = vector.broadcast %add3A_1073 : i32 to vector<16xi32>
        %add3A_1075 = arith.addi %add3A_1072, %add3A_1074 : vector<16xi32>
        %gather3A_1076 = tpu.vector_load_idx %arg15[%broadcast_in_dim3A_1070, %add3A_1075] : memref<352x128xf32, #tpu.memory_space<vmem>>[vector<16xi32>, vector<16xi32>], vector<16xf32>,
        %add3A_1077 = arith.constant 16 : i32
        %add3A_1078 = vector.broadcast %add3A_1077 : i32 to vector<16xi32>
        %add3A_1079 = arith.addi %add3A_1072, %add3A_1078 : vector<16xi32>
        %gather3A_1080 = tpu.vector_load_idx %arg15[%broadcast_in_dim3A_1070, %add3A_1079] : memref<352x128xf32, #tpu.memory_space<vmem>>[vector<16xi32>, vector<16xi32>], vector<16xf32>,
        %add3A_1081 = arith.constant 32 : i32
        %add3A_1082 = vector.broadcast %add3A_1081 : i32 to vector<16xi32>
        %add3A_1083 = arith.addi %add3A_1072, %add3A_1082 : vector<16xi32>
        %gather3A_1084 = tpu.vector_load_idx %arg15[%broadcast_in_dim3A_1070, %add3A_1083] : memref<352x128xf32, #tpu.memory_space<vmem>>[vector<16xi32>, vector<16xi32>], vector<16xf32>,
        %add3A_1085 = arith.constant 48 : i32
        %add3A_1086 = vector.broadcast %add3A_1085 : i32 to vector<16xi32>
        %add3A_1087 = arith.addi %add3A_1072, %add3A_1086 : vector<16xi32>
        %gather3A_1088 = tpu.vector_load_idx %arg15[%broadcast_in_dim3A_1070, %add3A_1087] : memref<352x128xf32, #tpu.memory_space<vmem>>[vector<16xi32>, vector<16xi32>], vector<16xf32>,
        %mul3A_1089 = arith.mulf %gather3A_331, %gather3A_1076 : vector<16xf32>
        %mul3A_1090 = arith.mulf %gather3A_335, %gather3A_1080 : vector<16xf32>
        %add3A_1091 = arith.addf %mul3A_1089, %mul3A_1090 : vector<16xf32>
        %mul3A_1092 = arith.mulf %gather3A_339, %gather3A_1084 : vector<16xf32>
        %add3A_1093 = arith.addf %add3A_1091, %mul3A_1092 : vector<16xf32>
        %mul3A_1094 = arith.mulf %gather3A_343, %gather3A_1088 : vector<16xf32>
        %add3A_1095 = arith.addf %add3A_1093, %mul3A_1094 : vector<16xf32>
        %broadcast_in_dim3A_1096 = arith.constant true
        %broadcast_in_dim3A_1097 = vector.broadcast %broadcast_in_dim3A_1096 : i1 to vector<16xi1>
        %masked_cumsum3A_1098 = tpu.scan <sum>, %add3A_1095 masked %broadcast_in_dim3A_1097 : vector<16xf32>, vector<16xi1> -> vector<16xf32>
        %neg3A_1099 = arith.constant 0.000000e+00 : f32
        %neg3A_1100 = vector.broadcast %neg3A_1099 : f32 to vector<16xf32>
        %neg3A_1101 = arith.subf %neg3A_1100, %masked_cumsum3A_1098 : vector<16xf32>
        tpu.vector_store_idx %arg17[%broadcast_in_dim3A_43, %broadcast_in_dim3A_324], %neg3A_1101 masked %eq3A_6 : memref<21x512xf32, #tpu.memory_space<vmem>>[vector<16xi32>, vector<16xi32>], vector<16xf32>, vector<16xi1>
        %mul3A_1102 = arith.constant 20 : i32
        %mul3A_1103 = arith.muli %scan3A_318, %mul3A_1102 : i32
        %add3A_1104 = arith.constant 32 : i32
        %add3A_1105 = arith.addi %add3A_1104, %mul3A_1103 : i32
        %add3A_1106 = arith.constant 19 : i32
        %add3A_1107 = arith.addi %add3A_1105, %add3A_1106 : i32
        %broadcast_in_dim3A_1108 = vector.broadcast %add3A_1107 : i32 to vector<16xi32>
        %gather3A_1109 = tpu.vector_load_idx %arg14[%broadcast_in_dim3A_45, %broadcast_in_dim3A_324] : memref<20x512xi32, #tpu.memory_space<vmem>>[vector<16xi32>, vector<16xi32>], vector<16xi32>,
        %add3A_1110 = arith.addi %gather3A_1109, %iota3A : vector<16xi32>
        %add3A_1111 = arith.constant 0 : i32
        %add3A_1112 = vector.broadcast %add3A_1111 : i32 to vector<16xi32>
        %add3A_1113 = arith.addi %add3A_1110, %add3A_1112 : vector<16xi32>
        %gather3A_1114 = tpu.vector_load_idx %arg15[%broadcast_in_dim3A_1108, %add3A_1113] : memref<352x128xf32, #tpu.memory_space<vmem>>[vector<16xi32>, vector<16xi32>], vector<16xf32>,
        %add3A_1115 = arith.constant 16 : i32
        %add3A_1116 = vector.broadcast %add3A_1115 : i32 to vector<16xi32>
        %add3A_1117 = arith.addi %add3A_1110, %add3A_1116 : vector<16xi32>
        %gather3A_1118 = tpu.vector_load_idx %arg15[%broadcast_in_dim3A_1108, %add3A_1117] : memref<352x128xf32, #tpu.memory_space<vmem>>[vector<16xi32>, vector<16xi32>], vector<16xf32>,
        %add3A_1119 = arith.constant 32 : i32
        %add3A_1120 = vector.broadcast %add3A_1119 : i32 to vector<16xi32>
        %add3A_1121 = arith.addi %add3A_1110, %add3A_1120 : vector<16xi32>
        %gather3A_1122 = tpu.vector_load_idx %arg15[%broadcast_in_dim3A_1108, %add3A_1121] : memref<352x128xf32, #tpu.memory_space<vmem>>[vector<16xi32>, vector<16xi32>], vector<16xf32>,
        %add3A_1123 = arith.constant 48 : i32
        %add3A_1124 = vector.broadcast %add3A_1123 : i32 to vector<16xi32>
        %add3A_1125 = arith.addi %add3A_1110, %add3A_1124 : vector<16xi32>
        %gather3A_1126 = tpu.vector_load_idx %arg15[%broadcast_in_dim3A_1108, %add3A_1125] : memref<352x128xf32, #tpu.memory_space<vmem>>[vector<16xi32>, vector<16xi32>], vector<16xf32>,
        %mul3A_1127 = arith.mulf %gather3A_331, %gather3A_1114 : vector<16xf32>
        %mul3A_1128 = arith.mulf %gather3A_335, %gather3A_1118 : vector<16xf32>
        %add3A_1129 = arith.addf %mul3A_1127, %mul3A_1128 : vector<16xf32>
        %mul3A_1130 = arith.mulf %gather3A_339, %gather3A_1122 : vector<16xf32>
        %add3A_1131 = arith.addf %add3A_1129, %mul3A_1130 : vector<16xf32>
        %mul3A_1132 = arith.mulf %gather3A_343, %gather3A_1126 : vector<16xf32>
        %add3A_1133 = arith.addf %add3A_1131, %mul3A_1132 : vector<16xf32>
        %broadcast_in_dim3A_1134 = arith.constant true
        %broadcast_in_dim3A_1135 = vector.broadcast %broadcast_in_dim3A_1134 : i1 to vector<16xi1>
        %masked_cumsum3A_1136 = tpu.scan <sum>, %add3A_1133 masked %broadcast_in_dim3A_1135 : vector<16xf32>, vector<16xi1> -> vector<16xf32>
        %neg3A_1137 = arith.constant 0.000000e+00 : f32
        %neg3A_1138 = vector.broadcast %neg3A_1137 : f32 to vector<16xf32>
        %neg3A_1139 = arith.subf %neg3A_1138, %masked_cumsum3A_1136 : vector<16xf32>
        tpu.vector_store_idx %arg17[%broadcast_in_dim3A_45, %broadcast_in_dim3A_324], %neg3A_1139 masked %eq3A_6 : memref<21x512xf32, #tpu.memory_space<vmem>>[vector<16xi32>, vector<16xi32>], vector<16xf32>, vector<16xi1>
        %scan3A_1140 = arith.constant 0 : i32
        scf.yield %scan3A_1140 : i32
      }
      %scan3A_215 = arith.constant 16 : i32
      %add3A_216 = arith.constant 2 : i32
      %add3A_217 = arith.addi %mul3A_121, %add3A_216 : i32
      %min3A_218 = arith.constant 31 : i32
      %min3A_219 = arith.minsi %add3A_217, %min3A_218 : i32
      %mul3A_220 = arith.constant 16 : i32
      %mul3A_221 = arith.muli %min3A_219, %mul3A_220 : i32
      %mul3A_222 = arith.constant 336 : i32
      %mul3A_223 = arith.muli %min3A_219, %mul3A_222 : i32
      %add3A_224 = arith.constant 0 : i32
      %add3A_225 = arith.addi %mul3A_223, %add3A_224 : i32
      %mul3A_226 = arith.constant 336 : i32
      %mul3A_227 = arith.muli %min3A_219, %mul3A_226 : i32
      %add3A_228 = arith.constant 128 : i32
      %add3A_229 = arith.addi %mul3A_227, %add3A_228 : i32
      %mul3A_230 = arith.constant 336 : i32
      %mul3A_231 = arith.muli %min3A_219, %mul3A_230 : i32
      %add3A_232 = arith.constant 256 : i32
      %add3A_233 = arith.addi %mul3A_231, %add3A_232 : i32
      %dma_start3A_234 = arith.constant 0 : i32
      %dma_start3A_235 = arith.constant 0 : i32
      %dma_start3A_236 = tpu.memref_slice %arg15[%dma_start3A_234, %dma_start3A_235] : memref<352x128xf32, #tpu.memory_space<vmem>> -> memref<16x128xf32, #tpu.memory_space<vmem>>
      %dma_start3A_237 = tpu.memref_slice %arg10[%mul3A_221] : memref<512xi32, #tpu.memory_space<vmem>> -> memref<16xi32, #tpu.memory_space<vmem>>
      %dma_start3A_238 = arith.constant 0 : i32
      %dma_start3A_239 = arith.constant 0 : i32
      %dma_start3A_240 = tpu.memref_slice %arg7[%dma_start3A_238, %dma_start3A_239] : memref<512000x128xf32, #tpu.memory_space<hbm>> -> memref<512000x128xf32, #tpu.memory_space<hbm>>
      tpu.enqueue_indirect_dma source(%dma_start3A_240 : memref<512000x128xf32, #tpu.memory_space<hbm>>) target(%dma_start3A_236 : memref<16x128xf32, #tpu.memory_space<vmem>>) offsets(%dma_start3A_237 : memref<16xi32, #tpu.memory_space<vmem>>) semaphore(%arg18 : memref<!tpu.dma_semaphore, #tpu.memory_space<semaphore_mem>>)
      %dma_start3A_241 = arith.constant 16 : i32
      %dma_start3A_242 = arith.constant 0 : i32
      %dma_start3A_243 = tpu.memref_slice %arg15[%dma_start3A_241, %dma_start3A_242] : memref<352x128xf32, #tpu.memory_space<vmem>> -> memref<128x128xf32, #tpu.memory_space<vmem>>
      %dma_start3A_244 = tpu.memref_slice %arg11[%add3A_225] : memref<10752xi32, #tpu.memory_space<vmem>> -> memref<128xi32, #tpu.memory_space<vmem>>
      %dma_start3A_245 = arith.constant 0 : i32
      %dma_start3A_246 = arith.constant 0 : i32
      %dma_start3A_247 = tpu.memref_slice %arg8[%dma_start3A_245, %dma_start3A_246] : memref<512000x128xf32, #tpu.memory_space<hbm>> -> memref<512000x128xf32, #tpu.memory_space<hbm>>
      tpu.enqueue_indirect_dma source(%dma_start3A_247 : memref<512000x128xf32, #tpu.memory_space<hbm>>) target(%dma_start3A_243 : memref<128x128xf32, #tpu.memory_space<vmem>>) offsets(%dma_start3A_244 : memref<128xi32, #tpu.memory_space<vmem>>) semaphore(%arg18 : memref<!tpu.dma_semaphore, #tpu.memory_space<semaphore_mem>>)
      %dma_start3A_248 = arith.constant 144 : i32
      %dma_start3A_249 = arith.constant 0 : i32
      %dma_start3A_250 = tpu.memref_slice %arg15[%dma_start3A_248, %dma_start3A_249] : memref<352x128xf32, #tpu.memory_space<vmem>> -> memref<128x128xf32, #tpu.memory_space<vmem>>
      %dma_start3A_251 = tpu.memref_slice %arg11[%add3A_229] : memref<10752xi32, #tpu.memory_space<vmem>> -> memref<128xi32, #tpu.memory_space<vmem>>
      %dma_start3A_252 = arith.constant 0 : i32
      %dma_start3A_253 = arith.constant 0 : i32
      %dma_start3A_254 = tpu.memref_slice %arg8[%dma_start3A_252, %dma_start3A_253] : memref<512000x128xf32, #tpu.memory_space<hbm>> -> memref<512000x128xf32, #tpu.memory_space<hbm>>
      tpu.enqueue_indirect_dma source(%dma_start3A_254 : memref<512000x128xf32, #tpu.memory_space<hbm>>) target(%dma_start3A_250 : memref<128x128xf32, #tpu.memory_space<vmem>>) offsets(%dma_start3A_251 : memref<128xi32, #tpu.memory_space<vmem>>) semaphore(%arg18 : memref<!tpu.dma_semaphore, #tpu.memory_space<semaphore_mem>>)
      %dma_start3A_255 = arith.constant 272 : i32
      %dma_start3A_256 = arith.constant 0 : i32
      %dma_start3A_257 = tpu.memref_slice %arg15[%dma_start3A_255, %dma_start3A_256] : memref<352x128xf32, #tpu.memory_space<vmem>> -> memref<80x128xf32, #tpu.memory_space<vmem>>
      %dma_start3A_258 = tpu.memref_slice %arg11[%add3A_233] : memref<10752xi32, #tpu.memory_space<vmem>> -> memref<80xi32, #tpu.memory_space<vmem>>
      %dma_start3A_259 = arith.constant 0 : i32
      %dma_start3A_260 = arith.constant 0 : i32
      %dma_start3A_261 = tpu.memref_slice %arg8[%dma_start3A_259, %dma_start3A_260] : memref<512000x128xf32, #tpu.memory_space<hbm>> -> memref<512000x128xf32, #tpu.memory_space<hbm>>
      tpu.enqueue_indirect_dma source(%dma_start3A_261 : memref<512000x128xf32, #tpu.memory_space<hbm>>) target(%dma_start3A_257 : memref<80x128xf32, #tpu.memory_space<vmem>>) offsets(%dma_start3A_258 : memref<80xi32, #tpu.memory_space<vmem>>) semaphore(%arg18 : memref<!tpu.dma_semaphore, #tpu.memory_space<semaphore_mem>>)
      %add3A_262 = arith.constant 1 : i32
      %add3A_263 = arith.addi %mul3A_121, %add3A_262 : i32
      %min3A_264 = arith.constant 31 : i32
      %min3A_265 = arith.minsi %add3A_263, %min3A_264 : i32
      %mul3A_266 = arith.constant 16 : i32
      %mul3A_267 = arith.muli %min3A_265, %mul3A_266 : i32
      %mul3A_268 = arith.constant 336 : i32
      %mul3A_269 = arith.muli %min3A_265, %mul3A_268 : i32
      %add3A_270 = arith.constant 0 : i32
      %add3A_271 = arith.addi %mul3A_269, %add3A_270 : i32
      %mul3A_272 = arith.constant 336 : i32
      %mul3A_273 = arith.muli %min3A_265, %mul3A_272 : i32
      %add3A_274 = arith.constant 128 : i32
      %add3A_275 = arith.addi %mul3A_273, %add3A_274 : i32
      %mul3A_276 = arith.constant 336 : i32
      %mul3A_277 = arith.muli %min3A_265, %mul3A_276 : i32
      %add3A_278 = arith.constant 256 : i32
      %add3A_279 = arith.addi %mul3A_277, %add3A_278 : i32
      %dma_wait3A_280 = arith.constant 0 : i32
      %dma_wait3A_281 = arith.constant 0 : i32
      %dma_wait3A_282 = tpu.memref_slice %arg16[%dma_wait3A_280, %dma_wait3A_281] : memref<352x128xf32, #tpu.memory_space<vmem>> -> memref<16x128xf32, #tpu.memory_space<vmem>>
      %dma_wait3A_283 = tpu.memref_slice %arg10[%mul3A_267] : memref<512xi32, #tpu.memory_space<vmem>> -> memref<16xi32, #tpu.memory_space<vmem>>
      %dma_wait3A_284 = arith.constant 0 : i32
      %dma_wait3A_285 = arith.constant 0 : i32
      %dma_wait3A_286 = tpu.memref_slice %arg7[%dma_wait3A_284, %dma_wait3A_285] : memref<512000x128xf32, #tpu.memory_space<hbm>> -> memref<512000x128xf32, #tpu.memory_space<hbm>>
      tpu.wait_indirect_dma semaphore(%arg19 : memref<!tpu.dma_semaphore, #tpu.memory_space<semaphore_mem>>) src(%dma_wait3A_286 : memref<512000x128xf32, #tpu.memory_space<hbm>>) dst(%dma_wait3A_282 : memref<16x128xf32, #tpu.memory_space<vmem>>)
      %dma_wait3A_287 = arith.constant 16 : i32
      %dma_wait3A_288 = arith.constant 0 : i32
      %dma_wait3A_289 = tpu.memref_slice %arg16[%dma_wait3A_287, %dma_wait3A_288] : memref<352x128xf32, #tpu.memory_space<vmem>> -> memref<128x128xf32, #tpu.memory_space<vmem>>
      %dma_wait3A_290 = tpu.memref_slice %arg11[%add3A_271] : memref<10752xi32, #tpu.memory_space<vmem>> -> memref<128xi32, #tpu.memory_space<vmem>>
      %dma_wait3A_291 = arith.constant 0 : i32
      %dma_wait3A_292 = arith.constant 0 : i32
      %dma_wait3A_293 = tpu.memref_slice %arg8[%dma_wait3A_291, %dma_wait3A_292] : memref<512000x128xf32, #tpu.memory_space<hbm>> -> memref<512000x128xf32, #tpu.memory_space<hbm>>
      tpu.wait_indirect_dma semaphore(%arg19 : memref<!tpu.dma_semaphore, #tpu.memory_space<semaphore_mem>>) src(%dma_wait3A_293 : memref<512000x128xf32, #tpu.memory_space<hbm>>) dst(%dma_wait3A_289 : memref<128x128xf32, #tpu.memory_space<vmem>>)
      %dma_wait3A_294 = arith.constant 144 : i32
      %dma_wait3A_295 = arith.constant 0 : i32
      %dma_wait3A_296 = tpu.memref_slice %arg16[%dma_wait3A_294, %dma_wait3A_295] : memref<352x128xf32, #tpu.memory_space<vmem>> -> memref<128x128xf32, #tpu.memory_space<vmem>>
      %dma_wait3A_297 = tpu.memref_slice %arg11[%add3A_275] : memref<10752xi32, #tpu.memory_space<vmem>> -> memref<128xi32, #tpu.memory_space<vmem>>
      %dma_wait3A_298 = arith.constant 0 : i32
      %dma_wait3A_299 = arith.constant 0 : i32
      %dma_wait3A_300 = tpu.memref_slice %arg8[%dma_wait3A_298, %dma_wait3A_299] : memref<512000x128xf32, #tpu.memory_space<hbm>> -> memref<512000x128xf32, #tpu.memory_space<hbm>>
      tpu.wait_indirect_dma semaphore(%arg19 : memref<!tpu.dma_semaphore, #tpu.memory_space<semaphore_mem>>) src(%dma_wait3A_300 : memref<512000x128xf32, #tpu.memory_space<hbm>>) dst(%dma_wait3A_296 : memref<128x128xf32, #tpu.memory_space<vmem>>)
      %dma_wait3A_301 = arith.constant 272 : i32
      %dma_wait3A_302 = arith.constant 0 : i32
      %dma_wait3A_303 = tpu.memref_slice %arg16[%dma_wait3A_301, %dma_wait3A_302] : memref<352x128xf32, #tpu.memory_space<vmem>> -> memref<80x128xf32, #tpu.memory_space<vmem>>
      %dma_wait3A_304 = tpu.memref_slice %arg11[%add3A_279] : memref<10752xi32, #tpu.memory_space<vmem>> -> memref<80xi32, #tpu.memory_space<vmem>>
      %dma_wait3A_305 = arith.constant 0 : i32
      %dma_wait3A_306 = arith.constant 0 : i32
      %dma_wait3A_307 = tpu.memref_slice %arg8[%dma_wait3A_305, %dma_wait3A_306] : memref<512000x128xf32, #tpu.memory_space<hbm>> -> memref<512000x128xf32, #tpu.memory_space<hbm>>
      tpu.wait_indirect_dma semaphore(%arg19 : memref<!tpu.dma_semaphore, #tpu.memory_space<semaphore_mem>>) src(%dma_wait3A_307 : memref<512000x128xf32, #tpu.memory_space<hbm>>) dst(%dma_wait3A_303 : memref<80x128xf32, #tpu.memory_space<vmem>>)
      %add3A_308 = arith.constant 1 : i32
      %add3A_309 = arith.addi %mul3A_121, %add3A_308 : i32
      %scan3A_310 = arith.constant 0 : i32
      %scan3A_311 = arith.constant 0 : i32
      %scan3A_312 = arith.constant 16 : i32
      %scan3A_313 = arith.addi %scan3A_311, %scan3A_312 : i32
      %scan3A_314 = arith.constant 1 : i32
      %scan3A_315 = scf.for %scan3A_318 = %scan3A_311 to %scan3A_313 step %scan3A_314 iter_args(%scan3A_319 = %scan3A_310) -> (i32)  : i32 {
        %broadcast_in_dim3A_320 = vector.broadcast %scan3A_318 : i32 to vector<16xi32>
        %mul3A_321 = arith.constant 16 : i32
        %mul3A_322 = arith.muli %add3A_309, %mul3A_321 : i32
        %add3A_323 = arith.addi %mul3A_322, %scan3A_318 : i32
        %broadcast_in_dim3A_324 = vector.broadcast %add3A_323 : i32 to vector<16xi32>
        %gather3A = tpu.vector_load_idx %arg12[%broadcast_in_dim3A_324] : memref<512xi32, #tpu.memory_space<vmem>>[vector<16xi32>], vector<16xi32>,
        %add3A_325 = arith.addi %gather3A, %iota3A : vector<16xi32>
        %gather3A_326 = tpu.vector_load_idx %arg13[%broadcast_in_dim3A_324] : memref<512xi32, #tpu.memory_space<vmem>>[vector<16xi32>], vector<16xi32>,
        %add3A_327 = arith.addi %gather3A_326, %iota3A : vector<16xi32>
        %add3A_328 = arith.constant 0 : i32
        %add3A_329 = vector.broadcast %add3A_328 : i32 to vector<16xi32>
        %add3A_330 = arith.addi %add3A_325, %add3A_329 : vector<16xi32>
        %gather3A_331 = tpu.vector_load_idx %arg16[%broadcast_in_dim3A_320, %add3A_330] : memref<352x128xf32, #tpu.memory_space<vmem>>[vector<16xi32>, vector<16xi32>], vector<16xf32>,
        %add3A_332 = arith.constant 16 : i32
        %add3A_333 = vector.broadcast %add3A_332 : i32 to vector<16xi32>
        %add3A_334 = arith.addi %add3A_325, %add3A_333 : vector<16xi32>
        %gather3A_335 = tpu.vector_load_idx %arg16[%broadcast_in_dim3A_320, %add3A_334] : memref<352x128xf32, #tpu.memory_space<vmem>>[vector<16xi32>, vector<16xi32>], vector<16xf32>,
        %add3A_336 = arith.constant 32 : i32
        %add3A_337 = vector.broadcast %add3A_336 : i32 to vector<16xi32>
        %add3A_338 = arith.addi %add3A_325, %add3A_337 : vector<16xi32>
        %gather3A_339 = tpu.vector_load_idx %arg16[%broadcast_in_dim3A_320, %add3A_338] : memref<352x128xf32, #tpu.memory_space<vmem>>[vector<16xi32>, vector<16xi32>], vector<16xf32>,
        %add3A_340 = arith.constant 48 : i32
        %add3A_341 = vector.broadcast %add3A_340 : i32 to vector<16xi32>
        %add3A_342 = arith.addi %add3A_325, %add3A_341 : vector<16xi32>
        %gather3A_343 = tpu.vector_load_idx %arg16[%broadcast_in_dim3A_320, %add3A_342] : memref<352x128xf32, #tpu.memory_space<vmem>>[vector<16xi32>, vector<16xi32>], vector<16xf32>,
        %add3A_344 = arith.constant 16 : i32
        %add3A_345 = vector.broadcast %add3A_344 : i32 to vector<16xi32>
        %add3A_346 = arith.addi %broadcast_in_dim3A_320, %add3A_345 : vector<16xi32>
        %add3A_347 = arith.constant 0 : i32
        %add3A_348 = vector.broadcast %add3A_347 : i32 to vector<16xi32>
        %add3A_349 = arith.addi %add3A_327, %add3A_348 : vector<16xi32>
        %gather3A_350 = tpu.vector_load_idx %arg16[%add3A_346, %add3A_349] : memref<352x128xf32, #tpu.memory_space<vmem>>[vector<16xi32>, vector<16xi32>], vector<16xf32>,
        %add3A_351 = arith.constant 16 : i32
        %add3A_352 = vector.broadcast %add3A_351 : i32 to vector<16xi32>
        %add3A_353 = arith.addi %broadcast_in_dim3A_320, %add3A_352 : vector<16xi32>
        %add3A_354 = arith.constant 16 : i32
        %add3A_355 = vector.broadcast %add3A_354 : i32 to vector<16xi32>
        %add3A_356 = arith.addi %add3A_327, %add3A_355 : vector<16xi32>
        %gather3A_357 = tpu.vector_load_idx %arg16[%add3A_353, %add3A_356] : memref<352x128xf32, #tpu.memory_space<vmem>>[vector<16xi32>, vector<16xi32>], vector<16xf32>,
        %add3A_358 = arith.constant 16 : i32
        %add3A_359 = vector.broadcast %add3A_358 : i32 to vector<16xi32>
        %add3A_360 = arith.addi %broadcast_in_dim3A_320, %add3A_359 : vector<16xi32>
        %add3A_361 = arith.constant 32 : i32
        %add3A_362 = vector.broadcast %add3A_361 : i32 to vector<16xi32>
        %add3A_363 = arith.addi %add3A_327, %add3A_362 : vector<16xi32>
        %gather3A_364 = tpu.vector_load_idx %arg16[%add3A_360, %add3A_363] : memref<352x128xf32, #tpu.memory_space<vmem>>[vector<16xi32>, vector<16xi32>], vector<16xf32>,
        %add3A_365 = arith.constant 16 : i32
        %add3A_366 = vector.broadcast %add3A_365 : i32 to vector<16xi32>
        %add3A_367 = arith.addi %broadcast_in_dim3A_320, %add3A_366 : vector<16xi32>
        %add3A_368 = arith.constant 48 : i32
        %add3A_369 = vector.broadcast %add3A_368 : i32 to vector<16xi32>
        %add3A_370 = arith.addi %add3A_327, %add3A_369 : vector<16xi32>
        %gather3A_371 = tpu.vector_load_idx %arg16[%add3A_367, %add3A_370] : memref<352x128xf32, #tpu.memory_space<vmem>>[vector<16xi32>, vector<16xi32>], vector<16xf32>,
        %mul3A_372 = arith.mulf %gather3A_331, %gather3A_350 : vector<16xf32>
        %mul3A_373 = arith.mulf %gather3A_335, %gather3A_357 : vector<16xf32>
        %add3A_374 = arith.addf %mul3A_372, %mul3A_373 : vector<16xf32>
        %mul3A_375 = arith.mulf %gather3A_339, %gather3A_364 : vector<16xf32>
        %add3A_376 = arith.addf %add3A_374, %mul3A_375 : vector<16xf32>
        %mul3A_377 = arith.mulf %gather3A_343, %gather3A_371 : vector<16xf32>
        %add3A_378 = arith.addf %add3A_376, %mul3A_377 : vector<16xf32>
        %broadcast_in_dim3A_379 = arith.constant true
        %broadcast_in_dim3A_380 = vector.broadcast %broadcast_in_dim3A_379 : i1 to vector<16xi1>
        %masked_cumsum3A = tpu.scan <sum>, %add3A_378 masked %broadcast_in_dim3A_380 : vector<16xf32>, vector<16xi1> -> vector<16xf32>
        tpu.vector_store_idx %arg17[%broadcast_in_dim3A_47, %broadcast_in_dim3A_324], %masked_cumsum3A masked %eq3A_6 : memref<21x512xf32, #tpu.memory_space<vmem>>[vector<16xi32>, vector<16xi32>], vector<16xf32>, vector<16xi1>
        %mul3A_381 = arith.constant 20 : i32
        %mul3A_382 = arith.muli %scan3A_318, %mul3A_381 : i32
        %add3A_383 = arith.constant 32 : i32
        %add3A_384 = arith.addi %add3A_383, %mul3A_382 : i32
        %add3A_385 = arith.constant 0 : i32
        %add3A_386 = arith.addi %add3A_384, %add3A_385 : i32
        %broadcast_in_dim3A_387 = vector.broadcast %add3A_386 : i32 to vector<16xi32>
        %gather3A_388 = tpu.vector_load_idx %arg14[%broadcast_in_dim3A_7, %broadcast_in_dim3A_324] : memref<20x512xi32, #tpu.memory_space<vmem>>[vector<16xi32>, vector<16xi32>], vector<16xi32>,
        %add3A_389 = arith.addi %gather3A_388, %iota3A : vector<16xi32>
        %add3A_390 = arith.constant 0 : i32
        %add3A_391 = vector.broadcast %add3A_390 : i32 to vector<16xi32>
        %add3A_392 = arith.addi %add3A_389, %add3A_391 : vector<16xi32>
        %gather3A_393 = tpu.vector_load_idx %arg16[%broadcast_in_dim3A_387, %add3A_392] : memref<352x128xf32, #tpu.memory_space<vmem>>[vector<16xi32>, vector<16xi32>], vector<16xf32>,
        %add3A_394 = arith.constant 16 : i32
        %add3A_395 = vector.broadcast %add3A_394 : i32 to vector<16xi32>
        %add3A_396 = arith.addi %add3A_389, %add3A_395 : vector<16xi32>
        %gather3A_397 = tpu.vector_load_idx %arg16[%broadcast_in_dim3A_387, %add3A_396] : memref<352x128xf32, #tpu.memory_space<vmem>>[vector<16xi32>, vector<16xi32>], vector<16xf32>,
        %add3A_398 = arith.constant 32 : i32
        %add3A_399 = vector.broadcast %add3A_398 : i32 to vector<16xi32>
        %add3A_400 = arith.addi %add3A_389, %add3A_399 : vector<16xi32>
        %gather3A_401 = tpu.vector_load_idx %arg16[%broadcast_in_dim3A_387, %add3A_400] : memref<352x128xf32, #tpu.memory_space<vmem>>[vector<16xi32>, vector<16xi32>], vector<16xf32>,
        %add3A_402 = arith.constant 48 : i32
        %add3A_403 = vector.broadcast %add3A_402 : i32 to vector<16xi32>
        %add3A_404 = arith.addi %add3A_389, %add3A_403 : vector<16xi32>
        %gather3A_405 = tpu.vector_load_idx %arg16[%broadcast_in_dim3A_387, %add3A_404] : memref<352x128xf32, #tpu.memory_space<vmem>>[vector<16xi32>, vector<16xi32>], vector<16xf32>,
        %mul3A_406 = arith.mulf %gather3A_331, %gather3A_393 : vector<16xf32>
        %mul3A_407 = arith.mulf %gather3A_335, %gather3A_397 : vector<16xf32>
        %add3A_408 = arith.addf %mul3A_406, %mul3A_407 : vector<16xf32>
        %mul3A_409 = arith.mulf %gather3A_339, %gather3A_401 : vector<16xf32>
        %add3A_410 = arith.addf %add3A_408, %mul3A_409 : vector<16xf32>
        %mul3A_411 = arith.mulf %gather3A_343, %gather3A_405 : vector<16xf32>
        %add3A_412 = arith.addf %add3A_410, %mul3A_411 : vector<16xf32>
        %broadcast_in_dim3A_413 = arith.constant true
        %broadcast_in_dim3A_414 = vector.broadcast %broadcast_in_dim3A_413 : i1 to vector<16xi1>
        %masked_cumsum3A_415 = tpu.scan <sum>, %add3A_412 masked %broadcast_in_dim3A_414 : vector<16xf32>, vector<16xi1> -> vector<16xf32>
        %neg3A = arith.constant 0.000000e+00 : f32
        %neg3A_416 = vector.broadcast %neg3A : f32 to vector<16xf32>
        %neg3A_417 = arith.subf %neg3A_416, %masked_cumsum3A_415 : vector<16xf32>
        tpu.vector_store_idx %arg17[%broadcast_in_dim3A_7, %broadcast_in_dim3A_324], %neg3A_417 masked %eq3A_6 : memref<21x512xf32, #tpu.memory_space<vmem>>[vector<16xi32>, vector<16xi32>], vector<16xf32>, vector<16xi1>
        %mul3A_418 = arith.constant 20 : i32
        %mul3A_419 = arith.muli %scan3A_318, %mul3A_418 : i32
        %add3A_420 = arith.constant 32 : i32
        %add3A_421 = arith.addi %add3A_420, %mul3A_419 : i32
        %add3A_422 = arith.constant 1 : i32
        %add3A_423 = arith.addi %add3A_421, %add3A_422 : i32
        %broadcast_in_dim3A_424 = vector.broadcast %add3A_423 : i32 to vector<16xi32>
        %gather3A_425 = tpu.vector_load_idx %arg14[%broadcast_in_dim3A_9, %broadcast_in_dim3A_324] : memref<20x512xi32, #tpu.memory_space<vmem>>[vector<16xi32>, vector<16xi32>], vector<16xi32>,
        %add3A_426 = arith.addi %gather3A_425, %iota3A : vector<16xi32>
        %add3A_427 = arith.constant 0 : i32
        %add3A_428 = vector.broadcast %add3A_427 : i32 to vector<16xi32>
        %add3A_429 = arith.addi %add3A_426, %add3A_428 : vector<16xi32>
        %gather3A_430 = tpu.vector_load_idx %arg16[%broadcast_in_dim3A_424, %add3A_429] : memref<352x128xf32, #tpu.memory_space<vmem>>[vector<16xi32>, vector<16xi32>], vector<16xf32>,
        %add3A_431 = arith.constant 16 : i32
        %add3A_432 = vector.broadcast %add3A_431 : i32 to vector<16xi32>
        %add3A_433 = arith.addi %add3A_426, %add3A_432 : vector<16xi32>
        %gather3A_434 = tpu.vector_load_idx %arg16[%broadcast_in_dim3A_424, %add3A_433] : memref<352x128xf32, #tpu.memory_space<vmem>>[vector<16xi32>, vector<16xi32>], vector<16xf32>,
        %add3A_435 = arith.constant 32 : i32
        %add3A_436 = vector.broadcast %add3A_435 : i32 to vector<16xi32>
        %add3A_437 = arith.addi %add3A_426, %add3A_436 : vector<16xi32>
        %gather3A_438 = tpu.vector_load_idx %arg16[%broadcast_in_dim3A_424, %add3A_437] : memref<352x128xf32, #tpu.memory_space<vmem>>[vector<16xi32>, vector<16xi32>], vector<16xf32>,
        %add3A_439 = arith.constant 48 : i32
        %add3A_440 = vector.broadcast %add3A_439 : i32 to vector<16xi32>
        %add3A_441 = arith.addi %add3A_426, %add3A_440 : vector<16xi32>
        %gather3A_442 = tpu.vector_load_idx %arg16[%broadcast_in_dim3A_424, %add3A_441] : memref<352x128xf32, #tpu.memory_space<vmem>>[vector<16xi32>, vector<16xi32>], vector<16xf32>,
        %mul3A_443 = arith.mulf %gather3A_331, %gather3A_430 : vector<16xf32>
        %mul3A_444 = arith.mulf %gather3A_335, %gather3A_434 : vector<16xf32>
        %add3A_445 = arith.addf %mul3A_443, %mul3A_444 : vector<16xf32>
        %mul3A_446 = arith.mulf %gather3A_339, %gather3A_438 : vector<16xf32>
        %add3A_447 = arith.addf %add3A_445, %mul3A_446 : vector<16xf32>
        %mul3A_448 = arith.mulf %gather3A_343, %gather3A_442 : vector<16xf32>
        %add3A_449 = arith.addf %add3A_447, %mul3A_448 : vector<16xf32>
        %broadcast_in_dim3A_450 = arith.constant true
        %broadcast_in_dim3A_451 = vector.broadcast %broadcast_in_dim3A_450 : i1 to vector<16xi1>
        %masked_cumsum3A_452 = tpu.scan <sum>, %add3A_449 masked %broadcast_in_dim3A_451 : vector<16xf32>, vector<16xi1> -> vector<16xf32>
        %neg3A_453 = arith.constant 0.000000e+00 : f32
        %neg3A_454 = vector.broadcast %neg3A_453 : f32 to vector<16xf32>
        %neg3A_455 = arith.subf %neg3A_454, %masked_cumsum3A_452 : vector<16xf32>
        tpu.vector_store_idx %arg17[%broadcast_in_dim3A_9, %broadcast_in_dim3A_324], %neg3A_455 masked %eq3A_6 : memref<21x512xf32, #tpu.memory_space<vmem>>[vector<16xi32>, vector<16xi32>], vector<16xf32>, vector<16xi1>
        %mul3A_456 = arith.constant 20 : i32
        %mul3A_457 = arith.muli %scan3A_318, %mul3A_456 : i32
        %add3A_458 = arith.constant 32 : i32
        %add3A_459 = arith.addi %add3A_458, %mul3A_457 : i32
        %add3A_460 = arith.constant 2 : i32
        %add3A_461 = arith.addi %add3A_459, %add3A_460 : i32
        %broadcast_in_dim3A_462 = vector.broadcast %add3A_461 : i32 to vector<16xi32>
        %gather3A_463 = tpu.vector_load_idx %arg14[%broadcast_in_dim3A_11, %broadcast_in_dim3A_324] : memref<20x512xi32, #tpu.memory_space<vmem>>[vector<16xi32>, vector<16xi32>], vector<16xi32>,
        %add3A_464 = arith.addi %gather3A_463, %iota3A : vector<16xi32>
        %add3A_465 = arith.constant 0 : i32
        %add3A_466 = vector.broadcast %add3A_465 : i32 to vector<16xi32>
        %add3A_467 = arith.addi %add3A_464, %add3A_466 : vector<16xi32>
        %gather3A_468 = tpu.vector_load_idx %arg16[%broadcast_in_dim3A_462, %add3A_467] : memref<352x128xf32, #tpu.memory_space<vmem>>[vector<16xi32>, vector<16xi32>], vector<16xf32>,
        %add3A_469 = arith.constant 16 : i32
        %add3A_470 = vector.broadcast %add3A_469 : i32 to vector<16xi32>
        %add3A_471 = arith.addi %add3A_464, %add3A_470 : vector<16xi32>
        %gather3A_472 = tpu.vector_load_idx %arg16[%broadcast_in_dim3A_462, %add3A_471] : memref<352x128xf32, #tpu.memory_space<vmem>>[vector<16xi32>, vector<16xi32>], vector<16xf32>,
        %add3A_473 = arith.constant 32 : i32
        %add3A_474 = vector.broadcast %add3A_473 : i32 to vector<16xi32>
        %add3A_475 = arith.addi %add3A_464, %add3A_474 : vector<16xi32>
        %gather3A_476 = tpu.vector_load_idx %arg16[%broadcast_in_dim3A_462, %add3A_475] : memref<352x128xf32, #tpu.memory_space<vmem>>[vector<16xi32>, vector<16xi32>], vector<16xf32>,
        %add3A_477 = arith.constant 48 : i32
        %add3A_478 = vector.broadcast %add3A_477 : i32 to vector<16xi32>
        %add3A_479 = arith.addi %add3A_464, %add3A_478 : vector<16xi32>
        %gather3A_480 = tpu.vector_load_idx %arg16[%broadcast_in_dim3A_462, %add3A_479] : memref<352x128xf32, #tpu.memory_space<vmem>>[vector<16xi32>, vector<16xi32>], vector<16xf32>,
        %mul3A_481 = arith.mulf %gather3A_331, %gather3A_468 : vector<16xf32>
        %mul3A_482 = arith.mulf %gather3A_335, %gather3A_472 : vector<16xf32>
        %add3A_483 = arith.addf %mul3A_481, %mul3A_482 : vector<16xf32>
        %mul3A_484 = arith.mulf %gather3A_339, %gather3A_476 : vector<16xf32>
        %add3A_485 = arith.addf %add3A_483, %mul3A_484 : vector<16xf32>
        %mul3A_486 = arith.mulf %gather3A_343, %gather3A_480 : vector<16xf32>
        %add3A_487 = arith.addf %add3A_485, %mul3A_486 : vector<16xf32>
        %broadcast_in_dim3A_488 = arith.constant true
        %broadcast_in_dim3A_489 = vector.broadcast %broadcast_in_dim3A_488 : i1 to vector<16xi1>
        %masked_cumsum3A_490 = tpu.scan <sum>, %add3A_487 masked %broadcast_in_dim3A_489 : vector<16xf32>, vector<16xi1> -> vector<16xf32>
        %neg3A_491 = arith.constant 0.000000e+00 : f32
        %neg3A_492 = vector.broadcast %neg3A_491 : f32 to vector<16xf32>
        %neg3A_493 = arith.subf %neg3A_492, %masked_cumsum3A_490 : vector<16xf32>
        tpu.vector_store_idx %arg17[%broadcast_in_dim3A_11, %broadcast_in_dim3A_324], %neg3A_493 masked %eq3A_6 : memref<21x512xf32, #tpu.memory_space<vmem>>[vector<16xi32>, vector<16xi32>], vector<16xf32>, vector<16xi1>
        %mul3A_494 = arith.constant 20 : i32
        %mul3A_495 = arith.muli %scan3A_318, %mul3A_494 : i32
        %add3A_496 = arith.constant 32 : i32
        %add3A_497 = arith.addi %add3A_496, %mul3A_495 : i32
        %add3A_498 = arith.constant 3 : i32
        %add3A_499 = arith.addi %add3A_497, %add3A_498 : i32
        %broadcast_in_dim3A_500 = vector.broadcast %add3A_499 : i32 to vector<16xi32>
        %gather3A_501 = tpu.vector_load_idx %arg14[%broadcast_in_dim3A_13, %broadcast_in_dim3A_324] : memref<20x512xi32, #tpu.memory_space<vmem>>[vector<16xi32>, vector<16xi32>], vector<16xi32>,
        %add3A_502 = arith.addi %gather3A_501, %iota3A : vector<16xi32>
        %add3A_503 = arith.constant 0 : i32
        %add3A_504 = vector.broadcast %add3A_503 : i32 to vector<16xi32>
        %add3A_505 = arith.addi %add3A_502, %add3A_504 : vector<16xi32>
        %gather3A_506 = tpu.vector_load_idx %arg16[%broadcast_in_dim3A_500, %add3A_505] : memref<352x128xf32, #tpu.memory_space<vmem>>[vector<16xi32>, vector<16xi32>], vector<16xf32>,
        %add3A_507 = arith.constant 16 : i32
        %add3A_508 = vector.broadcast %add3A_507 : i32 to vector<16xi32>
        %add3A_509 = arith.addi %add3A_502, %add3A_508 : vector<16xi32>
        %gather3A_510 = tpu.vector_load_idx %arg16[%broadcast_in_dim3A_500, %add3A_509] : memref<352x128xf32, #tpu.memory_space<vmem>>[vector<16xi32>, vector<16xi32>], vector<16xf32>,
        %add3A_511 = arith.constant 32 : i32
        %add3A_512 = vector.broadcast %add3A_511 : i32 to vector<16xi32>
        %add3A_513 = arith.addi %add3A_502, %add3A_512 : vector<16xi32>
        %gather3A_514 = tpu.vector_load_idx %arg16[%broadcast_in_dim3A_500, %add3A_513] : memref<352x128xf32, #tpu.memory_space<vmem>>[vector<16xi32>, vector<16xi32>], vector<16xf32>,
        %add3A_515 = arith.constant 48 : i32
        %add3A_516 = vector.broadcast %add3A_515 : i32 to vector<16xi32>
        %add3A_517 = arith.addi %add3A_502, %add3A_516 : vector<16xi32>
        %gather3A_518 = tpu.vector_load_idx %arg16[%broadcast_in_dim3A_500, %add3A_517] : memref<352x128xf32, #tpu.memory_space<vmem>>[vector<16xi32>, vector<16xi32>], vector<16xf32>,
        %mul3A_519 = arith.mulf %gather3A_331, %gather3A_506 : vector<16xf32>
        %mul3A_520 = arith.mulf %gather3A_335, %gather3A_510 : vector<16xf32>
        %add3A_521 = arith.addf %mul3A_519, %mul3A_520 : vector<16xf32>
        %mul3A_522 = arith.mulf %gather3A_339, %gather3A_514 : vector<16xf32>
        %add3A_523 = arith.addf %add3A_521, %mul3A_522 : vector<16xf32>
        %mul3A_524 = arith.mulf %gather3A_343, %gather3A_518 : vector<16xf32>
        %add3A_525 = arith.addf %add3A_523, %mul3A_524 : vector<16xf32>
        %broadcast_in_dim3A_526 = arith.constant true
        %broadcast_in_dim3A_527 = vector.broadcast %broadcast_in_dim3A_526 : i1 to vector<16xi1>
        %masked_cumsum3A_528 = tpu.scan <sum>, %add3A_525 masked %broadcast_in_dim3A_527 : vector<16xf32>, vector<16xi1> -> vector<16xf32>
        %neg3A_529 = arith.constant 0.000000e+00 : f32
        %neg3A_530 = vector.broadcast %neg3A_529 : f32 to vector<16xf32>
        %neg3A_531 = arith.subf %neg3A_530, %masked_cumsum3A_528 : vector<16xf32>
        tpu.vector_store_idx %arg17[%broadcast_in_dim3A_13, %broadcast_in_dim3A_324], %neg3A_531 masked %eq3A_6 : memref<21x512xf32, #tpu.memory_space<vmem>>[vector<16xi32>, vector<16xi32>], vector<16xf32>, vector<16xi1>
        %mul3A_532 = arith.constant 20 : i32
        %mul3A_533 = arith.muli %scan3A_318, %mul3A_532 : i32
        %add3A_534 = arith.constant 32 : i32
        %add3A_535 = arith.addi %add3A_534, %mul3A_533 : i32
        %add3A_536 = arith.constant 4 : i32
        %add3A_537 = arith.addi %add3A_535, %add3A_536 : i32
        %broadcast_in_dim3A_538 = vector.broadcast %add3A_537 : i32 to vector<16xi32>
        %gather3A_539 = tpu.vector_load_idx %arg14[%broadcast_in_dim3A_15, %broadcast_in_dim3A_324] : memref<20x512xi32, #tpu.memory_space<vmem>>[vector<16xi32>, vector<16xi32>], vector<16xi32>,
        %add3A_540 = arith.addi %gather3A_539, %iota3A : vector<16xi32>
        %add3A_541 = arith.constant 0 : i32
        %add3A_542 = vector.broadcast %add3A_541 : i32 to vector<16xi32>
        %add3A_543 = arith.addi %add3A_540, %add3A_542 : vector<16xi32>
        %gather3A_544 = tpu.vector_load_idx %arg16[%broadcast_in_dim3A_538, %add3A_543] : memref<352x128xf32, #tpu.memory_space<vmem>>[vector<16xi32>, vector<16xi32>], vector<16xf32>,
        %add3A_545 = arith.constant 16 : i32
        %add3A_546 = vector.broadcast %add3A_545 : i32 to vector<16xi32>
        %add3A_547 = arith.addi %add3A_540, %add3A_546 : vector<16xi32>
        %gather3A_548 = tpu.vector_load_idx %arg16[%broadcast_in_dim3A_538, %add3A_547] : memref<352x128xf32, #tpu.memory_space<vmem>>[vector<16xi32>, vector<16xi32>], vector<16xf32>,
        %add3A_549 = arith.constant 32 : i32
        %add3A_550 = vector.broadcast %add3A_549 : i32 to vector<16xi32>
        %add3A_551 = arith.addi %add3A_540, %add3A_550 : vector<16xi32>
        %gather3A_552 = tpu.vector_load_idx %arg16[%broadcast_in_dim3A_538, %add3A_551] : memref<352x128xf32, #tpu.memory_space<vmem>>[vector<16xi32>, vector<16xi32>], vector<16xf32>,
        %add3A_553 = arith.constant 48 : i32
        %add3A_554 = vector.broadcast %add3A_553 : i32 to vector<16xi32>
        %add3A_555 = arith.addi %add3A_540, %add3A_554 : vector<16xi32>
        %gather3A_556 = tpu.vector_load_idx %arg16[%broadcast_in_dim3A_538, %add3A_555] : memref<352x128xf32, #tpu.memory_space<vmem>>[vector<16xi32>, vector<16xi32>], vector<16xf32>,
        %mul3A_557 = arith.mulf %gather3A_331, %gather3A_544 : vector<16xf32>
        %mul3A_558 = arith.mulf %gather3A_335, %gather3A_548 : vector<16xf32>
        %add3A_559 = arith.addf %mul3A_557, %mul3A_558 : vector<16xf32>
        %mul3A_560 = arith.mulf %gather3A_339, %gather3A_552 : vector<16xf32>
        %add3A_561 = arith.addf %add3A_559, %mul3A_560 : vector<16xf32>
        %mul3A_562 = arith.mulf %gather3A_343, %gather3A_556 : vector<16xf32>
        %add3A_563 = arith.addf %add3A_561, %mul3A_562 : vector<16xf32>
        %broadcast_in_dim3A_564 = arith.constant true
        %broadcast_in_dim3A_565 = vector.broadcast %broadcast_in_dim3A_564 : i1 to vector<16xi1>
        %masked_cumsum3A_566 = tpu.scan <sum>, %add3A_563 masked %broadcast_in_dim3A_565 : vector<16xf32>, vector<16xi1> -> vector<16xf32>
        %neg3A_567 = arith.constant 0.000000e+00 : f32
        %neg3A_568 = vector.broadcast %neg3A_567 : f32 to vector<16xf32>
        %neg3A_569 = arith.subf %neg3A_568, %masked_cumsum3A_566 : vector<16xf32>
        tpu.vector_store_idx %arg17[%broadcast_in_dim3A_15, %broadcast_in_dim3A_324], %neg3A_569 masked %eq3A_6 : memref<21x512xf32, #tpu.memory_space<vmem>>[vector<16xi32>, vector<16xi32>], vector<16xf32>, vector<16xi1>
        %mul3A_570 = arith.constant 20 : i32
        %mul3A_571 = arith.muli %scan3A_318, %mul3A_570 : i32
        %add3A_572 = arith.constant 32 : i32
        %add3A_573 = arith.addi %add3A_572, %mul3A_571 : i32
        %add3A_574 = arith.constant 5 : i32
        %add3A_575 = arith.addi %add3A_573, %add3A_574 : i32
        %broadcast_in_dim3A_576 = vector.broadcast %add3A_575 : i32 to vector<16xi32>
        %gather3A_577 = tpu.vector_load_idx %arg14[%broadcast_in_dim3A_17, %broadcast_in_dim3A_324] : memref<20x512xi32, #tpu.memory_space<vmem>>[vector<16xi32>, vector<16xi32>], vector<16xi32>,
        %add3A_578 = arith.addi %gather3A_577, %iota3A : vector<16xi32>
        %add3A_579 = arith.constant 0 : i32
        %add3A_580 = vector.broadcast %add3A_579 : i32 to vector<16xi32>
        %add3A_581 = arith.addi %add3A_578, %add3A_580 : vector<16xi32>
        %gather3A_582 = tpu.vector_load_idx %arg16[%broadcast_in_dim3A_576, %add3A_581] : memref<352x128xf32, #tpu.memory_space<vmem>>[vector<16xi32>, vector<16xi32>], vector<16xf32>,
        %add3A_583 = arith.constant 16 : i32
        %add3A_584 = vector.broadcast %add3A_583 : i32 to vector<16xi32>
        %add3A_585 = arith.addi %add3A_578, %add3A_584 : vector<16xi32>
        %gather3A_586 = tpu.vector_load_idx %arg16[%broadcast_in_dim3A_576, %add3A_585] : memref<352x128xf32, #tpu.memory_space<vmem>>[vector<16xi32>, vector<16xi32>], vector<16xf32>,
        %add3A_587 = arith.constant 32 : i32
        %add3A_588 = vector.broadcast %add3A_587 : i32 to vector<16xi32>
        %add3A_589 = arith.addi %add3A_578, %add3A_588 : vector<16xi32>
        %gather3A_590 = tpu.vector_load_idx %arg16[%broadcast_in_dim3A_576, %add3A_589] : memref<352x128xf32, #tpu.memory_space<vmem>>[vector<16xi32>, vector<16xi32>], vector<16xf32>,
        %add3A_591 = arith.constant 48 : i32
        %add3A_592 = vector.broadcast %add3A_591 : i32 to vector<16xi32>
        %add3A_593 = arith.addi %add3A_578, %add3A_592 : vector<16xi32>
        %gather3A_594 = tpu.vector_load_idx %arg16[%broadcast_in_dim3A_576, %add3A_593] : memref<352x128xf32, #tpu.memory_space<vmem>>[vector<16xi32>, vector<16xi32>], vector<16xf32>,
        %mul3A_595 = arith.mulf %gather3A_331, %gather3A_582 : vector<16xf32>
        %mul3A_596 = arith.mulf %gather3A_335, %gather3A_586 : vector<16xf32>
        %add3A_597 = arith.addf %mul3A_595, %mul3A_596 : vector<16xf32>
        %mul3A_598 = arith.mulf %gather3A_339, %gather3A_590 : vector<16xf32>
        %add3A_599 = arith.addf %add3A_597, %mul3A_598 : vector<16xf32>
        %mul3A_600 = arith.mulf %gather3A_343, %gather3A_594 : vector<16xf32>
        %add3A_601 = arith.addf %add3A_599, %mul3A_600 : vector<16xf32>
        %broadcast_in_dim3A_602 = arith.constant true
        %broadcast_in_dim3A_603 = vector.broadcast %broadcast_in_dim3A_602 : i1 to vector<16xi1>
        %masked_cumsum3A_604 = tpu.scan <sum>, %add3A_601 masked %broadcast_in_dim3A_603 : vector<16xf32>, vector<16xi1> -> vector<16xf32>
        %neg3A_605 = arith.constant 0.000000e+00 : f32
        %neg3A_606 = vector.broadcast %neg3A_605 : f32 to vector<16xf32>
        %neg3A_607 = arith.subf %neg3A_606, %masked_cumsum3A_604 : vector<16xf32>
        tpu.vector_store_idx %arg17[%broadcast_in_dim3A_17, %broadcast_in_dim3A_324], %neg3A_607 masked %eq3A_6 : memref<21x512xf32, #tpu.memory_space<vmem>>[vector<16xi32>, vector<16xi32>], vector<16xf32>, vector<16xi1>
        %mul3A_608 = arith.constant 20 : i32
        %mul3A_609 = arith.muli %scan3A_318, %mul3A_608 : i32
        %add3A_610 = arith.constant 32 : i32
        %add3A_611 = arith.addi %add3A_610, %mul3A_609 : i32
        %add3A_612 = arith.constant 6 : i32
        %add3A_613 = arith.addi %add3A_611, %add3A_612 : i32
        %broadcast_in_dim3A_614 = vector.broadcast %add3A_613 : i32 to vector<16xi32>
        %gather3A_615 = tpu.vector_load_idx %arg14[%broadcast_in_dim3A_19, %broadcast_in_dim3A_324] : memref<20x512xi32, #tpu.memory_space<vmem>>[vector<16xi32>, vector<16xi32>], vector<16xi32>,
        %add3A_616 = arith.addi %gather3A_615, %iota3A : vector<16xi32>
        %add3A_617 = arith.constant 0 : i32
        %add3A_618 = vector.broadcast %add3A_617 : i32 to vector<16xi32>
        %add3A_619 = arith.addi %add3A_616, %add3A_618 : vector<16xi32>
        %gather3A_620 = tpu.vector_load_idx %arg16[%broadcast_in_dim3A_614, %add3A_619] : memref<352x128xf32, #tpu.memory_space<vmem>>[vector<16xi32>, vector<16xi32>], vector<16xf32>,
        %add3A_621 = arith.constant 16 : i32
        %add3A_622 = vector.broadcast %add3A_621 : i32 to vector<16xi32>
        %add3A_623 = arith.addi %add3A_616, %add3A_622 : vector<16xi32>
        %gather3A_624 = tpu.vector_load_idx %arg16[%broadcast_in_dim3A_614, %add3A_623] : memref<352x128xf32, #tpu.memory_space<vmem>>[vector<16xi32>, vector<16xi32>], vector<16xf32>,
        %add3A_625 = arith.constant 32 : i32
        %add3A_626 = vector.broadcast %add3A_625 : i32 to vector<16xi32>
        %add3A_627 = arith.addi %add3A_616, %add3A_626 : vector<16xi32>
        %gather3A_628 = tpu.vector_load_idx %arg16[%broadcast_in_dim3A_614, %add3A_627] : memref<352x128xf32, #tpu.memory_space<vmem>>[vector<16xi32>, vector<16xi32>], vector<16xf32>,
        %add3A_629 = arith.constant 48 : i32
        %add3A_630 = vector.broadcast %add3A_629 : i32 to vector<16xi32>
        %add3A_631 = arith.addi %add3A_616, %add3A_630 : vector<16xi32>
        %gather3A_632 = tpu.vector_load_idx %arg16[%broadcast_in_dim3A_614, %add3A_631] : memref<352x128xf32, #tpu.memory_space<vmem>>[vector<16xi32>, vector<16xi32>], vector<16xf32>,
        %mul3A_633 = arith.mulf %gather3A_331, %gather3A_620 : vector<16xf32>
        %mul3A_634 = arith.mulf %gather3A_335, %gather3A_624 : vector<16xf32>
        %add3A_635 = arith.addf %mul3A_633, %mul3A_634 : vector<16xf32>
        %mul3A_636 = arith.mulf %gather3A_339, %gather3A_628 : vector<16xf32>
        %add3A_637 = arith.addf %add3A_635, %mul3A_636 : vector<16xf32>
        %mul3A_638 = arith.mulf %gather3A_343, %gather3A_632 : vector<16xf32>
        %add3A_639 = arith.addf %add3A_637, %mul3A_638 : vector<16xf32>
        %broadcast_in_dim3A_640 = arith.constant true
        %broadcast_in_dim3A_641 = vector.broadcast %broadcast_in_dim3A_640 : i1 to vector<16xi1>
        %masked_cumsum3A_642 = tpu.scan <sum>, %add3A_639 masked %broadcast_in_dim3A_641 : vector<16xf32>, vector<16xi1> -> vector<16xf32>
        %neg3A_643 = arith.constant 0.000000e+00 : f32
        %neg3A_644 = vector.broadcast %neg3A_643 : f32 to vector<16xf32>
        %neg3A_645 = arith.subf %neg3A_644, %masked_cumsum3A_642 : vector<16xf32>
        tpu.vector_store_idx %arg17[%broadcast_in_dim3A_19, %broadcast_in_dim3A_324], %neg3A_645 masked %eq3A_6 : memref<21x512xf32, #tpu.memory_space<vmem>>[vector<16xi32>, vector<16xi32>], vector<16xf32>, vector<16xi1>
        %mul3A_646 = arith.constant 20 : i32
        %mul3A_647 = arith.muli %scan3A_318, %mul3A_646 : i32
        %add3A_648 = arith.constant 32 : i32
        %add3A_649 = arith.addi %add3A_648, %mul3A_647 : i32
        %add3A_650 = arith.constant 7 : i32
        %add3A_651 = arith.addi %add3A_649, %add3A_650 : i32
        %broadcast_in_dim3A_652 = vector.broadcast %add3A_651 : i32 to vector<16xi32>
        %gather3A_653 = tpu.vector_load_idx %arg14[%broadcast_in_dim3A_21, %broadcast_in_dim3A_324] : memref<20x512xi32, #tpu.memory_space<vmem>>[vector<16xi32>, vector<16xi32>], vector<16xi32>,
        %add3A_654 = arith.addi %gather3A_653, %iota3A : vector<16xi32>
        %add3A_655 = arith.constant 0 : i32
        %add3A_656 = vector.broadcast %add3A_655 : i32 to vector<16xi32>
        %add3A_657 = arith.addi %add3A_654, %add3A_656 : vector<16xi32>
        %gather3A_658 = tpu.vector_load_idx %arg16[%broadcast_in_dim3A_652, %add3A_657] : memref<352x128xf32, #tpu.memory_space<vmem>>[vector<16xi32>, vector<16xi32>], vector<16xf32>,
        %add3A_659 = arith.constant 16 : i32
        %add3A_660 = vector.broadcast %add3A_659 : i32 to vector<16xi32>
        %add3A_661 = arith.addi %add3A_654, %add3A_660 : vector<16xi32>
        %gather3A_662 = tpu.vector_load_idx %arg16[%broadcast_in_dim3A_652, %add3A_661] : memref<352x128xf32, #tpu.memory_space<vmem>>[vector<16xi32>, vector<16xi32>], vector<16xf32>,
        %add3A_663 = arith.constant 32 : i32
        %add3A_664 = vector.broadcast %add3A_663 : i32 to vector<16xi32>
        %add3A_665 = arith.addi %add3A_654, %add3A_664 : vector<16xi32>
        %gather3A_666 = tpu.vector_load_idx %arg16[%broadcast_in_dim3A_652, %add3A_665] : memref<352x128xf32, #tpu.memory_space<vmem>>[vector<16xi32>, vector<16xi32>], vector<16xf32>,
        %add3A_667 = arith.constant 48 : i32
        %add3A_668 = vector.broadcast %add3A_667 : i32 to vector<16xi32>
        %add3A_669 = arith.addi %add3A_654, %add3A_668 : vector<16xi32>
        %gather3A_670 = tpu.vector_load_idx %arg16[%broadcast_in_dim3A_652, %add3A_669] : memref<352x128xf32, #tpu.memory_space<vmem>>[vector<16xi32>, vector<16xi32>], vector<16xf32>,
        %mul3A_671 = arith.mulf %gather3A_331, %gather3A_658 : vector<16xf32>
        %mul3A_672 = arith.mulf %gather3A_335, %gather3A_662 : vector<16xf32>
        %add3A_673 = arith.addf %mul3A_671, %mul3A_672 : vector<16xf32>
        %mul3A_674 = arith.mulf %gather3A_339, %gather3A_666 : vector<16xf32>
        %add3A_675 = arith.addf %add3A_673, %mul3A_674 : vector<16xf32>
        %mul3A_676 = arith.mulf %gather3A_343, %gather3A_670 : vector<16xf32>
        %add3A_677 = arith.addf %add3A_675, %mul3A_676 : vector<16xf32>
        %broadcast_in_dim3A_678 = arith.constant true
        %broadcast_in_dim3A_679 = vector.broadcast %broadcast_in_dim3A_678 : i1 to vector<16xi1>
        %masked_cumsum3A_680 = tpu.scan <sum>, %add3A_677 masked %broadcast_in_dim3A_679 : vector<16xf32>, vector<16xi1> -> vector<16xf32>
        %neg3A_681 = arith.constant 0.000000e+00 : f32
        %neg3A_682 = vector.broadcast %neg3A_681 : f32 to vector<16xf32>
        %neg3A_683 = arith.subf %neg3A_682, %masked_cumsum3A_680 : vector<16xf32>
        tpu.vector_store_idx %arg17[%broadcast_in_dim3A_21, %broadcast_in_dim3A_324], %neg3A_683 masked %eq3A_6 : memref<21x512xf32, #tpu.memory_space<vmem>>[vector<16xi32>, vector<16xi32>], vector<16xf32>, vector<16xi1>
        %mul3A_684 = arith.constant 20 : i32
        %mul3A_685 = arith.muli %scan3A_318, %mul3A_684 : i32
        %add3A_686 = arith.constant 32 : i32
        %add3A_687 = arith.addi %add3A_686, %mul3A_685 : i32
        %add3A_688 = arith.constant 8 : i32
        %add3A_689 = arith.addi %add3A_687, %add3A_688 : i32
        %broadcast_in_dim3A_690 = vector.broadcast %add3A_689 : i32 to vector<16xi32>
        %gather3A_691 = tpu.vector_load_idx %arg14[%broadcast_in_dim3A_23, %broadcast_in_dim3A_324] : memref<20x512xi32, #tpu.memory_space<vmem>>[vector<16xi32>, vector<16xi32>], vector<16xi32>,
        %add3A_692 = arith.addi %gather3A_691, %iota3A : vector<16xi32>
        %add3A_693 = arith.constant 0 : i32
        %add3A_694 = vector.broadcast %add3A_693 : i32 to vector<16xi32>
        %add3A_695 = arith.addi %add3A_692, %add3A_694 : vector<16xi32>
        %gather3A_696 = tpu.vector_load_idx %arg16[%broadcast_in_dim3A_690, %add3A_695] : memref<352x128xf32, #tpu.memory_space<vmem>>[vector<16xi32>, vector<16xi32>], vector<16xf32>,
        %add3A_697 = arith.constant 16 : i32
        %add3A_698 = vector.broadcast %add3A_697 : i32 to vector<16xi32>
        %add3A_699 = arith.addi %add3A_692, %add3A_698 : vector<16xi32>
        %gather3A_700 = tpu.vector_load_idx %arg16[%broadcast_in_dim3A_690, %add3A_699] : memref<352x128xf32, #tpu.memory_space<vmem>>[vector<16xi32>, vector<16xi32>], vector<16xf32>,
        %add3A_701 = arith.constant 32 : i32
        %add3A_702 = vector.broadcast %add3A_701 : i32 to vector<16xi32>
        %add3A_703 = arith.addi %add3A_692, %add3A_702 : vector<16xi32>
        %gather3A_704 = tpu.vector_load_idx %arg16[%broadcast_in_dim3A_690, %add3A_703] : memref<352x128xf32, #tpu.memory_space<vmem>>[vector<16xi32>, vector<16xi32>], vector<16xf32>,
        %add3A_705 = arith.constant 48 : i32
        %add3A_706 = vector.broadcast %add3A_705 : i32 to vector<16xi32>
        %add3A_707 = arith.addi %add3A_692, %add3A_706 : vector<16xi32>
        %gather3A_708 = tpu.vector_load_idx %arg16[%broadcast_in_dim3A_690, %add3A_707] : memref<352x128xf32, #tpu.memory_space<vmem>>[vector<16xi32>, vector<16xi32>], vector<16xf32>,
        %mul3A_709 = arith.mulf %gather3A_331, %gather3A_696 : vector<16xf32>
        %mul3A_710 = arith.mulf %gather3A_335, %gather3A_700 : vector<16xf32>
        %add3A_711 = arith.addf %mul3A_709, %mul3A_710 : vector<16xf32>
        %mul3A_712 = arith.mulf %gather3A_339, %gather3A_704 : vector<16xf32>
        %add3A_713 = arith.addf %add3A_711, %mul3A_712 : vector<16xf32>
        %mul3A_714 = arith.mulf %gather3A_343, %gather3A_708 : vector<16xf32>
        %add3A_715 = arith.addf %add3A_713, %mul3A_714 : vector<16xf32>
        %broadcast_in_dim3A_716 = arith.constant true
        %broadcast_in_dim3A_717 = vector.broadcast %broadcast_in_dim3A_716 : i1 to vector<16xi1>
        %masked_cumsum3A_718 = tpu.scan <sum>, %add3A_715 masked %broadcast_in_dim3A_717 : vector<16xf32>, vector<16xi1> -> vector<16xf32>
        %neg3A_719 = arith.constant 0.000000e+00 : f32
        %neg3A_720 = vector.broadcast %neg3A_719 : f32 to vector<16xf32>
        %neg3A_721 = arith.subf %neg3A_720, %masked_cumsum3A_718 : vector<16xf32>
        tpu.vector_store_idx %arg17[%broadcast_in_dim3A_23, %broadcast_in_dim3A_324], %neg3A_721 masked %eq3A_6 : memref<21x512xf32, #tpu.memory_space<vmem>>[vector<16xi32>, vector<16xi32>], vector<16xf32>, vector<16xi1>
        %mul3A_722 = arith.constant 20 : i32
        %mul3A_723 = arith.muli %scan3A_318, %mul3A_722 : i32
        %add3A_724 = arith.constant 32 : i32
        %add3A_725 = arith.addi %add3A_724, %mul3A_723 : i32
        %add3A_726 = arith.constant 9 : i32
        %add3A_727 = arith.addi %add3A_725, %add3A_726 : i32
        %broadcast_in_dim3A_728 = vector.broadcast %add3A_727 : i32 to vector<16xi32>
        %gather3A_729 = tpu.vector_load_idx %arg14[%broadcast_in_dim3A_25, %broadcast_in_dim3A_324] : memref<20x512xi32, #tpu.memory_space<vmem>>[vector<16xi32>, vector<16xi32>], vector<16xi32>,
        %add3A_730 = arith.addi %gather3A_729, %iota3A : vector<16xi32>
        %add3A_731 = arith.constant 0 : i32
        %add3A_732 = vector.broadcast %add3A_731 : i32 to vector<16xi32>
        %add3A_733 = arith.addi %add3A_730, %add3A_732 : vector<16xi32>
        %gather3A_734 = tpu.vector_load_idx %arg16[%broadcast_in_dim3A_728, %add3A_733] : memref<352x128xf32, #tpu.memory_space<vmem>>[vector<16xi32>, vector<16xi32>], vector<16xf32>,
        %add3A_735 = arith.constant 16 : i32
        %add3A_736 = vector.broadcast %add3A_735 : i32 to vector<16xi32>
        %add3A_737 = arith.addi %add3A_730, %add3A_736 : vector<16xi32>
        %gather3A_738 = tpu.vector_load_idx %arg16[%broadcast_in_dim3A_728, %add3A_737] : memref<352x128xf32, #tpu.memory_space<vmem>>[vector<16xi32>, vector<16xi32>], vector<16xf32>,
        %add3A_739 = arith.constant 32 : i32
        %add3A_740 = vector.broadcast %add3A_739 : i32 to vector<16xi32>
        %add3A_741 = arith.addi %add3A_730, %add3A_740 : vector<16xi32>
        %gather3A_742 = tpu.vector_load_idx %arg16[%broadcast_in_dim3A_728, %add3A_741] : memref<352x128xf32, #tpu.memory_space<vmem>>[vector<16xi32>, vector<16xi32>], vector<16xf32>,
        %add3A_743 = arith.constant 48 : i32
        %add3A_744 = vector.broadcast %add3A_743 : i32 to vector<16xi32>
        %add3A_745 = arith.addi %add3A_730, %add3A_744 : vector<16xi32>
        %gather3A_746 = tpu.vector_load_idx %arg16[%broadcast_in_dim3A_728, %add3A_745] : memref<352x128xf32, #tpu.memory_space<vmem>>[vector<16xi32>, vector<16xi32>], vector<16xf32>,
        %mul3A_747 = arith.mulf %gather3A_331, %gather3A_734 : vector<16xf32>
        %mul3A_748 = arith.mulf %gather3A_335, %gather3A_738 : vector<16xf32>
        %add3A_749 = arith.addf %mul3A_747, %mul3A_748 : vector<16xf32>
        %mul3A_750 = arith.mulf %gather3A_339, %gather3A_742 : vector<16xf32>
        %add3A_751 = arith.addf %add3A_749, %mul3A_750 : vector<16xf32>
        %mul3A_752 = arith.mulf %gather3A_343, %gather3A_746 : vector<16xf32>
        %add3A_753 = arith.addf %add3A_751, %mul3A_752 : vector<16xf32>
        %broadcast_in_dim3A_754 = arith.constant true
        %broadcast_in_dim3A_755 = vector.broadcast %broadcast_in_dim3A_754 : i1 to vector<16xi1>
        %masked_cumsum3A_756 = tpu.scan <sum>, %add3A_753 masked %broadcast_in_dim3A_755 : vector<16xf32>, vector<16xi1> -> vector<16xf32>
        %neg3A_757 = arith.constant 0.000000e+00 : f32
        %neg3A_758 = vector.broadcast %neg3A_757 : f32 to vector<16xf32>
        %neg3A_759 = arith.subf %neg3A_758, %masked_cumsum3A_756 : vector<16xf32>
        tpu.vector_store_idx %arg17[%broadcast_in_dim3A_25, %broadcast_in_dim3A_324], %neg3A_759 masked %eq3A_6 : memref<21x512xf32, #tpu.memory_space<vmem>>[vector<16xi32>, vector<16xi32>], vector<16xf32>, vector<16xi1>
        %mul3A_760 = arith.constant 20 : i32
        %mul3A_761 = arith.muli %scan3A_318, %mul3A_760 : i32
        %add3A_762 = arith.constant 32 : i32
        %add3A_763 = arith.addi %add3A_762, %mul3A_761 : i32
        %add3A_764 = arith.constant 10 : i32
        %add3A_765 = arith.addi %add3A_763, %add3A_764 : i32
        %broadcast_in_dim3A_766 = vector.broadcast %add3A_765 : i32 to vector<16xi32>
        %gather3A_767 = tpu.vector_load_idx %arg14[%broadcast_in_dim3A_27, %broadcast_in_dim3A_324] : memref<20x512xi32, #tpu.memory_space<vmem>>[vector<16xi32>, vector<16xi32>], vector<16xi32>,
        %add3A_768 = arith.addi %gather3A_767, %iota3A : vector<16xi32>
        %add3A_769 = arith.constant 0 : i32
        %add3A_770 = vector.broadcast %add3A_769 : i32 to vector<16xi32>
        %add3A_771 = arith.addi %add3A_768, %add3A_770 : vector<16xi32>
        %gather3A_772 = tpu.vector_load_idx %arg16[%broadcast_in_dim3A_766, %add3A_771] : memref<352x128xf32, #tpu.memory_space<vmem>>[vector<16xi32>, vector<16xi32>], vector<16xf32>,
        %add3A_773 = arith.constant 16 : i32
        %add3A_774 = vector.broadcast %add3A_773 : i32 to vector<16xi32>
        %add3A_775 = arith.addi %add3A_768, %add3A_774 : vector<16xi32>
        %gather3A_776 = tpu.vector_load_idx %arg16[%broadcast_in_dim3A_766, %add3A_775] : memref<352x128xf32, #tpu.memory_space<vmem>>[vector<16xi32>, vector<16xi32>], vector<16xf32>,
        %add3A_777 = arith.constant 32 : i32
        %add3A_778 = vector.broadcast %add3A_777 : i32 to vector<16xi32>
        %add3A_779 = arith.addi %add3A_768, %add3A_778 : vector<16xi32>
        %gather3A_780 = tpu.vector_load_idx %arg16[%broadcast_in_dim3A_766, %add3A_779] : memref<352x128xf32, #tpu.memory_space<vmem>>[vector<16xi32>, vector<16xi32>], vector<16xf32>,
        %add3A_781 = arith.constant 48 : i32
        %add3A_782 = vector.broadcast %add3A_781 : i32 to vector<16xi32>
        %add3A_783 = arith.addi %add3A_768, %add3A_782 : vector<16xi32>
        %gather3A_784 = tpu.vector_load_idx %arg16[%broadcast_in_dim3A_766, %add3A_783] : memref<352x128xf32, #tpu.memory_space<vmem>>[vector<16xi32>, vector<16xi32>], vector<16xf32>,
        %mul3A_785 = arith.mulf %gather3A_331, %gather3A_772 : vector<16xf32>
        %mul3A_786 = arith.mulf %gather3A_335, %gather3A_776 : vector<16xf32>
        %add3A_787 = arith.addf %mul3A_785, %mul3A_786 : vector<16xf32>
        %mul3A_788 = arith.mulf %gather3A_339, %gather3A_780 : vector<16xf32>
        %add3A_789 = arith.addf %add3A_787, %mul3A_788 : vector<16xf32>
        %mul3A_790 = arith.mulf %gather3A_343, %gather3A_784 : vector<16xf32>
        %add3A_791 = arith.addf %add3A_789, %mul3A_790 : vector<16xf32>
        %broadcast_in_dim3A_792 = arith.constant true
        %broadcast_in_dim3A_793 = vector.broadcast %broadcast_in_dim3A_792 : i1 to vector<16xi1>
        %masked_cumsum3A_794 = tpu.scan <sum>, %add3A_791 masked %broadcast_in_dim3A_793 : vector<16xf32>, vector<16xi1> -> vector<16xf32>
        %neg3A_795 = arith.constant 0.000000e+00 : f32
        %neg3A_796 = vector.broadcast %neg3A_795 : f32 to vector<16xf32>
        %neg3A_797 = arith.subf %neg3A_796, %masked_cumsum3A_794 : vector<16xf32>
        tpu.vector_store_idx %arg17[%broadcast_in_dim3A_27, %broadcast_in_dim3A_324], %neg3A_797 masked %eq3A_6 : memref<21x512xf32, #tpu.memory_space<vmem>>[vector<16xi32>, vector<16xi32>], vector<16xf32>, vector<16xi1>
        %mul3A_798 = arith.constant 20 : i32
        %mul3A_799 = arith.muli %scan3A_318, %mul3A_798 : i32
        %add3A_800 = arith.constant 32 : i32
        %add3A_801 = arith.addi %add3A_800, %mul3A_799 : i32
        %add3A_802 = arith.constant 11 : i32
        %add3A_803 = arith.addi %add3A_801, %add3A_802 : i32
        %broadcast_in_dim3A_804 = vector.broadcast %add3A_803 : i32 to vector<16xi32>
        %gather3A_805 = tpu.vector_load_idx %arg14[%broadcast_in_dim3A_29, %broadcast_in_dim3A_324] : memref<20x512xi32, #tpu.memory_space<vmem>>[vector<16xi32>, vector<16xi32>], vector<16xi32>,
        %add3A_806 = arith.addi %gather3A_805, %iota3A : vector<16xi32>
        %add3A_807 = arith.constant 0 : i32
        %add3A_808 = vector.broadcast %add3A_807 : i32 to vector<16xi32>
        %add3A_809 = arith.addi %add3A_806, %add3A_808 : vector<16xi32>
        %gather3A_810 = tpu.vector_load_idx %arg16[%broadcast_in_dim3A_804, %add3A_809] : memref<352x128xf32, #tpu.memory_space<vmem>>[vector<16xi32>, vector<16xi32>], vector<16xf32>,
        %add3A_811 = arith.constant 16 : i32
        %add3A_812 = vector.broadcast %add3A_811 : i32 to vector<16xi32>
        %add3A_813 = arith.addi %add3A_806, %add3A_812 : vector<16xi32>
        %gather3A_814 = tpu.vector_load_idx %arg16[%broadcast_in_dim3A_804, %add3A_813] : memref<352x128xf32, #tpu.memory_space<vmem>>[vector<16xi32>, vector<16xi32>], vector<16xf32>,
        %add3A_815 = arith.constant 32 : i32
        %add3A_816 = vector.broadcast %add3A_815 : i32 to vector<16xi32>
        %add3A_817 = arith.addi %add3A_806, %add3A_816 : vector<16xi32>
        %gather3A_818 = tpu.vector_load_idx %arg16[%broadcast_in_dim3A_804, %add3A_817] : memref<352x128xf32, #tpu.memory_space<vmem>>[vector<16xi32>, vector<16xi32>], vector<16xf32>,
        %add3A_819 = arith.constant 48 : i32
        %add3A_820 = vector.broadcast %add3A_819 : i32 to vector<16xi32>
        %add3A_821 = arith.addi %add3A_806, %add3A_820 : vector<16xi32>
        %gather3A_822 = tpu.vector_load_idx %arg16[%broadcast_in_dim3A_804, %add3A_821] : memref<352x128xf32, #tpu.memory_space<vmem>>[vector<16xi32>, vector<16xi32>], vector<16xf32>,
        %mul3A_823 = arith.mulf %gather3A_331, %gather3A_810 : vector<16xf32>
        %mul3A_824 = arith.mulf %gather3A_335, %gather3A_814 : vector<16xf32>
        %add3A_825 = arith.addf %mul3A_823, %mul3A_824 : vector<16xf32>
        %mul3A_826 = arith.mulf %gather3A_339, %gather3A_818 : vector<16xf32>
        %add3A_827 = arith.addf %add3A_825, %mul3A_826 : vector<16xf32>
        %mul3A_828 = arith.mulf %gather3A_343, %gather3A_822 : vector<16xf32>
        %add3A_829 = arith.addf %add3A_827, %mul3A_828 : vector<16xf32>
        %broadcast_in_dim3A_830 = arith.constant true
        %broadcast_in_dim3A_831 = vector.broadcast %broadcast_in_dim3A_830 : i1 to vector<16xi1>
        %masked_cumsum3A_832 = tpu.scan <sum>, %add3A_829 masked %broadcast_in_dim3A_831 : vector<16xf32>, vector<16xi1> -> vector<16xf32>
        %neg3A_833 = arith.constant 0.000000e+00 : f32
        %neg3A_834 = vector.broadcast %neg3A_833 : f32 to vector<16xf32>
        %neg3A_835 = arith.subf %neg3A_834, %masked_cumsum3A_832 : vector<16xf32>
        tpu.vector_store_idx %arg17[%broadcast_in_dim3A_29, %broadcast_in_dim3A_324], %neg3A_835 masked %eq3A_6 : memref<21x512xf32, #tpu.memory_space<vmem>>[vector<16xi32>, vector<16xi32>], vector<16xf32>, vector<16xi1>
        %mul3A_836 = arith.constant 20 : i32
        %mul3A_837 = arith.muli %scan3A_318, %mul3A_836 : i32
        %add3A_838 = arith.constant 32 : i32
        %add3A_839 = arith.addi %add3A_838, %mul3A_837 : i32
        %add3A_840 = arith.constant 12 : i32
        %add3A_841 = arith.addi %add3A_839, %add3A_840 : i32
        %broadcast_in_dim3A_842 = vector.broadcast %add3A_841 : i32 to vector<16xi32>
        %gather3A_843 = tpu.vector_load_idx %arg14[%broadcast_in_dim3A_31, %broadcast_in_dim3A_324] : memref<20x512xi32, #tpu.memory_space<vmem>>[vector<16xi32>, vector<16xi32>], vector<16xi32>,
        %add3A_844 = arith.addi %gather3A_843, %iota3A : vector<16xi32>
        %add3A_845 = arith.constant 0 : i32
        %add3A_846 = vector.broadcast %add3A_845 : i32 to vector<16xi32>
        %add3A_847 = arith.addi %add3A_844, %add3A_846 : vector<16xi32>
        %gather3A_848 = tpu.vector_load_idx %arg16[%broadcast_in_dim3A_842, %add3A_847] : memref<352x128xf32, #tpu.memory_space<vmem>>[vector<16xi32>, vector<16xi32>], vector<16xf32>,
        %add3A_849 = arith.constant 16 : i32
        %add3A_850 = vector.broadcast %add3A_849 : i32 to vector<16xi32>
        %add3A_851 = arith.addi %add3A_844, %add3A_850 : vector<16xi32>
        %gather3A_852 = tpu.vector_load_idx %arg16[%broadcast_in_dim3A_842, %add3A_851] : memref<352x128xf32, #tpu.memory_space<vmem>>[vector<16xi32>, vector<16xi32>], vector<16xf32>,
        %add3A_853 = arith.constant 32 : i32
        %add3A_854 = vector.broadcast %add3A_853 : i32 to vector<16xi32>
        %add3A_855 = arith.addi %add3A_844, %add3A_854 : vector<16xi32>
        %gather3A_856 = tpu.vector_load_idx %arg16[%broadcast_in_dim3A_842, %add3A_855] : memref<352x128xf32, #tpu.memory_space<vmem>>[vector<16xi32>, vector<16xi32>], vector<16xf32>,
        %add3A_857 = arith.constant 48 : i32
        %add3A_858 = vector.broadcast %add3A_857 : i32 to vector<16xi32>
        %add3A_859 = arith.addi %add3A_844, %add3A_858 : vector<16xi32>
        %gather3A_860 = tpu.vector_load_idx %arg16[%broadcast_in_dim3A_842, %add3A_859] : memref<352x128xf32, #tpu.memory_space<vmem>>[vector<16xi32>, vector<16xi32>], vector<16xf32>,
        %mul3A_861 = arith.mulf %gather3A_331, %gather3A_848 : vector<16xf32>
        %mul3A_862 = arith.mulf %gather3A_335, %gather3A_852 : vector<16xf32>
        %add3A_863 = arith.addf %mul3A_861, %mul3A_862 : vector<16xf32>
        %mul3A_864 = arith.mulf %gather3A_339, %gather3A_856 : vector<16xf32>
        %add3A_865 = arith.addf %add3A_863, %mul3A_864 : vector<16xf32>
        %mul3A_866 = arith.mulf %gather3A_343, %gather3A_860 : vector<16xf32>
        %add3A_867 = arith.addf %add3A_865, %mul3A_866 : vector<16xf32>
        %broadcast_in_dim3A_868 = arith.constant true
        %broadcast_in_dim3A_869 = vector.broadcast %broadcast_in_dim3A_868 : i1 to vector<16xi1>
        %masked_cumsum3A_870 = tpu.scan <sum>, %add3A_867 masked %broadcast_in_dim3A_869 : vector<16xf32>, vector<16xi1> -> vector<16xf32>
        %neg3A_871 = arith.constant 0.000000e+00 : f32
        %neg3A_872 = vector.broadcast %neg3A_871 : f32 to vector<16xf32>
        %neg3A_873 = arith.subf %neg3A_872, %masked_cumsum3A_870 : vector<16xf32>
        tpu.vector_store_idx %arg17[%broadcast_in_dim3A_31, %broadcast_in_dim3A_324], %neg3A_873 masked %eq3A_6 : memref<21x512xf32, #tpu.memory_space<vmem>>[vector<16xi32>, vector<16xi32>], vector<16xf32>, vector<16xi1>
        %mul3A_874 = arith.constant 20 : i32
        %mul3A_875 = arith.muli %scan3A_318, %mul3A_874 : i32
        %add3A_876 = arith.constant 32 : i32
        %add3A_877 = arith.addi %add3A_876, %mul3A_875 : i32
        %add3A_878 = arith.constant 13 : i32
        %add3A_879 = arith.addi %add3A_877, %add3A_878 : i32
        %broadcast_in_dim3A_880 = vector.broadcast %add3A_879 : i32 to vector<16xi32>
        %gather3A_881 = tpu.vector_load_idx %arg14[%broadcast_in_dim3A_33, %broadcast_in_dim3A_324] : memref<20x512xi32, #tpu.memory_space<vmem>>[vector<16xi32>, vector<16xi32>], vector<16xi32>,
        %add3A_882 = arith.addi %gather3A_881, %iota3A : vector<16xi32>
        %add3A_883 = arith.constant 0 : i32
        %add3A_884 = vector.broadcast %add3A_883 : i32 to vector<16xi32>
        %add3A_885 = arith.addi %add3A_882, %add3A_884 : vector<16xi32>
        %gather3A_886 = tpu.vector_load_idx %arg16[%broadcast_in_dim3A_880, %add3A_885] : memref<352x128xf32, #tpu.memory_space<vmem>>[vector<16xi32>, vector<16xi32>], vector<16xf32>,
        %add3A_887 = arith.constant 16 : i32
        %add3A_888 = vector.broadcast %add3A_887 : i32 to vector<16xi32>
        %add3A_889 = arith.addi %add3A_882, %add3A_888 : vector<16xi32>
        %gather3A_890 = tpu.vector_load_idx %arg16[%broadcast_in_dim3A_880, %add3A_889] : memref<352x128xf32, #tpu.memory_space<vmem>>[vector<16xi32>, vector<16xi32>], vector<16xf32>,
        %add3A_891 = arith.constant 32 : i32
        %add3A_892 = vector.broadcast %add3A_891 : i32 to vector<16xi32>
        %add3A_893 = arith.addi %add3A_882, %add3A_892 : vector<16xi32>
        %gather3A_894 = tpu.vector_load_idx %arg16[%broadcast_in_dim3A_880, %add3A_893] : memref<352x128xf32, #tpu.memory_space<vmem>>[vector<16xi32>, vector<16xi32>], vector<16xf32>,
        %add3A_895 = arith.constant 48 : i32
        %add3A_896 = vector.broadcast %add3A_895 : i32 to vector<16xi32>
        %add3A_897 = arith.addi %add3A_882, %add3A_896 : vector<16xi32>
        %gather3A_898 = tpu.vector_load_idx %arg16[%broadcast_in_dim3A_880, %add3A_897] : memref<352x128xf32, #tpu.memory_space<vmem>>[vector<16xi32>, vector<16xi32>], vector<16xf32>,
        %mul3A_899 = arith.mulf %gather3A_331, %gather3A_886 : vector<16xf32>
        %mul3A_900 = arith.mulf %gather3A_335, %gather3A_890 : vector<16xf32>
        %add3A_901 = arith.addf %mul3A_899, %mul3A_900 : vector<16xf32>
        %mul3A_902 = arith.mulf %gather3A_339, %gather3A_894 : vector<16xf32>
        %add3A_903 = arith.addf %add3A_901, %mul3A_902 : vector<16xf32>
        %mul3A_904 = arith.mulf %gather3A_343, %gather3A_898 : vector<16xf32>
        %add3A_905 = arith.addf %add3A_903, %mul3A_904 : vector<16xf32>
        %broadcast_in_dim3A_906 = arith.constant true
        %broadcast_in_dim3A_907 = vector.broadcast %broadcast_in_dim3A_906 : i1 to vector<16xi1>
        %masked_cumsum3A_908 = tpu.scan <sum>, %add3A_905 masked %broadcast_in_dim3A_907 : vector<16xf32>, vector<16xi1> -> vector<16xf32>
        %neg3A_909 = arith.constant 0.000000e+00 : f32
        %neg3A_910 = vector.broadcast %neg3A_909 : f32 to vector<16xf32>
        %neg3A_911 = arith.subf %neg3A_910, %masked_cumsum3A_908 : vector<16xf32>
        tpu.vector_store_idx %arg17[%broadcast_in_dim3A_33, %broadcast_in_dim3A_324], %neg3A_911 masked %eq3A_6 : memref<21x512xf32, #tpu.memory_space<vmem>>[vector<16xi32>, vector<16xi32>], vector<16xf32>, vector<16xi1>
        %mul3A_912 = arith.constant 20 : i32
        %mul3A_913 = arith.muli %scan3A_318, %mul3A_912 : i32
        %add3A_914 = arith.constant 32 : i32
        %add3A_915 = arith.addi %add3A_914, %mul3A_913 : i32
        %add3A_916 = arith.constant 14 : i32
        %add3A_917 = arith.addi %add3A_915, %add3A_916 : i32
        %broadcast_in_dim3A_918 = vector.broadcast %add3A_917 : i32 to vector<16xi32>
        %gather3A_919 = tpu.vector_load_idx %arg14[%broadcast_in_dim3A_35, %broadcast_in_dim3A_324] : memref<20x512xi32, #tpu.memory_space<vmem>>[vector<16xi32>, vector<16xi32>], vector<16xi32>,
        %add3A_920 = arith.addi %gather3A_919, %iota3A : vector<16xi32>
        %add3A_921 = arith.constant 0 : i32
        %add3A_922 = vector.broadcast %add3A_921 : i32 to vector<16xi32>
        %add3A_923 = arith.addi %add3A_920, %add3A_922 : vector<16xi32>
        %gather3A_924 = tpu.vector_load_idx %arg16[%broadcast_in_dim3A_918, %add3A_923] : memref<352x128xf32, #tpu.memory_space<vmem>>[vector<16xi32>, vector<16xi32>], vector<16xf32>,
        %add3A_925 = arith.constant 16 : i32
        %add3A_926 = vector.broadcast %add3A_925 : i32 to vector<16xi32>
        %add3A_927 = arith.addi %add3A_920, %add3A_926 : vector<16xi32>
        %gather3A_928 = tpu.vector_load_idx %arg16[%broadcast_in_dim3A_918, %add3A_927] : memref<352x128xf32, #tpu.memory_space<vmem>>[vector<16xi32>, vector<16xi32>], vector<16xf32>,
        %add3A_929 = arith.constant 32 : i32
        %add3A_930 = vector.broadcast %add3A_929 : i32 to vector<16xi32>
        %add3A_931 = arith.addi %add3A_920, %add3A_930 : vector<16xi32>
        %gather3A_932 = tpu.vector_load_idx %arg16[%broadcast_in_dim3A_918, %add3A_931] : memref<352x128xf32, #tpu.memory_space<vmem>>[vector<16xi32>, vector<16xi32>], vector<16xf32>,
        %add3A_933 = arith.constant 48 : i32
        %add3A_934 = vector.broadcast %add3A_933 : i32 to vector<16xi32>
        %add3A_935 = arith.addi %add3A_920, %add3A_934 : vector<16xi32>
        %gather3A_936 = tpu.vector_load_idx %arg16[%broadcast_in_dim3A_918, %add3A_935] : memref<352x128xf32, #tpu.memory_space<vmem>>[vector<16xi32>, vector<16xi32>], vector<16xf32>,
        %mul3A_937 = arith.mulf %gather3A_331, %gather3A_924 : vector<16xf32>
        %mul3A_938 = arith.mulf %gather3A_335, %gather3A_928 : vector<16xf32>
        %add3A_939 = arith.addf %mul3A_937, %mul3A_938 : vector<16xf32>
        %mul3A_940 = arith.mulf %gather3A_339, %gather3A_932 : vector<16xf32>
        %add3A_941 = arith.addf %add3A_939, %mul3A_940 : vector<16xf32>
        %mul3A_942 = arith.mulf %gather3A_343, %gather3A_936 : vector<16xf32>
        %add3A_943 = arith.addf %add3A_941, %mul3A_942 : vector<16xf32>
        %broadcast_in_dim3A_944 = arith.constant true
        %broadcast_in_dim3A_945 = vector.broadcast %broadcast_in_dim3A_944 : i1 to vector<16xi1>
        %masked_cumsum3A_946 = tpu.scan <sum>, %add3A_943 masked %broadcast_in_dim3A_945 : vector<16xf32>, vector<16xi1> -> vector<16xf32>
        %neg3A_947 = arith.constant 0.000000e+00 : f32
        %neg3A_948 = vector.broadcast %neg3A_947 : f32 to vector<16xf32>
        %neg3A_949 = arith.subf %neg3A_948, %masked_cumsum3A_946 : vector<16xf32>
        tpu.vector_store_idx %arg17[%broadcast_in_dim3A_35, %broadcast_in_dim3A_324], %neg3A_949 masked %eq3A_6 : memref<21x512xf32, #tpu.memory_space<vmem>>[vector<16xi32>, vector<16xi32>], vector<16xf32>, vector<16xi1>
        %mul3A_950 = arith.constant 20 : i32
        %mul3A_951 = arith.muli %scan3A_318, %mul3A_950 : i32
        %add3A_952 = arith.constant 32 : i32
        %add3A_953 = arith.addi %add3A_952, %mul3A_951 : i32
        %add3A_954 = arith.constant 15 : i32
        %add3A_955 = arith.addi %add3A_953, %add3A_954 : i32
        %broadcast_in_dim3A_956 = vector.broadcast %add3A_955 : i32 to vector<16xi32>
        %gather3A_957 = tpu.vector_load_idx %arg14[%broadcast_in_dim3A_37, %broadcast_in_dim3A_324] : memref<20x512xi32, #tpu.memory_space<vmem>>[vector<16xi32>, vector<16xi32>], vector<16xi32>,
        %add3A_958 = arith.addi %gather3A_957, %iota3A : vector<16xi32>
        %add3A_959 = arith.constant 0 : i32
        %add3A_960 = vector.broadcast %add3A_959 : i32 to vector<16xi32>
        %add3A_961 = arith.addi %add3A_958, %add3A_960 : vector<16xi32>
        %gather3A_962 = tpu.vector_load_idx %arg16[%broadcast_in_dim3A_956, %add3A_961] : memref<352x128xf32, #tpu.memory_space<vmem>>[vector<16xi32>, vector<16xi32>], vector<16xf32>,
        %add3A_963 = arith.constant 16 : i32
        %add3A_964 = vector.broadcast %add3A_963 : i32 to vector<16xi32>
        %add3A_965 = arith.addi %add3A_958, %add3A_964 : vector<16xi32>
        %gather3A_966 = tpu.vector_load_idx %arg16[%broadcast_in_dim3A_956, %add3A_965] : memref<352x128xf32, #tpu.memory_space<vmem>>[vector<16xi32>, vector<16xi32>], vector<16xf32>,
        %add3A_967 = arith.constant 32 : i32
        %add3A_968 = vector.broadcast %add3A_967 : i32 to vector<16xi32>
        %add3A_969 = arith.addi %add3A_958, %add3A_968 : vector<16xi32>
        %gather3A_970 = tpu.vector_load_idx %arg16[%broadcast_in_dim3A_956, %add3A_969] : memref<352x128xf32, #tpu.memory_space<vmem>>[vector<16xi32>, vector<16xi32>], vector<16xf32>,
        %add3A_971 = arith.constant 48 : i32
        %add3A_972 = vector.broadcast %add3A_971 : i32 to vector<16xi32>
        %add3A_973 = arith.addi %add3A_958, %add3A_972 : vector<16xi32>
        %gather3A_974 = tpu.vector_load_idx %arg16[%broadcast_in_dim3A_956, %add3A_973] : memref<352x128xf32, #tpu.memory_space<vmem>>[vector<16xi32>, vector<16xi32>], vector<16xf32>,
        %mul3A_975 = arith.mulf %gather3A_331, %gather3A_962 : vector<16xf32>
        %mul3A_976 = arith.mulf %gather3A_335, %gather3A_966 : vector<16xf32>
        %add3A_977 = arith.addf %mul3A_975, %mul3A_976 : vector<16xf32>
        %mul3A_978 = arith.mulf %gather3A_339, %gather3A_970 : vector<16xf32>
        %add3A_979 = arith.addf %add3A_977, %mul3A_978 : vector<16xf32>
        %mul3A_980 = arith.mulf %gather3A_343, %gather3A_974 : vector<16xf32>
        %add3A_981 = arith.addf %add3A_979, %mul3A_980 : vector<16xf32>
        %broadcast_in_dim3A_982 = arith.constant true
        %broadcast_in_dim3A_983 = vector.broadcast %broadcast_in_dim3A_982 : i1 to vector<16xi1>
        %masked_cumsum3A_984 = tpu.scan <sum>, %add3A_981 masked %broadcast_in_dim3A_983 : vector<16xf32>, vector<16xi1> -> vector<16xf32>
        %neg3A_985 = arith.constant 0.000000e+00 : f32
        %neg3A_986 = vector.broadcast %neg3A_985 : f32 to vector<16xf32>
        %neg3A_987 = arith.subf %neg3A_986, %masked_cumsum3A_984 : vector<16xf32>
        tpu.vector_store_idx %arg17[%broadcast_in_dim3A_37, %broadcast_in_dim3A_324], %neg3A_987 masked %eq3A_6 : memref<21x512xf32, #tpu.memory_space<vmem>>[vector<16xi32>, vector<16xi32>], vector<16xf32>, vector<16xi1>
        %mul3A_988 = arith.constant 20 : i32
        %mul3A_989 = arith.muli %scan3A_318, %mul3A_988 : i32
        %add3A_990 = arith.constant 32 : i32
        %add3A_991 = arith.addi %add3A_990, %mul3A_989 : i32
        %add3A_992 = arith.constant 16 : i32
        %add3A_993 = arith.addi %add3A_991, %add3A_992 : i32
        %broadcast_in_dim3A_994 = vector.broadcast %add3A_993 : i32 to vector<16xi32>
        %gather3A_995 = tpu.vector_load_idx %arg14[%broadcast_in_dim3A_39, %broadcast_in_dim3A_324] : memref<20x512xi32, #tpu.memory_space<vmem>>[vector<16xi32>, vector<16xi32>], vector<16xi32>,
        %add3A_996 = arith.addi %gather3A_995, %iota3A : vector<16xi32>
        %add3A_997 = arith.constant 0 : i32
        %add3A_998 = vector.broadcast %add3A_997 : i32 to vector<16xi32>
        %add3A_999 = arith.addi %add3A_996, %add3A_998 : vector<16xi32>
        %gather3A_1000 = tpu.vector_load_idx %arg16[%broadcast_in_dim3A_994, %add3A_999] : memref<352x128xf32, #tpu.memory_space<vmem>>[vector<16xi32>, vector<16xi32>], vector<16xf32>,
        %add3A_1001 = arith.constant 16 : i32
        %add3A_1002 = vector.broadcast %add3A_1001 : i32 to vector<16xi32>
        %add3A_1003 = arith.addi %add3A_996, %add3A_1002 : vector<16xi32>
        %gather3A_1004 = tpu.vector_load_idx %arg16[%broadcast_in_dim3A_994, %add3A_1003] : memref<352x128xf32, #tpu.memory_space<vmem>>[vector<16xi32>, vector<16xi32>], vector<16xf32>,
        %add3A_1005 = arith.constant 32 : i32
        %add3A_1006 = vector.broadcast %add3A_1005 : i32 to vector<16xi32>
        %add3A_1007 = arith.addi %add3A_996, %add3A_1006 : vector<16xi32>
        %gather3A_1008 = tpu.vector_load_idx %arg16[%broadcast_in_dim3A_994, %add3A_1007] : memref<352x128xf32, #tpu.memory_space<vmem>>[vector<16xi32>, vector<16xi32>], vector<16xf32>,
        %add3A_1009 = arith.constant 48 : i32
        %add3A_1010 = vector.broadcast %add3A_1009 : i32 to vector<16xi32>
        %add3A_1011 = arith.addi %add3A_996, %add3A_1010 : vector<16xi32>
        %gather3A_1012 = tpu.vector_load_idx %arg16[%broadcast_in_dim3A_994, %add3A_1011] : memref<352x128xf32, #tpu.memory_space<vmem>>[vector<16xi32>, vector<16xi32>], vector<16xf32>,
        %mul3A_1013 = arith.mulf %gather3A_331, %gather3A_1000 : vector<16xf32>
        %mul3A_1014 = arith.mulf %gather3A_335, %gather3A_1004 : vector<16xf32>
        %add3A_1015 = arith.addf %mul3A_1013, %mul3A_1014 : vector<16xf32>
        %mul3A_1016 = arith.mulf %gather3A_339, %gather3A_1008 : vector<16xf32>
        %add3A_1017 = arith.addf %add3A_1015, %mul3A_1016 : vector<16xf32>
        %mul3A_1018 = arith.mulf %gather3A_343, %gather3A_1012 : vector<16xf32>
        %add3A_1019 = arith.addf %add3A_1017, %mul3A_1018 : vector<16xf32>
        %broadcast_in_dim3A_1020 = arith.constant true
        %broadcast_in_dim3A_1021 = vector.broadcast %broadcast_in_dim3A_1020 : i1 to vector<16xi1>
        %masked_cumsum3A_1022 = tpu.scan <sum>, %add3A_1019 masked %broadcast_in_dim3A_1021 : vector<16xf32>, vector<16xi1> -> vector<16xf32>
        %neg3A_1023 = arith.constant 0.000000e+00 : f32
        %neg3A_1024 = vector.broadcast %neg3A_1023 : f32 to vector<16xf32>
        %neg3A_1025 = arith.subf %neg3A_1024, %masked_cumsum3A_1022 : vector<16xf32>
        tpu.vector_store_idx %arg17[%broadcast_in_dim3A_39, %broadcast_in_dim3A_324], %neg3A_1025 masked %eq3A_6 : memref<21x512xf32, #tpu.memory_space<vmem>>[vector<16xi32>, vector<16xi32>], vector<16xf32>, vector<16xi1>
        %mul3A_1026 = arith.constant 20 : i32
        %mul3A_1027 = arith.muli %scan3A_318, %mul3A_1026 : i32
        %add3A_1028 = arith.constant 32 : i32
        %add3A_1029 = arith.addi %add3A_1028, %mul3A_1027 : i32
        %add3A_1030 = arith.constant 17 : i32
        %add3A_1031 = arith.addi %add3A_1029, %add3A_1030 : i32
        %broadcast_in_dim3A_1032 = vector.broadcast %add3A_1031 : i32 to vector<16xi32>
        %gather3A_1033 = tpu.vector_load_idx %arg14[%broadcast_in_dim3A_41, %broadcast_in_dim3A_324] : memref<20x512xi32, #tpu.memory_space<vmem>>[vector<16xi32>, vector<16xi32>], vector<16xi32>,
        %add3A_1034 = arith.addi %gather3A_1033, %iota3A : vector<16xi32>
        %add3A_1035 = arith.constant 0 : i32
        %add3A_1036 = vector.broadcast %add3A_1035 : i32 to vector<16xi32>
        %add3A_1037 = arith.addi %add3A_1034, %add3A_1036 : vector<16xi32>
        %gather3A_1038 = tpu.vector_load_idx %arg16[%broadcast_in_dim3A_1032, %add3A_1037] : memref<352x128xf32, #tpu.memory_space<vmem>>[vector<16xi32>, vector<16xi32>], vector<16xf32>,
        %add3A_1039 = arith.constant 16 : i32
        %add3A_1040 = vector.broadcast %add3A_1039 : i32 to vector<16xi32>
        %add3A_1041 = arith.addi %add3A_1034, %add3A_1040 : vector<16xi32>
        %gather3A_1042 = tpu.vector_load_idx %arg16[%broadcast_in_dim3A_1032, %add3A_1041] : memref<352x128xf32, #tpu.memory_space<vmem>>[vector<16xi32>, vector<16xi32>], vector<16xf32>,
        %add3A_1043 = arith.constant 32 : i32
        %add3A_1044 = vector.broadcast %add3A_1043 : i32 to vector<16xi32>
        %add3A_1045 = arith.addi %add3A_1034, %add3A_1044 : vector<16xi32>
        %gather3A_1046 = tpu.vector_load_idx %arg16[%broadcast_in_dim3A_1032, %add3A_1045] : memref<352x128xf32, #tpu.memory_space<vmem>>[vector<16xi32>, vector<16xi32>], vector<16xf32>,
        %add3A_1047 = arith.constant 48 : i32
        %add3A_1048 = vector.broadcast %add3A_1047 : i32 to vector<16xi32>
        %add3A_1049 = arith.addi %add3A_1034, %add3A_1048 : vector<16xi32>
        %gather3A_1050 = tpu.vector_load_idx %arg16[%broadcast_in_dim3A_1032, %add3A_1049] : memref<352x128xf32, #tpu.memory_space<vmem>>[vector<16xi32>, vector<16xi32>], vector<16xf32>,
        %mul3A_1051 = arith.mulf %gather3A_331, %gather3A_1038 : vector<16xf32>
        %mul3A_1052 = arith.mulf %gather3A_335, %gather3A_1042 : vector<16xf32>
        %add3A_1053 = arith.addf %mul3A_1051, %mul3A_1052 : vector<16xf32>
        %mul3A_1054 = arith.mulf %gather3A_339, %gather3A_1046 : vector<16xf32>
        %add3A_1055 = arith.addf %add3A_1053, %mul3A_1054 : vector<16xf32>
        %mul3A_1056 = arith.mulf %gather3A_343, %gather3A_1050 : vector<16xf32>
        %add3A_1057 = arith.addf %add3A_1055, %mul3A_1056 : vector<16xf32>
        %broadcast_in_dim3A_1058 = arith.constant true
        %broadcast_in_dim3A_1059 = vector.broadcast %broadcast_in_dim3A_1058 : i1 to vector<16xi1>
        %masked_cumsum3A_1060 = tpu.scan <sum>, %add3A_1057 masked %broadcast_in_dim3A_1059 : vector<16xf32>, vector<16xi1> -> vector<16xf32>
        %neg3A_1061 = arith.constant 0.000000e+00 : f32
        %neg3A_1062 = vector.broadcast %neg3A_1061 : f32 to vector<16xf32>
        %neg3A_1063 = arith.subf %neg3A_1062, %masked_cumsum3A_1060 : vector<16xf32>
        tpu.vector_store_idx %arg17[%broadcast_in_dim3A_41, %broadcast_in_dim3A_324], %neg3A_1063 masked %eq3A_6 : memref<21x512xf32, #tpu.memory_space<vmem>>[vector<16xi32>, vector<16xi32>], vector<16xf32>, vector<16xi1>
        %mul3A_1064 = arith.constant 20 : i32
        %mul3A_1065 = arith.muli %scan3A_318, %mul3A_1064 : i32
        %add3A_1066 = arith.constant 32 : i32
        %add3A_1067 = arith.addi %add3A_1066, %mul3A_1065 : i32
        %add3A_1068 = arith.constant 18 : i32
        %add3A_1069 = arith.addi %add3A_1067, %add3A_1068 : i32
        %broadcast_in_dim3A_1070 = vector.broadcast %add3A_1069 : i32 to vector<16xi32>
        %gather3A_1071 = tpu.vector_load_idx %arg14[%broadcast_in_dim3A_43, %broadcast_in_dim3A_324] : memref<20x512xi32, #tpu.memory_space<vmem>>[vector<16xi32>, vector<16xi32>], vector<16xi32>,
        %add3A_1072 = arith.addi %gather3A_1071, %iota3A : vector<16xi32>
        %add3A_1073 = arith.constant 0 : i32
        %add3A_1074 = vector.broadcast %add3A_1073 : i32 to vector<16xi32>
        %add3A_1075 = arith.addi %add3A_1072, %add3A_1074 : vector<16xi32>
        %gather3A_1076 = tpu.vector_load_idx %arg16[%broadcast_in_dim3A_1070, %add3A_1075] : memref<352x128xf32, #tpu.memory_space<vmem>>[vector<16xi32>, vector<16xi32>], vector<16xf32>,
        %add3A_1077 = arith.constant 16 : i32
        %add3A_1078 = vector.broadcast %add3A_1077 : i32 to vector<16xi32>
        %add3A_1079 = arith.addi %add3A_1072, %add3A_1078 : vector<16xi32>
        %gather3A_1080 = tpu.vector_load_idx %arg16[%broadcast_in_dim3A_1070, %add3A_1079] : memref<352x128xf32, #tpu.memory_space<vmem>>[vector<16xi32>, vector<16xi32>], vector<16xf32>,
        %add3A_1081 = arith.constant 32 : i32
        %add3A_1082 = vector.broadcast %add3A_1081 : i32 to vector<16xi32>
        %add3A_1083 = arith.addi %add3A_1072, %add3A_1082 : vector<16xi32>
        %gather3A_1084 = tpu.vector_load_idx %arg16[%broadcast_in_dim3A_1070, %add3A_1083] : memref<352x128xf32, #tpu.memory_space<vmem>>[vector<16xi32>, vector<16xi32>], vector<16xf32>,
        %add3A_1085 = arith.constant 48 : i32
        %add3A_1086 = vector.broadcast %add3A_1085 : i32 to vector<16xi32>
        %add3A_1087 = arith.addi %add3A_1072, %add3A_1086 : vector<16xi32>
        %gather3A_1088 = tpu.vector_load_idx %arg16[%broadcast_in_dim3A_1070, %add3A_1087] : memref<352x128xf32, #tpu.memory_space<vmem>>[vector<16xi32>, vector<16xi32>], vector<16xf32>,
        %mul3A_1089 = arith.mulf %gather3A_331, %gather3A_1076 : vector<16xf32>
        %mul3A_1090 = arith.mulf %gather3A_335, %gather3A_1080 : vector<16xf32>
        %add3A_1091 = arith.addf %mul3A_1089, %mul3A_1090 : vector<16xf32>
        %mul3A_1092 = arith.mulf %gather3A_339, %gather3A_1084 : vector<16xf32>
        %add3A_1093 = arith.addf %add3A_1091, %mul3A_1092 : vector<16xf32>
        %mul3A_1094 = arith.mulf %gather3A_343, %gather3A_1088 : vector<16xf32>
        %add3A_1095 = arith.addf %add3A_1093, %mul3A_1094 : vector<16xf32>
        %broadcast_in_dim3A_1096 = arith.constant true
        %broadcast_in_dim3A_1097 = vector.broadcast %broadcast_in_dim3A_1096 : i1 to vector<16xi1>
        %masked_cumsum3A_1098 = tpu.scan <sum>, %add3A_1095 masked %broadcast_in_dim3A_1097 : vector<16xf32>, vector<16xi1> -> vector<16xf32>
        %neg3A_1099 = arith.constant 0.000000e+00 : f32
        %neg3A_1100 = vector.broadcast %neg3A_1099 : f32 to vector<16xf32>
        %neg3A_1101 = arith.subf %neg3A_1100, %masked_cumsum3A_1098 : vector<16xf32>
        tpu.vector_store_idx %arg17[%broadcast_in_dim3A_43, %broadcast_in_dim3A_324], %neg3A_1101 masked %eq3A_6 : memref<21x512xf32, #tpu.memory_space<vmem>>[vector<16xi32>, vector<16xi32>], vector<16xf32>, vector<16xi1>
        %mul3A_1102 = arith.constant 20 : i32
        %mul3A_1103 = arith.muli %scan3A_318, %mul3A_1102 : i32
        %add3A_1104 = arith.constant 32 : i32
        %add3A_1105 = arith.addi %add3A_1104, %mul3A_1103 : i32
        %add3A_1106 = arith.constant 19 : i32
        %add3A_1107 = arith.addi %add3A_1105, %add3A_1106 : i32
        %broadcast_in_dim3A_1108 = vector.broadcast %add3A_1107 : i32 to vector<16xi32>
        %gather3A_1109 = tpu.vector_load_idx %arg14[%broadcast_in_dim3A_45, %broadcast_in_dim3A_324] : memref<20x512xi32, #tpu.memory_space<vmem>>[vector<16xi32>, vector<16xi32>], vector<16xi32>,
        %add3A_1110 = arith.addi %gather3A_1109, %iota3A : vector<16xi32>
        %add3A_1111 = arith.constant 0 : i32
        %add3A_1112 = vector.broadcast %add3A_1111 : i32 to vector<16xi32>
        %add3A_1113 = arith.addi %add3A_1110, %add3A_1112 : vector<16xi32>
        %gather3A_1114 = tpu.vector_load_idx %arg16[%broadcast_in_dim3A_1108, %add3A_1113] : memref<352x128xf32, #tpu.memory_space<vmem>>[vector<16xi32>, vector<16xi32>], vector<16xf32>,
        %add3A_1115 = arith.constant 16 : i32
        %add3A_1116 = vector.broadcast %add3A_1115 : i32 to vector<16xi32>
        %add3A_1117 = arith.addi %add3A_1110, %add3A_1116 : vector<16xi32>
        %gather3A_1118 = tpu.vector_load_idx %arg16[%broadcast_in_dim3A_1108, %add3A_1117] : memref<352x128xf32, #tpu.memory_space<vmem>>[vector<16xi32>, vector<16xi32>], vector<16xf32>,
        %add3A_1119 = arith.constant 32 : i32
        %add3A_1120 = vector.broadcast %add3A_1119 : i32 to vector<16xi32>
        %add3A_1121 = arith.addi %add3A_1110, %add3A_1120 : vector<16xi32>
        %gather3A_1122 = tpu.vector_load_idx %arg16[%broadcast_in_dim3A_1108, %add3A_1121] : memref<352x128xf32, #tpu.memory_space<vmem>>[vector<16xi32>, vector<16xi32>], vector<16xf32>,
        %add3A_1123 = arith.constant 48 : i32
        %add3A_1124 = vector.broadcast %add3A_1123 : i32 to vector<16xi32>
        %add3A_1125 = arith.addi %add3A_1110, %add3A_1124 : vector<16xi32>
        %gather3A_1126 = tpu.vector_load_idx %arg16[%broadcast_in_dim3A_1108, %add3A_1125] : memref<352x128xf32, #tpu.memory_space<vmem>>[vector<16xi32>, vector<16xi32>], vector<16xf32>,
        %mul3A_1127 = arith.mulf %gather3A_331, %gather3A_1114 : vector<16xf32>
        %mul3A_1128 = arith.mulf %gather3A_335, %gather3A_1118 : vector<16xf32>
        %add3A_1129 = arith.addf %mul3A_1127, %mul3A_1128 : vector<16xf32>
        %mul3A_1130 = arith.mulf %gather3A_339, %gather3A_1122 : vector<16xf32>
        %add3A_1131 = arith.addf %add3A_1129, %mul3A_1130 : vector<16xf32>
        %mul3A_1132 = arith.mulf %gather3A_343, %gather3A_1126 : vector<16xf32>
        %add3A_1133 = arith.addf %add3A_1131, %mul3A_1132 : vector<16xf32>
        %broadcast_in_dim3A_1134 = arith.constant true
        %broadcast_in_dim3A_1135 = vector.broadcast %broadcast_in_dim3A_1134 : i1 to vector<16xi1>
        %masked_cumsum3A_1136 = tpu.scan <sum>, %add3A_1133 masked %broadcast_in_dim3A_1135 : vector<16xf32>, vector<16xi1> -> vector<16xf32>
        %neg3A_1137 = arith.constant 0.000000e+00 : f32
        %neg3A_1138 = vector.broadcast %neg3A_1137 : f32 to vector<16xf32>
        %neg3A_1139 = arith.subf %neg3A_1138, %masked_cumsum3A_1136 : vector<16xf32>
        tpu.vector_store_idx %arg17[%broadcast_in_dim3A_45, %broadcast_in_dim3A_324], %neg3A_1139 masked %eq3A_6 : memref<21x512xf32, #tpu.memory_space<vmem>>[vector<16xi32>, vector<16xi32>], vector<16xf32>, vector<16xi1>
        %scan3A_1140 = arith.constant 0 : i32
        scf.yield %scan3A_1140 : i32
      }
      %scan3A_316 = arith.constant 16 : i32
      %scan3A_317 = arith.constant 0 : i32
      scf.yield %scan3A_317 : i32
    }
    %scan3A_84 = arith.constant 16 : i32
    %dma_wait3A = arith.constant 0 : i32
    %dma_wait3A_85 = arith.constant 0 : i32
    %dma_wait3A_86 = tpu.memref_slice %arg15[%dma_wait3A, %dma_wait3A_85] : memref<352x128xf32, #tpu.memory_space<vmem>> -> memref<16x128xf32, #tpu.memory_space<vmem>>
    %dma_wait3A_87 = arith.constant 496 : i32
    %dma_wait3A_88 = tpu.memref_slice %arg10[%dma_wait3A_87] : memref<512xi32, #tpu.memory_space<vmem>> -> memref<16xi32, #tpu.memory_space<vmem>>
    %dma_wait3A_89 = arith.constant 0 : i32
    %dma_wait3A_90 = arith.constant 0 : i32
    %dma_wait3A_91 = tpu.memref_slice %arg7[%dma_wait3A_89, %dma_wait3A_90] : memref<512000x128xf32, #tpu.memory_space<hbm>> -> memref<512000x128xf32, #tpu.memory_space<hbm>>
    tpu.wait_indirect_dma semaphore(%arg18 : memref<!tpu.dma_semaphore, #tpu.memory_space<semaphore_mem>>) src(%dma_wait3A_91 : memref<512000x128xf32, #tpu.memory_space<hbm>>) dst(%dma_wait3A_86 : memref<16x128xf32, #tpu.memory_space<vmem>>)
    %dma_wait3A_92 = arith.constant 16 : i32
    %dma_wait3A_93 = arith.constant 0 : i32
    %dma_wait3A_94 = tpu.memref_slice %arg15[%dma_wait3A_92, %dma_wait3A_93] : memref<352x128xf32, #tpu.memory_space<vmem>> -> memref<128x128xf32, #tpu.memory_space<vmem>>
    %dma_wait3A_95 = arith.constant 10416 : i32
    %dma_wait3A_96 = tpu.memref_slice %arg11[%dma_wait3A_95] : memref<10752xi32, #tpu.memory_space<vmem>> -> memref<128xi32, #tpu.memory_space<vmem>>
    %dma_wait3A_97 = arith.constant 0 : i32
    %dma_wait3A_98 = arith.constant 0 : i32
    %dma_wait3A_99 = tpu.memref_slice %arg8[%dma_wait3A_97, %dma_wait3A_98] : memref<512000x128xf32, #tpu.memory_space<hbm>> -> memref<512000x128xf32, #tpu.memory_space<hbm>>
    tpu.wait_indirect_dma semaphore(%arg18 : memref<!tpu.dma_semaphore, #tpu.memory_space<semaphore_mem>>) src(%dma_wait3A_99 : memref<512000x128xf32, #tpu.memory_space<hbm>>) dst(%dma_wait3A_94 : memref<128x128xf32, #tpu.memory_space<vmem>>)
    %dma_wait3A_100 = arith.constant 144 : i32
    %dma_wait3A_101 = arith.constant 0 : i32
    %dma_wait3A_102 = tpu.memref_slice %arg15[%dma_wait3A_100, %dma_wait3A_101] : memref<352x128xf32, #tpu.memory_space<vmem>> -> memref<128x128xf32, #tpu.memory_space<vmem>>
    %dma_wait3A_103 = arith.constant 10544 : i32
    %dma_wait3A_104 = tpu.memref_slice %arg11[%dma_wait3A_103] : memref<10752xi32, #tpu.memory_space<vmem>> -> memref<128xi32, #tpu.memory_space<vmem>>
    %dma_wait3A_105 = arith.constant 0 : i32
    %dma_wait3A_106 = arith.constant 0 : i32
    %dma_wait3A_107 = tpu.memref_slice %arg8[%dma_wait3A_105, %dma_wait3A_106] : memref<512000x128xf32, #tpu.memory_space<hbm>> -> memref<512000x128xf32, #tpu.memory_space<hbm>>
    tpu.wait_indirect_dma semaphore(%arg18 : memref<!tpu.dma_semaphore, #tpu.memory_space<semaphore_mem>>) src(%dma_wait3A_107 : memref<512000x128xf32, #tpu.memory_space<hbm>>) dst(%dma_wait3A_102 : memref<128x128xf32, #tpu.memory_space<vmem>>)
    %dma_wait3A_108 = arith.constant 272 : i32
    %dma_wait3A_109 = arith.constant 0 : i32
    %dma_wait3A_110 = tpu.memref_slice %arg15[%dma_wait3A_108, %dma_wait3A_109] : memref<352x128xf32, #tpu.memory_space<vmem>> -> memref<80x128xf32, #tpu.memory_space<vmem>>
    %dma_wait3A_111 = arith.constant 10672 : i32
    %dma_wait3A_112 = tpu.memref_slice %arg11[%dma_wait3A_111] : memref<10752xi32, #tpu.memory_space<vmem>> -> memref<80xi32, #tpu.memory_space<vmem>>
    %dma_wait3A_113 = arith.constant 0 : i32
    %dma_wait3A_114 = arith.constant 0 : i32
    %dma_wait3A_115 = tpu.memref_slice %arg8[%dma_wait3A_113, %dma_wait3A_114] : memref<512000x128xf32, #tpu.memory_space<hbm>> -> memref<512000x128xf32, #tpu.memory_space<hbm>>
    tpu.wait_indirect_dma semaphore(%arg18 : memref<!tpu.dma_semaphore, #tpu.memory_space<semaphore_mem>>) src(%dma_wait3A_115 : memref<512000x128xf32, #tpu.memory_space<hbm>>) dst(%dma_wait3A_110 : memref<80x128xf32, #tpu.memory_space<vmem>>)
    %mul3A_116 = arith.constant 21 : i32
    %mul3A_117 = arith.muli %add3A, %mul3A_116 : i32
    "tpu.region"() ({
      %run_scoped3A = tpu.sem_alloc : memref<!tpu.dma_semaphore, #tpu.memory_space<semaphore_mem>>
      %dma_start3A_118 = arith.constant 0 : i32
      %dma_start3A_119 = tpu.memref_slice %arg9[%mul3A_117, %dma_start3A_118] : memref<672x512xf32, #tpu.memory_space<hbm>> -> memref<21x512xf32, #tpu.memory_space<hbm>>
      %dma_start3A_120 = arith.constant 0 : i32
      %dma_start3A_121 = tpu.memref_slice %arg9[%mul3A_117, %dma_start3A_120] : memref<672x512xf32, #tpu.memory_space<hbm>> -> memref<21x512xf32, #tpu.memory_space<hbm>>
      tpu.enqueue_dma source(%arg17 : memref<21x512xf32, #tpu.memory_space<vmem>>) target(%dma_start3A_121 : memref<21x512xf32, #tpu.memory_space<hbm>>) target_semaphore(%run_scoped3A : memref<!tpu.dma_semaphore, #tpu.memory_space<semaphore_mem>>)
      %dma_wait3A_122 = arith.constant 0 : i32
      %dma_wait3A_123 = tpu.memref_slice %arg9[%mul3A_117, %dma_wait3A_122] : memref<672x512xf32, #tpu.memory_space<hbm>> -> memref<21x512xf32, #tpu.memory_space<hbm>>
      %dma_wait3A_124 = arith.constant 0 : i32
      %dma_wait3A_125 = tpu.memref_slice %arg9[%mul3A_117, %dma_wait3A_124] : memref<672x512xf32, #tpu.memory_space<hbm>> -> memref<21x512xf32, #tpu.memory_space<hbm>>
      tpu.wait_dma2 semaphore(%run_scoped3A : memref<!tpu.dma_semaphore, #tpu.memory_space<semaphore_mem>>) src(%arg17 : memref<21x512xf32, #tpu.memory_space<vmem>>) dst(%dma_wait3A_125 : memref<21x512xf32, #tpu.memory_space<hbm>>)
      tpu.yield
    }) : () -> ()
    return
  }
}

module attributes {stable_mosaic.version = 14 : i64} {
  func.func @_transpose_body(%arg0: i32, %arg1: memref<64x12800xf32, #tpu.memory_space<vmem>>, %arg2: memref<64x12800xf32, #tpu.memory_space<vmem>>, %arg3: memref<12800x128xf32, #tpu.memory_space<vmem>>) attributes {dimension_semantics = [#tpu.dimension_semantics<arbitrary>], iteration_bounds = array<i64: 40>, scalar_prefetch = 0 : i64, scratch_operands = 0 : i64, tpu.core_type = #tpu.core_type<tc>, window_params = [{transform_indices = @transform_0, window_bounds = array<i64: 64, 12800>}, {transform_indices = @transform_1, window_bounds = array<i64: 64, 12800>}, {transform_indices = @transform_2, window_bounds = array<i64: 12800, 128>}]} {
    %iota3A = tpu.iota {dimensions = array<i32: 0>} : vector<128x128xi32>
    %iota3A_0 = tpu.iota {dimensions = array<i32: 1>} : vector<128x128xi32>
    %eq3A = arith.cmpi eq, %iota3A, %iota3A_0 : vector<128x128xi32>
    %convert_element_type3A = arith.extui %eq3A : vector<128x128xi1> to vector<128x128xi32>
    %convert_element_type3A_1 = arith.sitofp %convert_element_type3A : vector<128x128xi32> to vector<128x128xf32>
    %get3A = arith.constant 0 : index
    %get3A_2 = arith.constant 0 : index
    %get3A_3 = vector.load %arg1[%get3A, %get3A_2] : memref<64x12800xf32, #tpu.memory_space<vmem>>, vector<64x12800xf32>
    %get3A_4 = arith.constant 0 : index
    %get3A_5 = arith.constant 0 : index
    %get3A_6 = vector.load %arg2[%get3A_4, %get3A_5] : memref<64x12800xf32, #tpu.memory_space<vmem>>, vector<64x12800xf32>
    %concatenate3A = tpu.concatenate %get3A_3, %get3A_6 in 0 : vector<64x12800xf32>, vector<64x12800xf32> -> vector<128x12800xf32>
    %dot_general3A = arith.constant dense<0.000000e+00> : vector<12800x128xf32>
    %dot_general3A_7 = tpu.matmul %concatenate3A, %convert_element_type3A_1, %dot_general3A {dimension_numbers = #tpu.dot_dimension_numbers<[0], [0], [1], [1], [0, 1, 1, 1], [], []>, transpose_lhs_hint = false} : vector<128x12800xf32>, vector<128x128xf32>, vector<12800x128xf32> -> vector<12800x128xf32>
    %swap3A = arith.constant 0 : index
    %swap3A_8 = arith.constant 0 : index
    %swap3A_9 = vector.load %arg3[%swap3A, %swap3A_8] : memref<12800x128xf32, #tpu.memory_space<vmem>>, vector<12800x128xf32>
    tpu.vector_store %arg3[%swap3A, %swap3A_8], %dot_general3A_7 {strides = array<i32>} : memref<12800x128xf32, #tpu.memory_space<vmem>>, vector<12800x128xf32>,
    return
  }
  func.func @transform_0(%arg0: i32) -> (i32, i32) {
    %mul3A = arith.constant 2 : i32
    %mul3A_0 = arith.muli %mul3A, %arg0 : i32
    %c0_i32 = arith.constant 0 : i32
    %c0_i32_1 = arith.constant 0 : i32
    return %c0_i32, %mul3A_0 : i32, i32
  }
  func.func @transform_1(%arg0: i32) -> (i32, i32) {
    %mul3A = arith.constant 2 : i32
    %mul3A_0 = arith.muli %mul3A, %arg0 : i32
    %add3A = arith.constant 1 : i32
    %add3A_1 = arith.addi %mul3A_0, %add3A : i32
    %min3A = arith.constant 78 : i32
    %min3A_2 = arith.minsi %add3A_1, %min3A : i32
    %c0_i32 = arith.constant 0 : i32
    %c0_i32_3 = arith.constant 0 : i32
    return %c0_i32, %min3A_2 : i32, i32
  }
  func.func @transform_2(%arg0: i32) -> (i32, i32) {
    %c0_i32 = arith.constant 0 : i32
    %c0_i32_0 = arith.constant 0 : i32
    return %arg0, %c0_i32 : i32, i32
  }
}

module attributes {stable_mosaic.version = 14 : i64} {
  func.func @_loss_body(%arg0: memref<672x512xf32, #tpu.memory_space<vmem>>, %arg1: memref<1x1xf32, #tpu.memory_space<smem>>) attributes {dimension_semantics = [], scalar_prefetch = 0 : i64, scratch_operands = 0 : i64, tpu.core_type = #tpu.core_type<tc>} {
    %get3A = arith.constant 0 : index
    %get3A_0 = arith.constant 0 : index
    %get3A_1 = vector.load %arg0[%get3A, %get3A_0] : memref<672x512xf32, #tpu.memory_space<vmem>>, vector<672x512xf32>
    %min3A = arith.constant 0.000000e+00 : f32
    %min3A_2 = vector.broadcast %min3A : f32 to vector<672x512xf32>
    %min3A_3 = arith.minimumf %get3A_1, %min3A_2 : vector<672x512xf32>
    %abs3A = math.absf %get3A_1 : vector<672x512xf32>
    %neg3A = arith.constant 0.000000e+00 : f32
    %neg3A_4 = vector.broadcast %neg3A : f32 to vector<672x512xf32>
    %neg3A_5 = arith.subf %neg3A_4, %abs3A : vector<672x512xf32>
    %exp3A = math.exp %neg3A_5 : vector<672x512xf32>
    %log1p3A = math.log1p %exp3A : vector<672x512xf32>
    %sub3A = arith.subf %min3A_3, %log1p3A : vector<672x512xf32>
    %reduce_sum3A = vector.shape_cast %sub3A : vector<672x512xf32> to vector<1x672x512xf32>
    %reduce_sum3A_6 = arith.constant dense<0.000000e+00> : vector<1xf32>
    %reduce_sum3A_7 = vector.multi_reduction <add>, %reduce_sum3A, %reduce_sum3A_6 [1, 2] : vector<1x672x512xf32> to vector<1xf32>
    %reduce_sum3A_8 = vector.shape_cast %reduce_sum3A_7 : vector<1xf32> to vector<1x1x1xf32>
    %reduce_sum3A_9 = vector.extract %reduce_sum3A_8[0, 0, 0] : f32 from vector<1x1x1xf32>
    %neg3A_10 = arith.constant 0.000000e+00 : f32
    %neg3A_11 = arith.subf %neg3A_10, %reduce_sum3A_9 : f32
    %mul3A = arith.constant 6.10351563E-5 : f32
    %mul3A_12 = arith.mulf %neg3A_11, %mul3A : f32
    %swap3A = arith.constant 0 : index
    %swap3A_13 = arith.constant 0 : index
    %swap3A_14 = memref.load %arg1[%swap3A, %swap3A_13] : memref<1x1xf32, #tpu.memory_space<smem>>
    memref.store %mul3A_12, %arg1[%swap3A, %swap3A_13] : memref<1x1xf32, #tpu.memory_space<smem>>
    return
  }
}

</mosaic_0001>

<sc_bundles>
// kernel: kernel.6.cloned.1.call-start
scs
__scs_entry_jumppad:
0x0: {  	(pc) =	sbr.rel $0x88, $3  }
0x1: {  	(tag) =	ssettag $0x0;
	lr =	simm.s32 $0x1  }
0x2: {  	[smem:$0x3F9C] =	sst lr;
	_ =	strace $0xD0000000  }
0x3: {  	_ = 	snop  }
0x4: {  	_ = 	snop  }
0x5: {  	_ = 	snop  }
0x6: {  	_ = 	snop  }
0x7: {  	_ = 	snop  }
__scs_overlays_trampoline_lowered:
0x8: {  	[smem:$0x3FAB] =	sst s0  }
0x9: {  	[smem:$0x3FAC] =	sst s1  }
0xa: {  	[smem:$0x3FAD] =	sst s2  }
0xb: {  	[smem:$0x3FAE] =	sst s3  }
0xc: {  	[smem:$0x3FAF] =	sst s4  }
0xd: {  	[smem:$0x3FB0] =	sst s5  }
0xe: {  	[smem:$0x3FB1] =	sst s6  }
0xf: {  	[smem:$0x3FB2] =	sst s7  }
0x10: {  	[smem:$0x3FB3] =	sst s8  }
0x11: {  	[smem:$0x3FB4] =	sst s9;
	s0 =	simm.s32 @!p0 $0x0  }
0x12: {  	s1 =	sld [smem:$0x3F9A];
	s0 =	simm.s32 @p0 $0x1  }
0x13: {  	[smem:$0x3FB5] =	sst s0;
	s0 =	simm.s32 @!p1 $0x0  }
0x14: {  	s2 =	sld [smem:$0x3F99];
	s0 =	simm.s32 @p1 $0x1  }
0x15: {  	[smem:$0x3FB6] =	sst s0;
	s0 =	simm.s32 @!p2 $0x0  }
0x16: {  	s3 =	sld [smem:$0x3FDB];
	s0 =	simm.s32 @p2 $0x1  }
0x17: {  	s4 =	simm.s32 $0x1BF5;
	[smem:$0x3FB8] =	sst s0  }
0x18: {  	s0 =	sld [smem:$0x3F9B];
	_ =	swait.ge [sflag:s4], $0x0  }
0x19: {  	s7 =	sld [smem:$0x3F9C]  }
0x1a: {  	s8 =	sadd.s32 $0xFFFFE003, lr  }
0x1b: {  	s9 =	sadd.s32 $0xFFFFFEF7, lr;
	s5 =	simm.s32 $0xFFFFFFFF;
	p2 =	slt.u32 s8, $0xFFFFF086  }
0x1c: {  	p1 =	slt.u32 s9, $0xF7A;
	s5 =	simm.s32 @!p2 $0x0  }
0x1d: {  	s5 =	simm.s32 @p1 $0x1;
	p0 =	seq.s32 s7, s2  }
0x1e: {  	s7 =	smul.u32 @!p0 $0xF7A, s2;
	p2 =	seq.s32 @!p0 s5, $0x0  }
0x1f: {  	s9 =	smul.u32 $0xF7A, s1;
	s8 =	simm.s32 @!p0 $0x1BF5;
	p2 =	por !p2, p0  }
0x20: {  	[sflag:s8] =	ssyncset.s32 @!p0 $0xFFFFF086;
	s6 =	sadd.s32 @!p0 s3, s7;
	s7 =	simm.s32 @!p0 $0x108  }
0x21: {  	s3 =	sadd.s32 s3, s9;
	s6 =	sadd.s32 @!p0 $0x88, s6;
	s7 =	simm.s32 @p2 $0x1082  }
0x22: {  	[simem:s7], [sflag:s8] =	dma.local @!p0 [hbm:s6], $0xF7A  }
0x23: {  	s9 =	sor.u32 $0xD0000000, s2;
	s6 =	simm.s32 $0x108;
	_ =	swait.ge @!p0 [sflag:s8], $0x0  }
0x24: {  	s3 =	sadd.s32 $0x88, s3;
	s6 =	simm.s32 @!p1 $0x1082;
	[sflag:s4] =	ssyncset.s32 $0xFFFFF086  }
0x25: {  	[simem:s6], [sflag:s4] =	dma.local [hbm:s3], $0xF7A  }
0x26: {  	[smem:$0x3F9C] =	sst s1;
	(tag) =	ssettag s2;
	_ =	strace s9  }
0x27: {  	s1 =	sld [smem:$0x3FAC]  }
0x28: {  	s2 =	sld [smem:$0x3FAD]  }
0x29: {  	s4 =	sld [smem:$0x3FAF]  }
0x2a: {  	p0 =	seq.s32 s5, $0x0;
	s5 =	sld [smem:$0x3FB0]  }
0x2b: {  	s6 =	sld [smem:$0x3FB1]  }
0x2c: {  	s7 =	sld [smem:$0x3FB2]  }
0x2d: {  	s3 =	simm.s32 $0x108;
	s8 =	sld [smem:$0x3FB3]  }
0x2e: {  	s3 =	simm.s32 @!p0 $0x1082;
	s9 =	sld [smem:$0x3FB4]  }
0x2f: {  	lr =	sadd.s32 s0, s3;
	s0 =	sld [smem:$0x3FAB]  }
0x30: {  	s3 =	sld [smem:$0x3FAE]  }
0x31: {  	[smem:$0x3FB7] =	sst s10  }
0x32: {  	s10 =	sld [smem:$0x3FB5];
	_ =	sdelay $0x3  }
0x33: {  	p0 =	seq.s32 s10, $0x1;
	s10 =	sld [smem:$0x3FB7];
	_ =	sdelay $0x3  }
0x34: {  	[smem:$0x3FB7] =	sst s10  }
0x35: {  	s10 =	sld [smem:$0x3FB6];
	_ =	sdelay $0x3  }
0x36: {  	p1 =	seq.s32 s10, $0x1;
	s10 =	sld [smem:$0x3FB7];
	_ =	sdelay $0x3  }
0x37: {  	[smem:$0x3FB7] =	sst s10  }
0x38: {  	s10 =	sld [smem:$0x3FB8]  }
0x39: {  	_ = 	snop;
	(pc) =	sbr.ind lr, $3  }
0x3a: {  	_ = 	snop  }
0x3b: {  	_ = 	snop  }
0x3c: {  	p2 =	seq.s32 s10, $0x1;
	s10 =	sld [smem:$0x3FB7]  }
0x3d: {  	_ =	shalt  }
0x3e: {  	_ =	shalt  }
0x3f: {  	_ =	shalt  }
0x40: {  	_ =	shalt  }
0x41: {  	_ =	shalt  }
0x42: {  	_ =	shalt  }
0x43: {  	_ =	shalt  }
0x44: {  	_ =	shalt  }
0x45: {  	_ =	shalt  }
0x46: {  	_ =	shalt  }
0x47: {  	_ =	shalt  }
0x48: {  	_ =	shalt  }
0x49: {  	_ =	shalt  }
0x4a: {  	_ =	shalt  }
0x4b: {  	_ =	shalt  }
0x4c: {  	_ =	shalt  }
0x4d: {  	_ =	shalt  }
0x4e: {  	_ =	shalt  }
0x4f: {  	_ =	shalt  }
0x50: {  	_ =	shalt  }
0x51: {  	_ =	shalt  }
0x52: {  	_ =	shalt  }
0x53: {  	_ =	shalt  }
0x54: {  	_ =	shalt  }
0x55: {  	_ =	shalt  }
0x56: {  	_ =	shalt  }
0x57: {  	_ =	shalt  }
0x58: {  	_ =	shalt  }
0x59: {  	_ =	shalt  }
0x5a: {  	_ =	shalt  }
0x5b: {  	_ =	shalt  }
0x5c: {  	_ =	shalt  }
0x5d: {  	_ =	shalt  }
0x5e: {  	_ =	shalt  }
0x5f: {  	_ =	shalt  }
0x60: {  	_ =	shalt  }
0x61: {  	_ =	shalt  }
0x62: {  	_ =	shalt  }
0x63: {  	_ =	shalt  }
0x64: {  	_ =	shalt  }
0x65: {  	_ =	shalt  }
0x66: {  	_ =	shalt  }
0x67: {  	_ =	shalt  }
0x68: {  	_ =	shalt  }
0x69: {  	_ =	shalt  }
0x6a: {  	_ =	shalt  }
0x6b: {  	_ =	shalt  }
0x6c: {  	_ =	shalt  }
0x6d: {  	_ =	shalt  }
0x6e: {  	_ =	shalt  }
0x6f: {  	_ =	shalt  }
0x70: {  	_ =	shalt  }
0x71: {  	_ =	shalt  }
0x72: {  	_ =	shalt  }
0x73: {  	_ =	shalt  }
0x74: {  	_ =	shalt  }
0x75: {  	_ =	shalt  }
0x76: {  	_ =	shalt  }
0x77: {  	_ =	shalt  }
0x78: {  	_ =	shalt  }
0x79: {  	_ =	shalt  }
0x7a: {  	_ =	shalt  }
0x7b: {  	_ =	shalt  }
0x7c: {  	_ =	shalt  }
0x7d: {  	_ =	shalt  }
0x7e: {  	_ =	shalt  }
0x7f: {  	_ =	shalt  }
0x80: {  	_ =	shalt  }
0x81: {  	_ =	shalt  }
0x82: {  	_ =	shalt  }
0x83: {  	_ =	shalt  }
0x84: {  	_ =	shalt  }
0x85: {  	_ =	shalt  }
0x86: {  	_ =	shalt  }
0x87: {  	_ =	shalt  }
.Lfunc_end0:
.L_simem_size_0:
called_computation_lowered:
.L_overlay_start_0:
0x88: {  	s2 =	sld [smem:$0x3FD9]  }
0x89: {  	s3 =	sld [smem:$0x3FFE];
	_ =	sdelay $0x1  }
0x8a: {  	s1 =	srdreg.scid  }
0x8b: {  	s0 =	sand.u32 $0x1, s1  }
0x8c: {  	s16 =	sshll.u32 s0, $0xA;
	s2 =	sadd.s32 s3, s2  }
0x8d: {  	s2 =	sadd.s32 s2, s16  }
0x8e: {  	[smem:$0x3FC3] =	sst s2  }
0x8f: {  	_ = 	snop  }
0x90: {  	(tm) =	ssettm $0x1  }
0x91: {  	s17 =	sld [smem:$0x3FFB];
	_ =	sdelay $0x3  }
0x92: {  	_ =	strace s17  }
0x93: {  	s2 =	sld [smem:$0x3FFC];
	_ =	sdelay $0x3  }
0x94: {  	_ =	strace s2  }
0x95: {  	s2 =	sld [smem:$0x3FFD];
	_ =	sdelay $0x3  }
0x96: {  	_ =	strace s2  }
0x97: {  	_ =	strace $0x8FFFFFFF  }
0x98: {  	s18 =	sld [smem:$0x3FDB];
	_ =	sdelay $0x1  }
0x99: {  	s19 =	simm.s32 $_scs_section_size  }
0x9a: {  	s4 =	simm.s32 $_size__tile_overlayer_lowered;
	s5 =	simm.s32 $_tile_overlayer_lowered  }
0x9b: {  	s22 =	simm.s32 $0x1BFF;
	s21 =	sshll.u32 s5, $0x1;
	s2 =	sadd.s32 s19, s18  }
0x9c: {  	s6 =	simm.s32 $0x0;
	s20 =	sshll.u32 s4, $0x1;
	s4 =	sadd.s32 s21, s2  }
0x9d: {  	[timem:s6], [sflag:s22] =	dma.local [hbm:s4], s20  }
0x9e: {  	_ =	swait.ge [sflag:s22], s20  }
0x9f: {  	s3 =	ssub.s32 $0x0, s20;
	[sflag:s22] =	ssyncset.done $0x0  }
0xa0: {  	[sflag:s22] =	ssyncadd.s32 s3;
	_ =	sdelay $0x1  }
0xa1: {  	s23 =	simm.s32 $0x1B8B  }
0xa2: {  	_ =	swait.ge [sflag:s23], $0x1  }
0xa3: {  	[sflag:s23] =	ssyncset.done $0x0  }
0xa4: {  	s25 =	simm.s32 $0x1B8E;
	s24 =	sld [smem:$0x3FFE];
	[sflag:s23] =	ssyncadd.s32 $0xFFFFFFFF  }
0xa5: {  	s26 =	simm.s32 $execute0_lowered;
	[smem:$0x3FD2] =	sst s25  }
0xa6: {  	s4 =	sshll.u32 s26, $0x1;
	_ =	strace $0x80000046;
	[dreg:$0x1] =	wrdreg $0xFFFFFFFF  }
0xa7: {  	s28 =	simm.s32 $_size_execute0_lowered;
	s2 =	sadd.s32 s2, s4;
	[dreg:$0x0] =	wrdreg $0x0  }
0xa8: {  	s4 =	sshll.u32 s28, $0x1;
	[dreg:$0x2] =	wrdreg s2  }
0xa9: {  	[dreg:$0x3] =	wrdreg s4  }
0xaa: {  	[dreg:$0x4] =	wrdreg $0xC0  }
0xab: {  	_ =	task [dreg:s6], $0x5FFFF  }
0xac: {  	[dreg:$0x1] =	wrdreg $0xFFFFFFFF  }
0xad: {  	[dreg:$0x0] =	wrdreg $0x60  }
0xae: {  	[dreg:$0x2] =	wrdreg s24  }
0xaf: {  	[dreg:$0x3] =	wrdreg $0x9  }
0xb0: {  	_ =	task.clear_ibuf [dreg:s6], $0x4FFFF;
	_ =	strace $0x90000046  }
0xb1: {  	s29 =	simm.s32 $0x9;
	_ =	strace $0x80000048  }
0xb2: {  	_ =	swait.ge [sflag:s29], $0x1  }
0xb3: {  	[sflag:s29] =	ssyncadd.s32 $0xFFFFFFFF  }
0xb4: {  	_ =	strace $0x90000048  }
0xb5: {  	_ =	sfence  }
0xb6: {  	s30 =	sld [smem:$0x0];
	_ =	sdelay $0x2  }
0xb7: {  	s31 =	sshll.u32 s1, $0xD;
	s1 =	sshrl.u32 s1, $0x2  }
0xb8: {  	s3 =	sand.u32 $0x4000, s31;
	s1 =	sadd.s32 s1, s30  }
0xb9: {  	s0 =	sor.u32 s3, s0;
	s1 =	sshll.u32 s1, $0x11  }
0xba: {  	s0 =	sor.u32 s1, s0  }
0xbb: {  	s0 =	sadd.s32 $0x8F2B, s0  }
0xbc: {  	[sflag:s0] =	ssyncadd.remote.s32 $0x1  }
0xbd: {  	_ =	sfence.sel $0xFFFF  }
0xbe: {  	[dreg:$0x0] =	wrdreg $0xFFFFFFFF;
	(pc) =	sbr.abs _section_cstart, $3  }
0xbf: {  	[dreg:$0x1] =	wrdreg $0xFFFFFFFF  }
0xc0: {  	_ =	task.clear_ibuf [dreg:s6], $0x2FFFF;
	_ =	strace $0x9FFFFFFF  }
0xc1: {  	(tm) =	ssettm $0x7FFFFFFF  }
tec
execute0_lowered:
.L_overlay_start_1:
0x0: {  	(tag) =	ssettag $0x1  }
0x1: {  	s0 =	rddreg [dreg:$0x0]  }
0x2: {  	s2 =	simm.s32 $0x0;
	s1 =	srdreg.scid;
	s3 =	stileid.u32  }
0x3: {  	s12 =	simm.s32 $0x3;
	s13 =	simm.s32 $0x200;
	s14 =	simm.s32 $0x2C00  }
0x4: {  	s15 =	simm.s32 $0x2E00;
	s17 =	simm.s32 $0x3000;
	s18 =	simm.s32 $0x5800  }
0x5: {  	s19 =	simm.s32 $0x80;
	s20 =	simm.s32 $0x6000;
	s28 =	simm.s32 $0x10800  }
0x6: {  	s29 =	simm.s32 $0x11000;
	s30 =	simm.s32 $0x15000;
	s31 =	simm.s32 $0x19000  }
0x7: {  	[smem:$0x7FF] =	sst s2;
	s1 =	sand.u32 $0x1, s1;
	s3 =	sshll.u32 s3, $0x1  }
0x8: {  	s16 =	simm.s32 $0x2;
	_ =	strace $0x80000047;
	s3 =	sor.u32 s1, s3  }
0x9: {  	s1 =	ssub.s32 $0x2, s1;
	s4 =	sshll.u32 s3, $0x6;
	s5 =	smul.u32 $0x540, s3  }
0xa: {  	s3 =	sadd.s32 $0x16A00, s0;
	s7 =	sshrl.u32 s1, $0x1;
	s6 =	sadd.s32 s4, s0  }
0xb: {  	s4 =	sadd.s32 $0x7E6A00, s0;
	s1 =	ssub.s32 s1, s7;
	s21 =	sadd.s32 $0x1200, s6  }
0xc: {  	s0 =	sadd.s32 s5, s0;
	s23 =	sadd.s32 $0xA00, s6;
	[dreg:$0x2] =	wrdreg s21  }
0xd: {  	s24 =	sadd.s32 $0x1A00, s6;
	s25 =	sadd.s32 $0x2200, s6;
	[dreg:$0x4] =	wrdreg s23  }
0xe: {  	s26 =	smax.u32 s1, $0x1;
	s1 =	simm.s32 $0x1B800;
	[dreg:$0x5] =	wrdreg s24  }
0xf: {  	s22 =	sadd.s32 $0xC200, s0;
	[dreg:$0x6] =	wrdreg s25;
	s0 =	sadd.s32 $0xFB6A00, s0  }
0x10: {  	[dreg:$0x8] =	wrdreg s26;
	s23 =	simm.s32 $0x50;
	s25 =	simm.s32 $0xE000  }
0x11: {  	v0 =	vlaneseq.u32;
	vm0 =	vcmask $0x3F3C;
	s26 =	simm.s32 $0x10;
	s21 =	simm.s32 $0x0;
	[dreg:$0x3] =	wrdreg s22  }
0x12: {  	v1 =	vor.u32 $0x10, v0;
	v2 =	vor.u32 $0x20, v0;
	v3 =	vor.u32 $0x30, v0;
	[dreg:$0x7] =	wrdreg s0;
	s22 =	simm.s32 $0xA000;
	s0 =	simm.s32 $0x1  }
.LBB2_1:
0x13: {  	s5 =	rddreg [dreg:$0x2]  }
0x14: {  	[tilespmem:s2], [sflag:$0x3] =	stream.linear.gather [hbm4b:s5+s2], $0x200, $0x38;
	[tilespmem:$0x1E200] =	vst v63  }
0x15: {  	_ =	swait.ge [sflag:s12], $0x200  }
0x16: {  	[sflag:s12] =	ssyncset.done $0x0  }
0x17: {  	s7 =	rddreg [dreg:$0x3];
	[sflag:s12] =	ssyncadd.s32 $0xFFFFFE00  }
0x18: {  	[tilespmem:s13], [sflag:$0x3] =	stream.linear.gather [hbm4b:s7+s2], $0x2A00, $0x38;
	[tilespmem:$0x1E200] =	vst v63  }
0x19: {  	_ =	swait.ge [sflag:s12], $0x2A00  }
0x1a: {  	[sflag:s12] =	ssyncset.done $0x0  }
0x1b: {  	s8 =	rddreg [dreg:$0x4];
	[sflag:s12] =	ssyncadd.s32 $0xFFFFD600  }
0x1c: {  	[tilespmem:s14], [sflag:$0x3] =	stream.linear.gather [hbm4b:s8+s2], $0x200, $0x38;
	[tilespmem:$0x1E200] =	vst v63  }
0x1d: {  	_ =	swait.ge [sflag:s12], $0x200  }
0x1e: {  	[sflag:s12] =	ssyncset.done $0x0  }
0x1f: {  	s9 =	rddreg [dreg:$0x5];
	[sflag:s12] =	ssyncadd.s32 $0xFFFFFE00  }
0x20: {  	[tilespmem:s15], [sflag:$0x3] =	stream.linear.gather [hbm4b:s9+s2], $0x200, $0x38;
	[tilespmem:$0x1E200] =	vst v63  }
0x21: {  	_ =	swait.ge [sflag:s12], $0x200  }
0x22: {  	[sflag:s12] =	ssyncset.done $0x0  }
0x23: {  	s6 =	simm.s32 $0x4000;
	s10 =	rddreg [dreg:$0x6];
	[sflag:s12] =	ssyncadd.s32 $0xFFFFFE00  }
0x24: {  	[tilespmem:s17], [sflag:$0x3] =	stream.strided.gather [hbm4b:s10+s13], $0x2800, s6, s13, $0x38;
	[tilespmem:$0x1E200] =	vst v63  }
0x25: {  	_ =	swait.ge [sflag:s12], $0x2800  }
0x26: {  	[sflag:s12] =	ssyncset.done $0x0  }
0x27: {  	[sflag:s12] =	ssyncadd.s32 $0xFFFFD800  }
0x28: {  	[tilespmem:s18], [sflag:$0x1] =	stream.indirect.gather [hbm4b:s3+s26], $0x80, s2, s26, $0xb8;
	[tilespmem:$0x1E200] =	vst v63  }
0x29: {  	_ = 	snop  }
0x2a: {  	[tilespmem:s20], [sflag:$0x1] =	stream.indirect.gather [hbm4b:s4+s19], $0x80, s13, s19, $0xb8;
	[tilespmem:$0x1E200] =	vst v63  }
0x2b: {  	s11 =	simm.s32 $0x280  }
0x2c: {  	[tilespmem:s22], [sflag:$0x1] =	stream.indirect.gather [hbm4b:s4+s19], $0x80, s11, s19, $0xb8;
	[tilespmem:$0x1E200] =	vst v63  }
0x2d: {  	s24 =	simm.s32 $0x300  }
0x2e: {  	[tilespmem:s25], [sflag:$0x1] =	stream.indirect.gather [hbm4b:s4+s23], $0x80, s24, s23, $0xb8;
	[tilespmem:$0x1E200] =	vst v63  }
0x2f: {  	s5 =	simm.s32 $0x0;
	s6 =	simm.s32 $0x0;
	s24 =	simm.s32 $0x10  }
.LBB2_2:
0x30: {  	s7 =	sshllo.u32 s6, $0x1  }
0x31: {  	s8 =	sshll.u32 s7, $0x4  }
0x32: {  	s7 =	smul.u32 $0x540, s7;
	s8 =	sand.u32 $0x3FFFFFF0, s8  }
0x33: {  	[tilespmem:s28], [sflag:$0x2] =	stream.indirect.gather [hbm4b:s3+s26], $0x80, s8, s26, $0xb8;
	[tilespmem:$0x1E200] =	vst v63  }
0x34: {  	s7 =	sshra.s32 s7, $0x2  }
0x35: {  	s10 =	sadd.s32 $0x200, s7  }
0x36: {  	[tilespmem:s29], [sflag:$0x2] =	stream.indirect.gather [hbm4b:s4+s19], $0x80, s10, s19, $0xb8;
	[tilespmem:$0x1E200] =	vst v63  }
0x37: {  	s11 =	sadd.s32 $0x280, s7  }
0x38: {  	[tilespmem:s30], [sflag:$0x2] =	stream.indirect.gather [hbm4b:s4+s19], $0x80, s11, s19, $0xb8;
	[tilespmem:$0x1E200] =	vst v63  }
0x39: {  	s7 =	sadd.s32 $0x300, s7  }
0x3a: {  	[tilespmem:s31], [sflag:$0x2] =	stream.indirect.gather [hbm4b:s4+s23], $0x80, s7, s23, $0xb8;
	[tilespmem:$0x1E200] =	vst v63  }
0x3b: {  	_ =	swait.ge [sflag:s0], $0x800  }
0x3c: {  	[sflag:s0] =	ssyncset.done $0x0  }
0x3d: {  	[sflag:s0] =	ssyncadd.s32 $0xFFFFF800  }
0x3e: {  	_ =	swait.ge [sflag:s0], $0x4000  }
0x3f: {  	[sflag:s0] =	ssyncset.done $0x0  }
0x40: {  	[sflag:s0] =	ssyncadd.s32 $0xFFFFC000  }
0x41: {  	_ =	swait.ge [sflag:s0], $0x4000  }
0x42: {  	[sflag:s0] =	ssyncset.done $0x0  }
0x43: {  	[sflag:s0] =	ssyncadd.s32 $0xFFFFC000  }
0x44: {  	_ =	swait.ge [sflag:s0], $0x2800  }
0x45: {  	s9 =	simm.s32 $0x33;
	[sflag:s0] =	ssyncset.done $0x0  }
0x46: {  	s8 =	simm.s32 $0x0;
	s7 =	sshll.u32 s6, $0x1;
	[sflag:s0] =	ssyncadd.s32 $0xFFFFD800  }
.LBB2_3:
0x47: {  	s10 =	sadd.s32 s8, s5  }
0x48: {  	v9 =	vmov s10;
	_ =	sdelay $0x4  }
0x49: {  	v4 =	vld.idx.msk [tilespmem:v9+s14+$0x0], $0xffff  }
0x4a: {  	v6 =	vmov s8;
	v5 =	vld.idx.msk [tilespmem:v9+s15+$0x0], $0xffff  }
0x4b: {  	v6 =	vshll.u32 v6, $0x7  }
0x4c: {  	v6 =	vbroadcast v6, $0x0;
	_ =	sdelay $0x1  }
0x4d: {  	v48 =	vor.u32 $0x800, v6  }
0x4e: {  	v7 =	vadd.s32 v0, v4;
	v8 =	vadd.s32 v0, v5;
	v11 =	vadd.s32 v1, v4  }
0x4f: {  	v12 =	vadd.s32 v2, v4;
	v47 =	vadd.s32 v3, v4;
	v49 =	vadd.s32 v1, v5  }
0x50: {  	v16 =	vadd.s32 v2, v5;
	v17 =	vadd.s32 v3, v5;
	v10 =	vand.u32 $0xFFFFFFF8, v7  }
0x51: {  	v7 =	vand.u32 $0x7, v7;
	v13 =	vand.u32 $0xFFFFFFF8, v11;
	v11 =	vand.u32 $0x7, v11  }
0x52: {  	v14 =	vand.u32 $0xFFFFFFF8, v12;
	v12 =	vand.u32 $0x7, v12;
	v4 =	vand.u32 $0xFFFFFFF8, v8  }
0x53: {  	v8 =	vand.u32 $0x7, v8;
	v10 =	vadd.s32 v6, v10;
	v13 =	vadd.s32 v6, v13  }
0x54: {  	v14 =	vadd.s32 v6, v14;
	v4 =	vadd.s32 v48, v4;
	v7 =	vor.u32 v7, v10  }
0x55: {  	v45 =	vor.u32 v11, v13;
	v8 =	vor.u32 v8, v4;
	v4 =	vand.u32 $0xFFFFFFF8, v49  }
0x56: {  	v46 =	vor.u32 v12, v14;
	v14 =	vand.u32 $0x7, v49;
	v4 =	vadd.s32 v48, v4  }
0x57: {  	v15 =	vand.u32 $0xFFFFFFF8, v47;
	v14 =	vor.u32 v14, v4;
	v4 =	vand.u32 $0xFFFFFFF8, v16  }
0x58: {  	v50 =	vand.u32 $0x7, v16;
	v5 =	vand.u32 $0x7, v47;
	v51 =	vadd.s32 v48, v4  }
0x59: {  	v53 =	vand.u32 $0xFFFFFFF8, v17;
	v6 =	vadd.s32 v6, v15;
	v52 =	vor.u32 v50, v51;
	v4 =	vld.idx.msk [tilespmem:v7+s18+$0x0], $0xffff  }
0x5a: {  	v55 =	vand.u32 $0x7, v17;
	v56 =	vadd.s32 v48, v53;
	v54 =	vor.u32 v5, v6;
	v5 =	vld.idx.msk [tilespmem:v45+s18+$0x0], $0xffff  }
0x5b: {  	v10 =	vor.u32 v55, v56;
	v8 =	vld.idx.msk [tilespmem:v8+s18+$0x0], $0xffff  }
0x5c: {  	v57 =	vld.idx.msk [tilespmem:v14+s18+$0x0], $0xffff  }
0x5d: {  	v6 =	vld.idx.msk [tilespmem:v46+s18+$0x0], $0xffff  }
0x5e: {  	v58 =	vld.idx.msk [tilespmem:v52+s18+$0x0], $0xffff  }
0x5f: {  	v7 =	vld.idx.msk [tilespmem:v54+s18+$0x0], $0xffff  }
0x60: {  	v10 =	vld.idx.msk [tilespmem:v10+s18+$0x0], $0xffff  }
0x61: {  	v8 =	vmul.f32 v8, v4;
	v12 =	vmul.f32 v57, v5;
	_ =	sdelay $0x1  }
0x62: {  	v8 =	vadd.f32 v12, v8;
	v11 =	vmul.f32 v58, v6;
	_ =	sdelay $0x1  }
0x63: {  	v10 =	vmul.f32 v10, v7;
	v8 =	vadd.f32 v11, v8;
	_ =	sdelay $0x1  }
0x64: {  	v8 =	vadd.f32 v10, v8;
	_ =	sdelay $0x1  }
0x65: {  	(xrf2) =	vadd.scan.msk.f32 $0xffff, v8;
	_ =	sdelay $0x4  }
0x66: {  	v8 =	vand.u32 $0x1EF, v9  }
0x67: {  	v59 =	vor.u32 $0x2800, v8;
	_ =	sdelay $0x3  }
0x68: {  	v60, _, _ =	vpop (xrf2)  }
0x69: {  	[tilespmem:v59+s1+$0x0] =	vst.idx.msk vm0, v60  }
0x6a: {  	v10 =	vld.idx.msk [tilespmem:v9+s17+$0x0], $0xffff;
	_ =	sdelay $0x4  }
0x6b: {  	s10 =	sshll.u32 s9, $0x7;
	v61 =	vadd.s32 v0, v10  }
0x6c: {  	s11 =	sadd.s32 $0xFFFFF680, s10;
	v63 =	vadd.s32 v1, v10;
	v17 =	vadd.s32 v2, v10;
	v62 =	vand.u32 $0xFFFFFFF8, v61  }
0x6d: {  	v11 =	vand.u32 $0x7, v61;
	v16 =	vand.u32 $0xFFFFFFF8, v63;
	v12 =	vadd.s32 s11, v62  }
0x6e: {  	v13 =	vand.u32 $0x7, v63;
	v11 =	vor.u32 v11, v12;
	v12 =	vadd.s32 s11, v16  }
0x6f: {  	v18 =	vand.u32 $0xFFFFFFF8, v17;
	v12 =	vor.u32 v13, v12  }
0x70: {  	v10 =	vadd.s32 v3, v10;
	v14 =	vand.u32 $0x7, v17;
	v13 =	vadd.s32 s11, v18  }
0x71: {  	v19 =	vand.u32 $0xFFFFFFF8, v10;
	v13 =	vor.u32 v14, v13  }
0x72: {  	v10 =	vand.u32 $0x7, v10;
	v14 =	vadd.s32 s11, v19  }
0x73: {  	v10 =	vor.u32 v10, v14;
	v11 =	vld.idx.msk [tilespmem:v11+s18+$0x0], $0xffff  }
0x74: {  	v12 =	vld.idx.msk [tilespmem:v12+s18+$0x0], $0xffff;
	_ =	sdelay $0x1  }
0x75: {  	v13 =	vld.idx.msk [tilespmem:v13+s18+$0x0], $0xffff;
	_ =	sdelay $0x1  }
0x76: {  	v10 =	vld.idx.msk [tilespmem:v10+s18+$0x0], $0xffff  }
0x77: {  	v11 =	vmul.f32 v11, v4;
	v12 =	vmul.f32 v12, v5;
	_ =	sdelay $0x1  }
0x78: {  	v20 =	vmul.f32 v13, v6;
	v11 =	vadd.f32 v12, v11;
	_ =	sdelay $0x1  }
0x79: {  	v10 =	vmul.f32 v10, v7;
	v11 =	vadd.f32 v20, v11;
	_ =	sdelay $0x1  }
0x7a: {  	v10 =	vadd.f32 v10, v11;
	_ =	sdelay $0x1  }
0x7b: {  	(xrf2) =	vadd.scan.msk.f32 $0xffff, v10;
	_ =	sdelay $0x8  }
0x7c: {  	v21 =	vor.u32 $0x200, v8  }
0x7d: {  	v22, _, _ =	vpop (xrf2)  }
0x7e: {  	v11 =	vsub.f32 $0.0e+00, v22;
	_ =	sdelay $0x1  }
0x7f: {  	[tilespmem:v9+s1+$0x0] =	vst.idx.msk vm0, v11  }
0x80: {  	v9 =	vld.idx.msk [tilespmem:v21+s17+$0x0], $0xffff;
	_ =	sdelay $0x4  }
0x81: {  	v23 =	vadd.s32 v0, v9  }
0x82: {  	s11 =	sadd.s32 $0xFFFFF700, s10;
	v25 =	vadd.s32 v1, v9;
	v27 =	vadd.s32 v2, v9;
	v24 =	vand.u32 $0xFFFFFFF8, v23  }
0x83: {  	v11 =	vand.u32 $0x7, v23;
	v26 =	vand.u32 $0xFFFFFFF8, v25;
	v12 =	vadd.s32 s11, v24  }
0x84: {  	v13 =	vand.u32 $0x7, v25;
	v11 =	vor.u32 v11, v12;
	v12 =	vadd.s32 s11, v26  }
0x85: {  	v28 =	vand.u32 $0xFFFFFFF8, v27;
	v12 =	vor.u32 v13, v12  }
0x86: {  	v9 =	vadd.s32 v3, v9;
	v14 =	vand.u32 $0x7, v27;
	v13 =	vadd.s32 s11, v28  }
0x87: {  	v29 =	vand.u32 $0xFFFFFFF8, v9;
	v13 =	vor.u32 v14, v13  }
0x88: {  	v9 =	vand.u32 $0x7, v9;
	v14 =	vadd.s32 s11, v29  }
0x89: {  	v9 =	vor.u32 v9, v14;
	v11 =	vld.idx.msk [tilespmem:v11+s18+$0x0], $0xffff  }
0x8a: {  	v12 =	vld.idx.msk [tilespmem:v12+s18+$0x0], $0xffff;
	_ =	sdelay $0x1  }
0x8b: {  	v13 =	vld.idx.msk [tilespmem:v13+s18+$0x0], $0xffff;
	_ =	sdelay $0x1  }
0x8c: {  	v9 =	vld.idx.msk [tilespmem:v9+s18+$0x0], $0xffff  }
0x8d: {  	v11 =	vmul.f32 v11, v4;
	v12 =	vmul.f32 v12, v5;
	_ =	sdelay $0x1  }
0x8e: {  	v30 =	vmul.f32 v13, v6;
	v11 =	vadd.f32 v12, v11;
	_ =	sdelay $0x1  }
0x8f: {  	v9 =	vmul.f32 v9, v7;
	v11 =	vadd.f32 v30, v11;
	_ =	sdelay $0x1  }
0x90: {  	v9 =	vadd.f32 v9, v11;
	_ =	sdelay $0x1  }
0x91: {  	(xrf2) =	vadd.scan.msk.f32 $0xffff, v9;
	_ =	sdelay $0x8  }
0x92: {  	v31 =	vor.u32 $0x400, v8  }
0x93: {  	v32, _, _ =	vpop (xrf2)  }
0x94: {  	v11 =	vsub.f32 $0.0e+00, v32;
	_ =	sdelay $0x1  }
0x95: {  	[tilespmem:v21+s1+$0x0] =	vst.idx.msk vm0, v11  }
0x96: {  	v10 =	vld.idx.msk [tilespmem:v31+s17+$0x0], $0xffff;
	_ =	sdelay $0x4  }
0x97: {  	v33 =	vadd.s32 v0, v10  }
0x98: {  	s11 =	sadd.s32 $0xFFFFF780, s10;
	v35 =	vadd.s32 v1, v10;
	v37 =	vadd.s32 v2, v10;
	v34 =	vand.u32 $0xFFFFFFF8, v33  }
0x99: {  	v11 =	vand.u32 $0x7, v33;
	v36 =	vand.u32 $0xFFFFFFF8, v35;
	v12 =	vadd.s32 s11, v34  }
0x9a: {  	v13 =	vand.u32 $0x7, v35;
	v11 =	vor.u32 v11, v12;
	v12 =	vadd.s32 s11, v36  }
0x9b: {  	v38 =	vand.u32 $0xFFFFFFF8, v37;
	v12 =	vor.u32 v13, v12  }
0x9c: {  	v10 =	vadd.s32 v3, v10;
	v14 =	vand.u32 $0x7, v37;
	v13 =	vadd.s32 s11, v38  }
0x9d: {  	v39 =	vand.u32 $0xFFFFFFF8, v10;
	v13 =	vor.u32 v14, v13  }
0x9e: {  	v10 =	vand.u32 $0x7, v10;
	v14 =	vadd.s32 s11, v39  }
0x9f: {  	v10 =	vor.u32 v10, v14;
	v11 =	vld.idx.msk [tilespmem:v11+s18+$0x0], $0xffff  }
0xa0: {  	v12 =	vld.idx.msk [tilespmem:v12+s18+$0x0], $0xffff;
	_ =	sdelay $0x1  }
0xa1: {  	v13 =	vld.idx.msk [tilespmem:v13+s18+$0x0], $0xffff;
	_ =	sdelay $0x1  }
0xa2: {  	v10 =	vld.idx.msk [tilespmem:v10+s18+$0x0], $0xffff  }
0xa3: {  	v11 =	vmul.f32 v11, v4;
	v12 =	vmul.f32 v12, v5;
	_ =	sdelay $0x1  }
0xa4: {  	v40 =	vmul.f32 v13, v6;
	v11 =	vadd.f32 v12, v11;
	_ =	sdelay $0x1  }
0xa5: {  	v10 =	vmul.f32 v10, v7;
	v11 =	vadd.f32 v40, v11;
	_ =	sdelay $0x1  }
0xa6: {  	v10 =	vadd.f32 v10, v11;
	_ =	sdelay $0x1  }
0xa7: {  	(xrf2) =	vadd.scan.msk.f32 $0xffff, v10;
	_ =	sdelay $0x8  }
0xa8: {  	v41 =	vor.u32 $0x600, v8  }
0xa9: {  	v42, _, _ =	vpop (xrf2)  }
0xaa: {  	v11 =	vsub.f32 $0.0e+00, v42;
	_ =	sdelay $0x1  }
0xab: {  	[tilespmem:v31+s1+$0x0] =	vst.idx.msk vm0, v11  }
0xac: {  	v9 =	vld.idx.msk [tilespmem:v41+s17+$0x0], $0xffff;
	_ =	sdelay $0x4  }
0xad: {  	v43 =	vadd.s32 v0, v9  }
0xae: {  	s11 =	sadd.s32 $0xFFFFF800, s10;
	v45 =	vadd.s32 v1, v9;
	v47 =	vadd.s32 v2, v9;
	v44 =	vand.u32 $0xFFFFFFF8, v43  }
0xaf: {  	v11 =	vand.u32 $0x7, v43;
	v46 =	vand.u32 $0xFFFFFFF8, v45;
	v12 =	vadd.s32 s11, v44  }
0xb0: {  	v13 =	vand.u32 $0x7, v45;
	v11 =	vor.u32 v11, v12;
	v12 =	vadd.s32 s11, v46  }
0xb1: {  	v48 =	vand.u32 $0xFFFFFFF8, v47;
	v12 =	vor.u32 v13, v12  }
0xb2: {  	v9 =	vadd.s32 v3, v9;
	v14 =	vand.u32 $0x7, v47;
	v13 =	vadd.s32 s11, v48  }
0xb3: {  	v49 =	vand.u32 $0xFFFFFFF8, v9;
	v13 =	vor.u32 v14, v13  }
0xb4: {  	v9 =	vand.u32 $0x7, v9;
	v14 =	vadd.s32 s11, v49  }
0xb5: {  	v9 =	vor.u32 v9, v14;
	v11 =	vld.idx.msk [tilespmem:v11+s18+$0x0], $0xffff  }
0xb6: {  	v12 =	vld.idx.msk [tilespmem:v12+s18+$0x0], $0xffff;
	_ =	sdelay $0x1  }
0xb7: {  	v13 =	vld.idx.msk [tilespmem:v13+s18+$0x0], $0xffff;
	_ =	sdelay $0x1  }
0xb8: {  	v9 =	vld.idx.msk [tilespmem:v9+s18+$0x0], $0xffff  }
0xb9: {  	v11 =	vmul.f32 v11, v4;
	v12 =	vmul.f32 v12, v5;
	_ =	sdelay $0x1  }
0xba: {  	v50 =	vmul.f32 v13, v6;
	v11 =	vadd.f32 v12, v11;
	_ =	sdelay $0x1  }
0xbb: {  	v9 =	vmul.f32 v9, v7;
	v11 =	vadd.f32 v50, v11;
	_ =	sdelay $0x1  }
0xbc: {  	v9 =	vadd.f32 v9, v11;
	_ =	sdelay $0x1  }
0xbd: {  	(xrf2) =	vadd.scan.msk.f32 $0xffff, v9;
	_ =	sdelay $0x8  }
0xbe: {  	v51 =	vor.u32 $0x800, v8  }
0xbf: {  	v52, _, _ =	vpop (xrf2)  }
0xc0: {  	v11 =	vsub.f32 $0.0e+00, v52;
	_ =	sdelay $0x1  }
0xc1: {  	[tilespmem:v41+s1+$0x0] =	vst.idx.msk vm0, v11  }
0xc2: {  	v10 =	vld.idx.msk [tilespmem:v51+s17+$0x0], $0xffff;
	_ =	sdelay $0x4  }
0xc3: {  	v53 =	vadd.s32 v0, v10  }
0xc4: {  	s11 =	sadd.s32 $0xFFFFF880, s10;
	v55 =	vadd.s32 v1, v10;
	v57 =	vadd.s32 v2, v10;
	v54 =	vand.u32 $0xFFFFFFF8, v53  }
0xc5: {  	v11 =	vand.u32 $0x7, v53;
	v56 =	vand.u32 $0xFFFFFFF8, v55;
	v12 =	vadd.s32 s11, v54  }
0xc6: {  	v13 =	vand.u32 $0x7, v55;
	v11 =	vor.u32 v11, v12;
	v12 =	vadd.s32 s11, v56  }
0xc7: {  	v58 =	vand.u32 $0xFFFFFFF8, v57;
	v12 =	vor.u32 v13, v12  }
0xc8: {  	v10 =	vadd.s32 v3, v10;
	v14 =	vand.u32 $0x7, v57;
	v13 =	vadd.s32 s11, v58  }
0xc9: {  	v59 =	vand.u32 $0xFFFFFFF8, v10;
	v13 =	vor.u32 v14, v13  }
0xca: {  	v10 =	vand.u32 $0x7, v10;
	v14 =	vadd.s32 s11, v59  }
0xcb: {  	v10 =	vor.u32 v10, v14;
	v11 =	vld.idx.msk [tilespmem:v11+s18+$0x0], $0xffff  }
0xcc: {  	v12 =	vld.idx.msk [tilespmem:v12+s18+$0x0], $0xffff;
	_ =	sdelay $0x1  }
0xcd: {  	v13 =	vld.idx.msk [tilespmem:v13+s18+$0x0], $0xffff;
	_ =	sdelay $0x1  }
0xce: {  	v10 =	vld.idx.msk [tilespmem:v10+s18+$0x0], $0xffff  }
0xcf: {  	v11 =	vmul.f32 v11, v4;
	v12 =	vmul.f32 v12, v5;
	_ =	sdelay $0x1  }
0xd0: {  	v60 =	vmul.f32 v13, v6;
	v11 =	vadd.f32 v12, v11;
	_ =	sdelay $0x1  }
0xd1: {  	v10 =	vmul.f32 v10, v7;
	v11 =	vadd.f32 v60, v11;
	_ =	sdelay $0x1  }
0xd2: {  	v10 =	vadd.f32 v10, v11;
	_ =	sdelay $0x1  }
0xd3: {  	(xrf2) =	vadd.scan.msk.f32 $0xffff, v10;
	_ =	sdelay $0x8  }
0xd4: {  	v61 =	vor.u32 $0xA00, v8  }
0xd5: {  	v62, _, _ =	vpop (xrf2)  }
0xd6: {  	v11 =	vsub.f32 $0.0e+00, v62;
	_ =	sdelay $0x1  }
0xd7: {  	[tilespmem:v51+s1+$0x0] =	vst.idx.msk vm0, v11  }
0xd8: {  	v9 =	vld.idx.msk [tilespmem:v61+s17+$0x0], $0xffff;
	_ =	sdelay $0x4  }
0xd9: {  	v63 =	vadd.s32 v0, v9  }
0xda: {  	s11 =	sadd.s32 $0xFFFFF900, s10;
	v17 =	vadd.s32 v1, v9;
	v19 =	vadd.s32 v2, v9;
	v16 =	vand.u32 $0xFFFFFFF8, v63  }
0xdb: {  	v11 =	vand.u32 $0x7, v63;
	v18 =	vand.u32 $0xFFFFFFF8, v17;
	v12 =	vadd.s32 s11, v16  }
0xdc: {  	v13 =	vand.u32 $0x7, v17;
	v11 =	vor.u32 v11, v12;
	v12 =	vadd.s32 s11, v18  }
0xdd: {  	v20 =	vand.u32 $0xFFFFFFF8, v19;
	v12 =	vor.u32 v13, v12  }
0xde: {  	v9 =	vadd.s32 v3, v9;
	v14 =	vand.u32 $0x7, v19;
	v13 =	vadd.s32 s11, v20  }
0xdf: {  	v21 =	vand.u32 $0xFFFFFFF8, v9;
	v13 =	vor.u32 v14, v13  }
0xe0: {  	v9 =	vand.u32 $0x7, v9;
	v14 =	vadd.s32 s11, v21  }
0xe1: {  	v9 =	vor.u32 v9, v14;
	v11 =	vld.idx.msk [tilespmem:v11+s18+$0x0], $0xffff  }
0xe2: {  	v12 =	vld.idx.msk [tilespmem:v12+s18+$0x0], $0xffff;
	_ =	sdelay $0x1  }
0xe3: {  	v13 =	vld.idx.msk [tilespmem:v13+s18+$0x0], $0xffff;
	_ =	sdelay $0x1  }
0xe4: {  	v9 =	vld.idx.msk [tilespmem:v9+s18+$0x0], $0xffff  }
0xe5: {  	v11 =	vmul.f32 v11, v4;
	v12 =	vmul.f32 v12, v5;
	_ =	sdelay $0x1  }
0xe6: {  	v22 =	vmul.f32 v13, v6;
	v11 =	vadd.f32 v12, v11;
	_ =	sdelay $0x1  }
0xe7: {  	v9 =	vmul.f32 v9, v7;
	v11 =	vadd.f32 v22, v11;
	_ =	sdelay $0x1  }
0xe8: {  	v9 =	vadd.f32 v9, v11;
	_ =	sdelay $0x1  }
0xe9: {  	(xrf2) =	vadd.scan.msk.f32 $0xffff, v9;
	_ =	sdelay $0x8  }
0xea: {  	v23 =	vor.u32 $0xC00, v8  }
0xeb: {  	v24, _, _ =	vpop (xrf2)  }
0xec: {  	v11 =	vsub.f32 $0.0e+00, v24;
	_ =	sdelay $0x1  }
0xed: {  	[tilespmem:v61+s1+$0x0] =	vst.idx.msk vm0, v11  }
0xee: {  	v10 =	vld.idx.msk [tilespmem:v23+s17+$0x0], $0xffff;
	_ =	sdelay $0x4  }
0xef: {  	v25 =	vadd.s32 v0, v10  }
0xf0: {  	s11 =	sadd.s32 $0xFFFFF980, s10;
	v27 =	vadd.s32 v1, v10;
	v29 =	vadd.s32 v2, v10;
	v26 =	vand.u32 $0xFFFFFFF8, v25  }
0xf1: {  	v11 =	vand.u32 $0x7, v25;
	v28 =	vand.u32 $0xFFFFFFF8, v27;
	v12 =	vadd.s32 s11, v26  }
0xf2: {  	v13 =	vand.u32 $0x7, v27;
	v11 =	vor.u32 v11, v12;
	v12 =	vadd.s32 s11, v28  }
0xf3: {  	v30 =	vand.u32 $0xFFFFFFF8, v29;
	v12 =	vor.u32 v13, v12  }
0xf4: {  	v10 =	vadd.s32 v3, v10;
	v14 =	vand.u32 $0x7, v29;
	v13 =	vadd.s32 s11, v30  }
0xf5: {  	v31 =	vand.u32 $0xFFFFFFF8, v10;
	v13 =	vor.u32 v14, v13  }
0xf6: {  	v10 =	vand.u32 $0x7, v10;
	v14 =	vadd.s32 s11, v31  }
0xf7: {  	v10 =	vor.u32 v10, v14;
	v11 =	vld.idx.msk [tilespmem:v11+s18+$0x0], $0xffff  }
0xf8: {  	v12 =	vld.idx.msk [tilespmem:v12+s18+$0x0], $0xffff;
	_ =	sdelay $0x1  }
0xf9: {  	v13 =	vld.idx.msk [tilespmem:v13+s18+$0x0], $0xffff;
	_ =	sdelay $0x1  }
0xfa: {  	v10 =	vld.idx.msk [tilespmem:v10+s18+$0x0], $0xffff  }
0xfb: {  	v11 =	vmul.f32 v11, v4;
	v12 =	vmul.f32 v12, v5;
	_ =	sdelay $0x1  }
0xfc: {  	v32 =	vmul.f32 v13, v6;
	v11 =	vadd.f32 v12, v11;
	_ =	sdelay $0x1  }
0xfd: {  	v10 =	vmul.f32 v10, v7;
	v11 =	vadd.f32 v32, v11;
	_ =	sdelay $0x1  }
0xfe: {  	v10 =	vadd.f32 v10, v11;
	_ =	sdelay $0x1  }
0xff: {  	(xrf2) =	vadd.scan.msk.f32 $0xffff, v10;
	_ =	sdelay $0x8  }
0x100: {  	v33 =	vor.u32 $0xE00, v8  }
0x101: {  	v34, _, _ =	vpop (xrf2)  }
0x102: {  	v11 =	vsub.f32 $0.0e+00, v34;
	_ =	sdelay $0x1  }
0x103: {  	[tilespmem:v23+s1+$0x0] =	vst.idx.msk vm0, v11  }
0x104: {  	v9 =	vld.idx.msk [tilespmem:v33+s17+$0x0], $0xffff;
	_ =	sdelay $0x4  }
0x105: {  	v35 =	vadd.s32 v0, v9  }
0x106: {  	s11 =	sadd.s32 $0xFFFFFA00, s10;
	v37 =	vadd.s32 v1, v9;
	v39 =	vadd.s32 v2, v9;
	v36 =	vand.u32 $0xFFFFFFF8, v35  }
0x107: {  	v11 =	vand.u32 $0x7, v35;
	v38 =	vand.u32 $0xFFFFFFF8, v37;
	v12 =	vadd.s32 s11, v36  }
0x108: {  	v13 =	vand.u32 $0x7, v37;
	v11 =	vor.u32 v11, v12;
	v12 =	vadd.s32 s11, v38  }
0x109: {  	v40 =	vand.u32 $0xFFFFFFF8, v39;
	v12 =	vor.u32 v13, v12  }
0x10a: {  	v9 =	vadd.s32 v3, v9;
	v14 =	vand.u32 $0x7, v39;
	v13 =	vadd.s32 s11, v40  }
0x10b: {  	v41 =	vand.u32 $0xFFFFFFF8, v9;
	v13 =	vor.u32 v14, v13  }
0x10c: {  	v9 =	vand.u32 $0x7, v9;
	v14 =	vadd.s32 s11, v41  }
0x10d: {  	v9 =	vor.u32 v9, v14;
	v11 =	vld.idx.msk [tilespmem:v11+s18+$0x0], $0xffff  }
0x10e: {  	v12 =	vld.idx.msk [tilespmem:v12+s18+$0x0], $0xffff;
	_ =	sdelay $0x1  }
0x10f: {  	v13 =	vld.idx.msk [tilespmem:v13+s18+$0x0], $0xffff;
	_ =	sdelay $0x1  }
0x110: {  	v9 =	vld.idx.msk [tilespmem:v9+s18+$0x0], $0xffff  }
0x111: {  	v11 =	vmul.f32 v11, v4;
	v12 =	vmul.f32 v12, v5;
	_ =	sdelay $0x1  }
0x112: {  	v42 =	vmul.f32 v13, v6;
	v11 =	vadd.f32 v12, v11;
	_ =	sdelay $0x1  }
0x113: {  	v9 =	vmul.f32 v9, v7;
	v11 =	vadd.f32 v42, v11;
	_ =	sdelay $0x1  }
0x114: {  	v9 =	vadd.f32 v9, v11;
	_ =	sdelay $0x1  }
0x115: {  	(xrf2) =	vadd.scan.msk.f32 $0xffff, v9;
	_ =	sdelay $0x8  }
0x116: {  	v43 =	vor.u32 $0x1000, v8  }
0x117: {  	v44, _, _ =	vpop (xrf2)  }
0x118: {  	v11 =	vsub.f32 $0.0e+00, v44;
	_ =	sdelay $0x1  }
0x119: {  	[tilespmem:v33+s1+$0x0] =	vst.idx.msk vm0, v11  }
0x11a: {  	v10 =	vld.idx.msk [tilespmem:v43+s17+$0x0], $0xffff;
	_ =	sdelay $0x4  }
0x11b: {  	v45 =	vadd.s32 v0, v10  }
0x11c: {  	s11 =	sadd.s32 $0xFFFFFA80, s10;
	v47 =	vadd.s32 v1, v10;
	v49 =	vadd.s32 v2, v10;
	v46 =	vand.u32 $0xFFFFFFF8, v45  }
0x11d: {  	v11 =	vand.u32 $0x7, v45;
	v48 =	vand.u32 $0xFFFFFFF8, v47;
	v12 =	vadd.s32 s11, v46  }
0x11e: {  	v13 =	vand.u32 $0x7, v47;
	v11 =	vor.u32 v11, v12;
	v12 =	vadd.s32 s11, v48  }
0x11f: {  	v50 =	vand.u32 $0xFFFFFFF8, v49;
	v12 =	vor.u32 v13, v12  }
0x120: {  	v10 =	vadd.s32 v3, v10;
	v14 =	vand.u32 $0x7, v49;
	v13 =	vadd.s32 s11, v50  }
0x121: {  	v51 =	vand.u32 $0xFFFFFFF8, v10;
	v13 =	vor.u32 v14, v13  }
0x122: {  	v10 =	vand.u32 $0x7, v10;
	v14 =	vadd.s32 s11, v51  }
0x123: {  	v10 =	vor.u32 v10, v14;
	v11 =	vld.idx.msk [tilespmem:v11+s18+$0x0], $0xffff  }
0x124: {  	v12 =	vld.idx.msk [tilespmem:v12+s18+$0x0], $0xffff;
	_ =	sdelay $0x1  }
0x125: {  	v13 =	vld.idx.msk [tilespmem:v13+s18+$0x0], $0xffff;
	_ =	sdelay $0x1  }
0x126: {  	v10 =	vld.idx.msk [tilespmem:v10+s18+$0x0], $0xffff  }
0x127: {  	v11 =	vmul.f32 v11, v4;
	v12 =	vmul.f32 v12, v5;
	_ =	sdelay $0x1  }
0x128: {  	v52 =	vmul.f32 v13, v6;
	v11 =	vadd.f32 v12, v11;
	_ =	sdelay $0x1  }
0x129: {  	v10 =	vmul.f32 v10, v7;
	v11 =	vadd.f32 v52, v11;
	_ =	sdelay $0x1  }
0x12a: {  	v10 =	vadd.f32 v10, v11;
	_ =	sdelay $0x1  }
0x12b: {  	(xrf2) =	vadd.scan.msk.f32 $0xffff, v10;
	_ =	sdelay $0x8  }
0x12c: {  	v53 =	vor.u32 $0x1200, v8  }
0x12d: {  	v54, _, _ =	vpop (xrf2)  }
0x12e: {  	v11 =	vsub.f32 $0.0e+00, v54;
	_ =	sdelay $0x1  }
0x12f: {  	[tilespmem:v43+s1+$0x0] =	vst.idx.msk vm0, v11  }
0x130: {  	v9 =	vld.idx.msk [tilespmem:v53+s17+$0x0], $0xffff;
	_ =	sdelay $0x4  }
0x131: {  	v55 =	vadd.s32 v0, v9  }
0x132: {  	s11 =	sadd.s32 $0xFFFFFB00, s10;
	v57 =	vadd.s32 v1, v9;
	v59 =	vadd.s32 v2, v9;
	v56 =	vand.u32 $0xFFFFFFF8, v55  }
0x133: {  	v11 =	vand.u32 $0x7, v55;
	v58 =	vand.u32 $0xFFFFFFF8, v57;
	v12 =	vadd.s32 s11, v56  }
0x134: {  	v13 =	vand.u32 $0x7, v57;
	v11 =	vor.u32 v11, v12;
	v12 =	vadd.s32 s11, v58  }
0x135: {  	v60 =	vand.u32 $0xFFFFFFF8, v59;
	v12 =	vor.u32 v13, v12  }
0x136: {  	v9 =	vadd.s32 v3, v9;
	v14 =	vand.u32 $0x7, v59;
	v13 =	vadd.s32 s11, v60  }
0x137: {  	v61 =	vand.u32 $0xFFFFFFF8, v9;
	v13 =	vor.u32 v14, v13  }
0x138: {  	v9 =	vand.u32 $0x7, v9;
	v14 =	vadd.s32 s11, v61  }
0x139: {  	v9 =	vor.u32 v9, v14;
	v11 =	vld.idx.msk [tilespmem:v11+s18+$0x0], $0xffff  }
0x13a: {  	v12 =	vld.idx.msk [tilespmem:v12+s18+$0x0], $0xffff;
	_ =	sdelay $0x1  }
0x13b: {  	v13 =	vld.idx.msk [tilespmem:v13+s18+$0x0], $0xffff;
	_ =	sdelay $0x1  }
0x13c: {  	v9 =	vld.idx.msk [tilespmem:v9+s18+$0x0], $0xffff  }
0x13d: {  	v11 =	vmul.f32 v11, v4;
	v12 =	vmul.f32 v12, v5;
	_ =	sdelay $0x1  }
0x13e: {  	v62 =	vmul.f32 v13, v6;
	v11 =	vadd.f32 v12, v11;
	_ =	sdelay $0x1  }
0x13f: {  	v9 =	vmul.f32 v9, v7;
	v11 =	vadd.f32 v62, v11;
	_ =	sdelay $0x1  }
0x140: {  	v9 =	vadd.f32 v9, v11;
	_ =	sdelay $0x1  }
0x141: {  	(xrf2) =	vadd.scan.msk.f32 $0xffff, v9;
	_ =	sdelay $0x8  }
0x142: {  	v63 =	vor.u32 $0x1400, v8  }
0x143: {  	v16, _, _ =	vpop (xrf2)  }
0x144: {  	v11 =	vsub.f32 $0.0e+00, v16;
	_ =	sdelay $0x1  }
0x145: {  	[tilespmem:v53+s1+$0x0] =	vst.idx.msk vm0, v11  }
0x146: {  	v10 =	vld.idx.msk [tilespmem:v63+s17+$0x0], $0xffff;
	_ =	sdelay $0x4  }
0x147: {  	v17 =	vadd.s32 v0, v10  }
0x148: {  	s11 =	sadd.s32 $0xFFFFFB80, s10;
	v19 =	vadd.s32 v1, v10;
	v21 =	vadd.s32 v2, v10;
	v18 =	vand.u32 $0xFFFFFFF8, v17  }
0x149: {  	v11 =	vand.u32 $0x7, v17;
	v20 =	vand.u32 $0xFFFFFFF8, v19;
	v12 =	vadd.s32 s11, v18  }
0x14a: {  	v13 =	vand.u32 $0x7, v19;
	v11 =	vor.u32 v11, v12;
	v12 =	vadd.s32 s11, v20  }
0x14b: {  	v22 =	vand.u32 $0xFFFFFFF8, v21;
	v12 =	vor.u32 v13, v12  }
0x14c: {  	v10 =	vadd.s32 v3, v10;
	v14 =	vand.u32 $0x7, v21;
	v13 =	vadd.s32 s11, v22  }
0x14d: {  	v23 =	vand.u32 $0xFFFFFFF8, v10;
	v13 =	vor.u32 v14, v13  }
0x14e: {  	v10 =	vand.u32 $0x7, v10;
	v14 =	vadd.s32 s11, v23  }
0x14f: {  	v10 =	vor.u32 v10, v14;
	v11 =	vld.idx.msk [tilespmem:v11+s18+$0x0], $0xffff  }
0x150: {  	v12 =	vld.idx.msk [tilespmem:v12+s18+$0x0], $0xffff;
	_ =	sdelay $0x1  }
0x151: {  	v13 =	vld.idx.msk [tilespmem:v13+s18+$0x0], $0xffff;
	_ =	sdelay $0x1  }
0x152: {  	v10 =	vld.idx.msk [tilespmem:v10+s18+$0x0], $0xffff  }
0x153: {  	v11 =	vmul.f32 v11, v4;
	v12 =	vmul.f32 v12, v5;
	_ =	sdelay $0x1  }
0x154: {  	v24 =	vmul.f32 v13, v6;
	v11 =	vadd.f32 v12, v11;
	_ =	sdelay $0x1  }
0x155: {  	v10 =	vmul.f32 v10, v7;
	v11 =	vadd.f32 v24, v11;
	_ =	sdelay $0x1  }
0x156: {  	v10 =	vadd.f32 v10, v11;
	_ =	sdelay $0x1  }
0x157: {  	(xrf2) =	vadd.scan.msk.f32 $0xffff, v10;
	_ =	sdelay $0x8  }
0x158: {  	v25 =	vor.u32 $0x1600, v8  }
0x159: {  	v26, _, _ =	vpop (xrf2)  }
0x15a: {  	v11 =	vsub.f32 $0.0e+00, v26;
	_ =	sdelay $0x1  }
0x15b: {  	[tilespmem:v63+s1+$0x0] =	vst.idx.msk vm0, v11  }
0x15c: {  	v9 =	vld.idx.msk [tilespmem:v25+s17+$0x0], $0xffff;
	_ =	sdelay $0x4  }
0x15d: {  	v27 =	vadd.s32 v0, v9  }
0x15e: {  	s11 =	sadd.s32 $0xFFFFFC00, s10;
	v29 =	vadd.s32 v1, v9;
	v31 =	vadd.s32 v2, v9;
	v28 =	vand.u32 $0xFFFFFFF8, v27  }
0x15f: {  	v11 =	vand.u32 $0x7, v27;
	v30 =	vand.u32 $0xFFFFFFF8, v29;
	v12 =	vadd.s32 s11, v28  }
0x160: {  	v13 =	vand.u32 $0x7, v29;
	v11 =	vor.u32 v11, v12;
	v12 =	vadd.s32 s11, v30  }
0x161: {  	v32 =	vand.u32 $0xFFFFFFF8, v31;
	v12 =	vor.u32 v13, v12  }
0x162: {  	v9 =	vadd.s32 v3, v9;
	v14 =	vand.u32 $0x7, v31;
	v13 =	vadd.s32 s11, v32  }
0x163: {  	v33 =	vand.u32 $0xFFFFFFF8, v9;
	v13 =	vor.u32 v14, v13  }
0x164: {  	v9 =	vand.u32 $0x7, v9;
	v14 =	vadd.s32 s11, v33  }
0x165: {  	v9 =	vor.u32 v9, v14;
	v11 =	vld.idx.msk [tilespmem:v11+s18+$0x0], $0xffff  }
0x166: {  	v12 =	vld.idx.msk [tilespmem:v12+s18+$0x0], $0xffff;
	_ =	sdelay $0x1  }
0x167: {  	v13 =	vld.idx.msk [tilespmem:v13+s18+$0x0], $0xffff;
	_ =	sdelay $0x1  }
0x168: {  	v9 =	vld.idx.msk [tilespmem:v9+s18+$0x0], $0xffff  }
0x169: {  	v11 =	vmul.f32 v11, v4;
	v12 =	vmul.f32 v12, v5;
	_ =	sdelay $0x1  }
0x16a: {  	v34 =	vmul.f32 v13, v6;
	v11 =	vadd.f32 v12, v11;
	_ =	sdelay $0x1  }
0x16b: {  	v9 =	vmul.f32 v9, v7;
	v11 =	vadd.f32 v34, v11;
	_ =	sdelay $0x1  }
0x16c: {  	v9 =	vadd.f32 v9, v11;
	_ =	sdelay $0x1  }
0x16d: {  	(xrf2) =	vadd.scan.msk.f32 $0xffff, v9;
	_ =	sdelay $0x8  }
0x16e: {  	v35 =	vor.u32 $0x1800, v8  }
0x16f: {  	v36, _, _ =	vpop (xrf2)  }
0x170: {  	v11 =	vsub.f32 $0.0e+00, v36;
	_ =	sdelay $0x1  }
0x171: {  	[tilespmem:v25+s1+$0x0] =	vst.idx.msk vm0, v11  }
0x172: {  	v10 =	vld.idx.msk [tilespmem:v35+s17+$0x0], $0xffff;
	_ =	sdelay $0x4  }
0x173: {  	v37 =	vadd.s32 v0, v10  }
0x174: {  	s11 =	sadd.s32 $0xFFFFFC80, s10;
	v39 =	vadd.s32 v1, v10;
	v41 =	vadd.s32 v2, v10;
	v38 =	vand.u32 $0xFFFFFFF8, v37  }
0x175: {  	v11 =	vand.u32 $0x7, v37;
	v40 =	vand.u32 $0xFFFFFFF8, v39;
	v12 =	vadd.s32 s11, v38  }
0x176: {  	v13 =	vand.u32 $0x7, v39;
	v11 =	vor.u32 v11, v12;
	v12 =	vadd.s32 s11, v40  }
0x177: {  	v42 =	vand.u32 $0xFFFFFFF8, v41;
	v12 =	vor.u32 v13, v12  }
0x178: {  	v10 =	vadd.s32 v3, v10;
	v14 =	vand.u32 $0x7, v41;
	v13 =	vadd.s32 s11, v42  }
0x179: {  	v43 =	vand.u32 $0xFFFFFFF8, v10;
	v13 =	vor.u32 v14, v13  }
0x17a: {  	v10 =	vand.u32 $0x7, v10;
	v14 =	vadd.s32 s11, v43  }
0x17b: {  	v10 =	vor.u32 v10, v14;
	v11 =	vld.idx.msk [tilespmem:v11+s18+$0x0], $0xffff  }
0x17c: {  	v12 =	vld.idx.msk [tilespmem:v12+s18+$0x0], $0xffff;
	_ =	sdelay $0x1  }
0x17d: {  	v13 =	vld.idx.msk [tilespmem:v13+s18+$0x0], $0xffff;
	_ =	sdelay $0x1  }
0x17e: {  	v10 =	vld.idx.msk [tilespmem:v10+s18+$0x0], $0xffff  }
0x17f: {  	v11 =	vmul.f32 v11, v4;
	v12 =	vmul.f32 v12, v5;
	_ =	sdelay $0x1  }
0x180: {  	v44 =	vmul.f32 v13, v6;
	v11 =	vadd.f32 v12, v11;
	_ =	sdelay $0x1  }
0x181: {  	v10 =	vmul.f32 v10, v7;
	v11 =	vadd.f32 v44, v11;
	_ =	sdelay $0x1  }
0x182: {  	v10 =	vadd.f32 v10, v11;
	_ =	sdelay $0x1  }
0x183: {  	(xrf2) =	vadd.scan.msk.f32 $0xffff, v10;
	_ =	sdelay $0x8  }
0x184: {  	v45 =	vor.u32 $0x1A00, v8  }
0x185: {  	v46, _, _ =	vpop (xrf2)  }
0x186: {  	v11 =	vsub.f32 $0.0e+00, v46;
	_ =	sdelay $0x1  }
0x187: {  	[tilespmem:v35+s1+$0x0] =	vst.idx.msk vm0, v11  }
0x188: {  	v9 =	vld.idx.msk [tilespmem:v45+s17+$0x0], $0xffff;
	_ =	sdelay $0x4  }
0x189: {  	v47 =	vadd.s32 v0, v9  }
0x18a: {  	s11 =	sadd.s32 $0xFFFFFD00, s10;
	v49 =	vadd.s32 v1, v9;
	v51 =	vadd.s32 v2, v9;
	v48 =	vand.u32 $0xFFFFFFF8, v47  }
0x18b: {  	v11 =	vand.u32 $0x7, v47;
	v50 =	vand.u32 $0xFFFFFFF8, v49;
	v12 =	vadd.s32 s11, v48  }
0x18c: {  	v13 =	vand.u32 $0x7, v49;
	v11 =	vor.u32 v11, v12;
	v12 =	vadd.s32 s11, v50  }
0x18d: {  	v52 =	vand.u32 $0xFFFFFFF8, v51;
	v12 =	vor.u32 v13, v12  }
0x18e: {  	v9 =	vadd.s32 v3, v9;
	v14 =	vand.u32 $0x7, v51;
	v13 =	vadd.s32 s11, v52  }
0x18f: {  	v53 =	vand.u32 $0xFFFFFFF8, v9;
	v13 =	vor.u32 v14, v13  }
0x190: {  	v9 =	vand.u32 $0x7, v9;
	v14 =	vadd.s32 s11, v53  }
0x191: {  	v9 =	vor.u32 v9, v14;
	v11 =	vld.idx.msk [tilespmem:v11+s18+$0x0], $0xffff  }
0x192: {  	v12 =	vld.idx.msk [tilespmem:v12+s18+$0x0], $0xffff;
	_ =	sdelay $0x1  }
0x193: {  	v13 =	vld.idx.msk [tilespmem:v13+s18+$0x0], $0xffff;
	_ =	sdelay $0x1  }
0x194: {  	v9 =	vld.idx.msk [tilespmem:v9+s18+$0x0], $0xffff  }
0x195: {  	v11 =	vmul.f32 v11, v4;
	v12 =	vmul.f32 v12, v5;
	_ =	sdelay $0x1  }
0x196: {  	v54 =	vmul.f32 v13, v6;
	v11 =	vadd.f32 v12, v11;
	_ =	sdelay $0x1  }
0x197: {  	v9 =	vmul.f32 v9, v7;
	v11 =	vadd.f32 v54, v11;
	_ =	sdelay $0x1  }
0x198: {  	v9 =	vadd.f32 v9, v11;
	_ =	sdelay $0x1  }
0x199: {  	(xrf2) =	vadd.scan.msk.f32 $0xffff, v9;
	_ =	sdelay $0x8  }
0x19a: {  	v55 =	vor.u32 $0x1C00, v8  }
0x19b: {  	v56, _, _ =	vpop (xrf2)  }
0x19c: {  	v11 =	vsub.f32 $0.0e+00, v56;
	_ =	sdelay $0x1  }
0x19d: {  	[tilespmem:v45+s1+$0x0] =	vst.idx.msk vm0, v11  }
0x19e: {  	v10 =	vld.idx.msk [tilespmem:v55+s17+$0x0], $0xffff;
	_ =	sdelay $0x4  }
0x19f: {  	v57 =	vadd.s32 v0, v10  }
0x1a0: {  	s11 =	sadd.s32 $0xFFFFFD80, s10;
	v59 =	vadd.s32 v1, v10;
	v61 =	vadd.s32 v2, v10;
	v58 =	vand.u32 $0xFFFFFFF8, v57  }
0x1a1: {  	v11 =	vand.u32 $0x7, v57;
	v60 =	vand.u32 $0xFFFFFFF8, v59;
	v12 =	vadd.s32 s11, v58  }
0x1a2: {  	v13 =	vand.u32 $0x7, v59;
	v11 =	vor.u32 v11, v12;
	v12 =	vadd.s32 s11, v60  }
0x1a3: {  	v62 =	vand.u32 $0xFFFFFFF8, v61;
	v12 =	vor.u32 v13, v12  }
0x1a4: {  	v10 =	vadd.s32 v3, v10;
	v14 =	vand.u32 $0x7, v61;
	v13 =	vadd.s32 s11, v62  }
0x1a5: {  	v63 =	vand.u32 $0xFFFFFFF8, v10;
	v13 =	vor.u32 v14, v13  }
0x1a6: {  	v10 =	vand.u32 $0x7, v10;
	v14 =	vadd.s32 s11, v63  }
0x1a7: {  	v10 =	vor.u32 v10, v14;
	v11 =	vld.idx.msk [tilespmem:v11+s18+$0x0], $0xffff  }
0x1a8: {  	v12 =	vld.idx.msk [tilespmem:v12+s18+$0x0], $0xffff;
	_ =	sdelay $0x1  }
0x1a9: {  	v13 =	vld.idx.msk [tilespmem:v13+s18+$0x0], $0xffff;
	_ =	sdelay $0x1  }
0x1aa: {  	v10 =	vld.idx.msk [tilespmem:v10+s18+$0x0], $0xffff  }
0x1ab: {  	v11 =	vmul.f32 v11, v4;
	v12 =	vmul.f32 v12, v5;
	_ =	sdelay $0x1  }
0x1ac: {  	v16 =	vmul.f32 v13, v6;
	v11 =	vadd.f32 v12, v11;
	_ =	sdelay $0x1  }
0x1ad: {  	v10 =	vmul.f32 v10, v7;
	v11 =	vadd.f32 v16, v11;
	_ =	sdelay $0x1  }
0x1ae: {  	v10 =	vadd.f32 v10, v11;
	_ =	sdelay $0x1  }
0x1af: {  	(xrf2) =	vadd.scan.msk.f32 $0xffff, v10;
	_ =	sdelay $0x8  }
0x1b0: {  	v17 =	vor.u32 $0x1E00, v8  }
0x1b1: {  	v18, _, _ =	vpop (xrf2)  }
0x1b2: {  	v11 =	vsub.f32 $0.0e+00, v18;
	_ =	sdelay $0x1  }
0x1b3: {  	[tilespmem:v55+s1+$0x0] =	vst.idx.msk vm0, v11  }
0x1b4: {  	v9 =	vld.idx.msk [tilespmem:v17+s17+$0x0], $0xffff;
	_ =	sdelay $0x4  }
0x1b5: {  	v19 =	vadd.s32 v0, v9  }
0x1b6: {  	s11 =	sadd.s32 $0xFFFFFE00, s10;
	v21 =	vadd.s32 v1, v9;
	v23 =	vadd.s32 v2, v9;
	v20 =	vand.u32 $0xFFFFFFF8, v19  }
0x1b7: {  	v11 =	vand.u32 $0x7, v19;
	v22 =	vand.u32 $0xFFFFFFF8, v21;
	v12 =	vadd.s32 s11, v20  }
0x1b8: {  	v13 =	vand.u32 $0x7, v21;
	v11 =	vor.u32 v11, v12;
	v12 =	vadd.s32 s11, v22  }
0x1b9: {  	v24 =	vand.u32 $0xFFFFFFF8, v23;
	v12 =	vor.u32 v13, v12  }
0x1ba: {  	v9 =	vadd.s32 v3, v9;
	v14 =	vand.u32 $0x7, v23;
	v13 =	vadd.s32 s11, v24  }
0x1bb: {  	v25 =	vand.u32 $0xFFFFFFF8, v9;
	v13 =	vor.u32 v14, v13  }
0x1bc: {  	v9 =	vand.u32 $0x7, v9;
	v14 =	vadd.s32 s11, v25  }
0x1bd: {  	v9 =	vor.u32 v9, v14;
	v11 =	vld.idx.msk [tilespmem:v11+s18+$0x0], $0xffff  }
0x1be: {  	v12 =	vld.idx.msk [tilespmem:v12+s18+$0x0], $0xffff;
	_ =	sdelay $0x1  }
0x1bf: {  	v13 =	vld.idx.msk [tilespmem:v13+s18+$0x0], $0xffff;
	_ =	sdelay $0x1  }
0x1c0: {  	v9 =	vld.idx.msk [tilespmem:v9+s18+$0x0], $0xffff  }
0x1c1: {  	v11 =	vmul.f32 v11, v4;
	v12 =	vmul.f32 v12, v5;
	_ =	sdelay $0x1  }
0x1c2: {  	v26 =	vmul.f32 v13, v6;
	v11 =	vadd.f32 v12, v11;
	_ =	sdelay $0x1  }
0x1c3: {  	v9 =	vmul.f32 v9, v7;
	v11 =	vadd.f32 v26, v11;
	_ =	sdelay $0x1  }
0x1c4: {  	v9 =	vadd.f32 v9, v11;
	_ =	sdelay $0x1  }
0x1c5: {  	(xrf2) =	vadd.scan.msk.f32 $0xffff, v9;
	_ =	sdelay $0x8  }
0x1c6: {  	v27 =	vor.u32 $0x2000, v8  }
0x1c7: {  	v28, _, _ =	vpop (xrf2)  }
0x1c8: {  	v11 =	vsub.f32 $0.0e+00, v28;
	_ =	sdelay $0x1  }
0x1c9: {  	[tilespmem:v17+s1+$0x0] =	vst.idx.msk vm0, v11  }
0x1ca: {  	v10 =	vld.idx.msk [tilespmem:v27+s17+$0x0], $0xffff;
	_ =	sdelay $0x4  }
0x1cb: {  	v29 =	vadd.s32 v0, v10  }
0x1cc: {  	s11 =	sadd.s32 $0xFFFFFE80, s10;
	v31 =	vadd.s32 v1, v10;
	v33 =	vadd.s32 v2, v10;
	v30 =	vand.u32 $0xFFFFFFF8, v29  }
0x1cd: {  	v11 =	vand.u32 $0x7, v29;
	v32 =	vand.u32 $0xFFFFFFF8, v31;
	v12 =	vadd.s32 s11, v30  }
0x1ce: {  	v13 =	vand.u32 $0x7, v31;
	v11 =	vor.u32 v11, v12;
	v12 =	vadd.s32 s11, v32  }
0x1cf: {  	v34 =	vand.u32 $0xFFFFFFF8, v33;
	v12 =	vor.u32 v13, v12  }
0x1d0: {  	v10 =	vadd.s32 v3, v10;
	v14 =	vand.u32 $0x7, v33;
	v13 =	vadd.s32 s11, v34  }
0x1d1: {  	v35 =	vand.u32 $0xFFFFFFF8, v10;
	v13 =	vor.u32 v14, v13  }
0x1d2: {  	v10 =	vand.u32 $0x7, v10;
	v14 =	vadd.s32 s11, v35  }
0x1d3: {  	v10 =	vor.u32 v10, v14;
	v11 =	vld.idx.msk [tilespmem:v11+s18+$0x0], $0xffff  }
0x1d4: {  	v12 =	vld.idx.msk [tilespmem:v12+s18+$0x0], $0xffff;
	_ =	sdelay $0x1  }
0x1d5: {  	v13 =	vld.idx.msk [tilespmem:v13+s18+$0x0], $0xffff;
	_ =	sdelay $0x1  }
0x1d6: {  	v10 =	vld.idx.msk [tilespmem:v10+s18+$0x0], $0xffff  }
0x1d7: {  	v11 =	vmul.f32 v11, v4;
	v12 =	vmul.f32 v12, v5;
	_ =	sdelay $0x1  }
0x1d8: {  	v36 =	vmul.f32 v13, v6;
	v11 =	vadd.f32 v12, v11;
	_ =	sdelay $0x1  }
0x1d9: {  	v10 =	vmul.f32 v10, v7;
	v11 =	vadd.f32 v36, v11;
	_ =	sdelay $0x1  }
0x1da: {  	v10 =	vadd.f32 v10, v11;
	_ =	sdelay $0x1  }
0x1db: {  	(xrf2) =	vadd.scan.msk.f32 $0xffff, v10;
	_ =	sdelay $0x8  }
0x1dc: {  	v37 =	vor.u32 $0x2200, v8  }
0x1dd: {  	v38, _, _ =	vpop (xrf2)  }
0x1de: {  	v11 =	vsub.f32 $0.0e+00, v38;
	_ =	sdelay $0x1  }
0x1df: {  	[tilespmem:v27+s1+$0x0] =	vst.idx.msk vm0, v11  }
0x1e0: {  	v9 =	vld.idx.msk [tilespmem:v37+s17+$0x0], $0xffff;
	_ =	sdelay $0x4  }
0x1e1: {  	v39 =	vadd.s32 v0, v9  }
0x1e2: {  	s11 =	sadd.s32 $0xFFFFFF00, s10;
	v41 =	vadd.s32 v1, v9;
	v43 =	vadd.s32 v2, v9;
	v40 =	vand.u32 $0xFFFFFFF8, v39  }
0x1e3: {  	v11 =	vand.u32 $0x7, v39;
	v42 =	vand.u32 $0xFFFFFFF8, v41;
	v12 =	vadd.s32 s11, v40  }
0x1e4: {  	v13 =	vand.u32 $0x7, v41;
	v11 =	vor.u32 v11, v12;
	v12 =	vadd.s32 s11, v42  }
0x1e5: {  	v44 =	vand.u32 $0xFFFFFFF8, v43;
	v12 =	vor.u32 v13, v12  }
0x1e6: {  	v9 =	vadd.s32 v3, v9;
	v14 =	vand.u32 $0x7, v43;
	v13 =	vadd.s32 s11, v44  }
0x1e7: {  	v45 =	vand.u32 $0xFFFFFFF8, v9;
	v13 =	vor.u32 v14, v13  }
0x1e8: {  	v9 =	vand.u32 $0x7, v9;
	v14 =	vadd.s32 s11, v45  }
0x1e9: {  	v9 =	vor.u32 v9, v14;
	v11 =	vld.idx.msk [tilespmem:v11+s18+$0x0], $0xffff  }
0x1ea: {  	v12 =	vld.idx.msk [tilespmem:v12+s18+$0x0], $0xffff;
	_ =	sdelay $0x1  }
0x1eb: {  	v13 =	vld.idx.msk [tilespmem:v13+s18+$0x0], $0xffff;
	_ =	sdelay $0x1  }
0x1ec: {  	v9 =	vld.idx.msk [tilespmem:v9+s18+$0x0], $0xffff  }
0x1ed: {  	v11 =	vmul.f32 v11, v4;
	v12 =	vmul.f32 v12, v5;
	_ =	sdelay $0x1  }
0x1ee: {  	v46 =	vmul.f32 v13, v6;
	v11 =	vadd.f32 v12, v11;
	_ =	sdelay $0x1  }
0x1ef: {  	v9 =	vmul.f32 v9, v7;
	v11 =	vadd.f32 v46, v11;
	_ =	sdelay $0x1  }
0x1f0: {  	v9 =	vadd.f32 v9, v11;
	_ =	sdelay $0x1  }
0x1f1: {  	(xrf2) =	vadd.scan.msk.f32 $0xffff, v9;
	_ =	sdelay $0x8  }
0x1f2: {  	v47 =	vor.u32 $0x2400, v8  }
0x1f3: {  	v48, _, _ =	vpop (xrf2)  }
0x1f4: {  	v11 =	vsub.f32 $0.0e+00, v48;
	_ =	sdelay $0x1  }
0x1f5: {  	[tilespmem:v37+s1+$0x0] =	vst.idx.msk vm0, v11  }
0x1f6: {  	v10 =	vld.idx.msk [tilespmem:v47+s17+$0x0], $0xffff;
	_ =	sdelay $0x4  }
0x1f7: {  	v49 =	vadd.s32 v0, v10  }
0x1f8: {  	s11 =	sadd.s32 $0xFFFFFF80, s10;
	v51 =	vadd.s32 v1, v10;
	v53 =	vadd.s32 v2, v10;
	v50 =	vand.u32 $0xFFFFFFF8, v49  }
0x1f9: {  	v11 =	vand.u32 $0x7, v49;
	v52 =	vand.u32 $0xFFFFFFF8, v51;
	v12 =	vadd.s32 s11, v50  }
0x1fa: {  	v13 =	vand.u32 $0x7, v51;
	v11 =	vor.u32 v11, v12;
	v12 =	vadd.s32 s11, v52  }
0x1fb: {  	v54 =	vand.u32 $0xFFFFFFF8, v53;
	v12 =	vor.u32 v13, v12  }
0x1fc: {  	v10 =	vadd.s32 v3, v10;
	v14 =	vand.u32 $0x7, v53;
	v13 =	vadd.s32 s11, v54  }
0x1fd: {  	v55 =	vand.u32 $0xFFFFFFF8, v10;
	v13 =	vor.u32 v14, v13  }
0x1fe: {  	v10 =	vand.u32 $0x7, v10;
	v14 =	vadd.s32 s11, v55  }
0x1ff: {  	v10 =	vor.u32 v10, v14;
	v11 =	vld.idx.msk [tilespmem:v11+s18+$0x0], $0xffff  }
0x200: {  	v12 =	vld.idx.msk [tilespmem:v12+s18+$0x0], $0xffff;
	_ =	sdelay $0x1  }
0x201: {  	v13 =	vld.idx.msk [tilespmem:v13+s18+$0x0], $0xffff;
	_ =	sdelay $0x1  }
0x202: {  	v10 =	vld.idx.msk [tilespmem:v10+s18+$0x0], $0xffff  }
0x203: {  	v11 =	vmul.f32 v11, v4;
	v12 =	vmul.f32 v12, v5;
	_ =	sdelay $0x1  }
0x204: {  	v56 =	vmul.f32 v13, v6;
	v11 =	vadd.f32 v12, v11;
	_ =	sdelay $0x1  }
0x205: {  	v10 =	vmul.f32 v10, v7;
	v11 =	vadd.f32 v56, v11;
	_ =	sdelay $0x1  }
0x206: {  	v10 =	vadd.f32 v10, v11;
	_ =	sdelay $0x1  }
0x207: {  	(xrf2) =	vadd.scan.msk.f32 $0xffff, v10;
	_ =	sdelay $0x8  }
0x208: {  	v8 =	vor.u32 $0x2600, v8  }
0x209: {  	v10, _, _ =	vpop (xrf2)  }
0x20a: {  	v10 =	vsub.f32 $0.0e+00, v10;
	_ =	sdelay $0x1  }
0x20b: {  	[tilespmem:v47+s1+$0x0] =	vst.idx.msk vm0, v10  }
0x20c: {  	v9 =	vld.idx.msk [tilespmem:v8+s17+$0x0], $0xffff;
	_ =	sdelay $0x4  }
0x20d: {  	v57 =	vadd.s32 v0, v9  }
0x20e: {  	v59 =	vadd.s32 v1, v9;
	v61 =	vadd.s32 v2, v9;
	v58 =	vand.u32 $0xFFFFFFF8, v57  }
0x20f: {  	v10 =	vand.u32 $0x7, v57;
	v60 =	vand.u32 $0xFFFFFFF8, v59;
	v11 =	vadd.s32 s10, v58  }
0x210: {  	v12 =	vand.u32 $0x7, v59;
	v10 =	vor.u32 v10, v11;
	v11 =	vadd.s32 s10, v60  }
0x211: {  	v62 =	vand.u32 $0xFFFFFFF8, v61;
	v11 =	vor.u32 v12, v11  }
0x212: {  	v9 =	vadd.s32 v3, v9;
	v13 =	vand.u32 $0x7, v61;
	v12 =	vadd.s32 s10, v62  }
0x213: {  	v63 =	vand.u32 $0xFFFFFFF8, v9;
	v12 =	vor.u32 v13, v12  }
0x214: {  	v9 =	vand.u32 $0x7, v9;
	v13 =	vadd.s32 s10, v63  }
0x215: {  	v9 =	vor.u32 v9, v13;
	v10 =	vld.idx.msk [tilespmem:v10+s18+$0x0], $0xffff  }
0x216: {  	v11 =	vld.idx.msk [tilespmem:v11+s18+$0x0], $0xffff;
	_ =	sdelay $0x1  }
0x217: {  	v12 =	vld.idx.msk [tilespmem:v12+s18+$0x0], $0xffff;
	_ =	sdelay $0x1  }
0x218: {  	v9 =	vld.idx.msk [tilespmem:v9+s18+$0x0], $0xffff  }
0x219: {  	v4 =	vmul.f32 v10, v4;
	v5 =	vmul.f32 v11, v5;
	_ =	sdelay $0x1  }
0x21a: {  	v4 =	vadd.f32 v5, v4;
	v5 =	vmul.f32 v12, v6;
	_ =	sdelay $0x1  }
0x21b: {  	v4 =	vadd.f32 v5, v4;
	v5 =	vmul.f32 v9, v7;
	_ =	sdelay $0x1  }
0x21c: {  	v4 =	vadd.f32 v5, v4;
	_ =	sdelay $0x1  }
0x21d: {  	(xrf2) =	vadd.scan.msk.f32 $0xffff, v4;
	_ =	sdelay $0x7  }
0x21e: {  	p0 =	sne.s32 s9, $0x15F  }
.Ltmp0:
0x21f: {  	_ = 	snop;
	(pc) =	sbr.rel @p0 .LBB2_3-.Ltmp0, $3  }
0x220: {  	v4, _, _ =	vpop (xrf2)  }
0x221: {  	v4 =	vsub.f32 $0.0e+00, v4;
	_ =	sdelay $0x1  }
0x222: {  	s8 =	sadd.s32 $0x1, s8;
	s9 =	sadd.s32 $0x14, s9;
	[tilespmem:v8+s1+$0x0] =	vst.idx.msk vm0, v4  }
0x223: {  	s7 =	smin.u32 s7, $0x1D  }
0x224: {  	s7 =	sadd.s32 $0x2, s7  }
0x225: {  	s8 =	sshll.u32 s7, $0x4;
	s7 =	smul.u32 $0x540, s7  }
0x226: {  	[tilespmem:s18], [sflag:$0x1] =	stream.indirect.gather [hbm4b:s3+s26], $0x80, s8, s26, $0xb8;
	[tilespmem:$0x1E200] =	vst v63  }
0x227: {  	s7 =	sshrl.u32 s7, $0x2  }
0x228: {  	s10 =	sadd.s32 $0x200, s7  }
0x229: {  	[tilespmem:s20], [sflag:$0x1] =	stream.indirect.gather [hbm4b:s4+s19], $0x80, s10, s19, $0xb8;
	[tilespmem:$0x1E200] =	vst v63  }
0x22a: {  	s11 =	sadd.s32 $0x280, s7  }
0x22b: {  	[tilespmem:s22], [sflag:$0x1] =	stream.indirect.gather [hbm4b:s4+s19], $0x80, s11, s19, $0xb8;
	[tilespmem:$0x1E200] =	vst v63  }
0x22c: {  	s7 =	sadd.s32 $0x300, s7  }
0x22d: {  	[tilespmem:s25], [sflag:$0x1] =	stream.indirect.gather [hbm4b:s4+s23], $0x80, s7, s23, $0xb8;
	[tilespmem:$0x1E200] =	vst v63  }
0x22e: {  	_ =	swait.ge [sflag:s16], $0x800  }
0x22f: {  	[sflag:s16] =	ssyncset.done $0x0  }
0x230: {  	[sflag:s16] =	ssyncadd.s32 $0xFFFFF800  }
0x231: {  	_ =	swait.ge [sflag:s16], $0x4000  }
0x232: {  	[sflag:s16] =	ssyncset.done $0x0  }
0x233: {  	[sflag:s16] =	ssyncadd.s32 $0xFFFFC000  }
0x234: {  	_ =	swait.ge [sflag:s16], $0x4000  }
0x235: {  	[sflag:s16] =	ssyncset.done $0x0  }
0x236: {  	[sflag:s16] =	ssyncadd.s32 $0xFFFFC000  }
0x237: {  	_ =	swait.ge [sflag:s16], $0x2800  }
0x238: {  	[sflag:s16] =	ssyncset.done $0x0  }
0x239: {  	s8 =	simm.s32 $0x33;
	s7 =	simm.s32 $0x0;
	[sflag:s16] =	ssyncadd.s32 $0xFFFFD800  }
.LBB2_5:
0x23a: {  	s9 =	sadd.s32 s7, s24  }
0x23b: {  	v9 =	vmov s9;
	_ =	sdelay $0x4  }
0x23c: {  	v4 =	vld.idx.msk [tilespmem:v9+s14+$0x0], $0xffff  }
0x23d: {  	v6 =	vmov s7;
	v5 =	vld.idx.msk [tilespmem:v9+s15+$0x0], $0xffff  }
0x23e: {  	v6 =	vshll.u32 v6, $0x7  }
0x23f: {  	v6 =	vbroadcast v6, $0x0;
	_ =	sdelay $0x1  }
0x240: {  	v48 =	vor.u32 $0x800, v6  }
0x241: {  	v7 =	vadd.s32 v0, v4;
	v8 =	vadd.s32 v0, v5;
	v11 =	vadd.s32 v1, v4  }
0x242: {  	v12 =	vadd.s32 v2, v4;
	v47 =	vadd.s32 v3, v4;
	v49 =	vadd.s32 v1, v5  }
0x243: {  	v16 =	vadd.s32 v2, v5;
	v17 =	vadd.s32 v3, v5;
	v10 =	vand.u32 $0xFFFFFFF8, v7  }
0x244: {  	v7 =	vand.u32 $0x7, v7;
	v13 =	vand.u32 $0xFFFFFFF8, v11;
	v11 =	vand.u32 $0x7, v11  }
0x245: {  	v14 =	vand.u32 $0xFFFFFFF8, v12;
	v12 =	vand.u32 $0x7, v12;
	v4 =	vand.u32 $0xFFFFFFF8, v8  }
0x246: {  	v8 =	vand.u32 $0x7, v8;
	v10 =	vadd.s32 v6, v10;
	v13 =	vadd.s32 v6, v13  }
0x247: {  	v14 =	vadd.s32 v6, v14;
	v4 =	vadd.s32 v48, v4;
	v7 =	vor.u32 v7, v10  }
0x248: {  	v45 =	vor.u32 v11, v13;
	v8 =	vor.u32 v8, v4;
	v4 =	vand.u32 $0xFFFFFFF8, v49  }
0x249: {  	v46 =	vor.u32 v12, v14;
	v14 =	vand.u32 $0x7, v49;
	v4 =	vadd.s32 v48, v4  }
0x24a: {  	v15 =	vand.u32 $0xFFFFFFF8, v47;
	v14 =	vor.u32 v14, v4;
	v4 =	vand.u32 $0xFFFFFFF8, v16  }
0x24b: {  	v50 =	vand.u32 $0x7, v16;
	v5 =	vand.u32 $0x7, v47;
	v51 =	vadd.s32 v48, v4  }
0x24c: {  	v53 =	vand.u32 $0xFFFFFFF8, v17;
	v6 =	vadd.s32 v6, v15;
	v52 =	vor.u32 v50, v51;
	v4 =	vld.idx.msk [tilespmem:v7+s28+$0x0], $0xffff  }
0x24d: {  	v55 =	vand.u32 $0x7, v17;
	v56 =	vadd.s32 v48, v53;
	v54 =	vor.u32 v5, v6;
	v5 =	vld.idx.msk [tilespmem:v45+s28+$0x0], $0xffff  }
0x24e: {  	v10 =	vor.u32 v55, v56;
	v8 =	vld.idx.msk [tilespmem:v8+s28+$0x0], $0xffff  }
0x24f: {  	v57 =	vld.idx.msk [tilespmem:v14+s28+$0x0], $0xffff  }
0x250: {  	v6 =	vld.idx.msk [tilespmem:v46+s28+$0x0], $0xffff  }
0x251: {  	v58 =	vld.idx.msk [tilespmem:v52+s28+$0x0], $0xffff  }
0x252: {  	v7 =	vld.idx.msk [tilespmem:v54+s28+$0x0], $0xffff  }
0x253: {  	v10 =	vld.idx.msk [tilespmem:v10+s28+$0x0], $0xffff  }
0x254: {  	v8 =	vmul.f32 v8, v4;
	v12 =	vmul.f32 v57, v5;
	_ =	sdelay $0x1  }
0x255: {  	v8 =	vadd.f32 v12, v8;
	v11 =	vmul.f32 v58, v6;
	_ =	sdelay $0x1  }
0x256: {  	v10 =	vmul.f32 v10, v7;
	v8 =	vadd.f32 v11, v8;
	_ =	sdelay $0x1  }
0x257: {  	v8 =	vadd.f32 v10, v8;
	_ =	sdelay $0x1  }
0x258: {  	(xrf2) =	vadd.scan.msk.f32 $0xffff, v8;
	_ =	sdelay $0x4  }
0x259: {  	v8 =	vand.u32 $0x7FFFFFFF, v9  }
0x25a: {  	v59 =	vadd.s32 $0x2800, v8;
	_ =	sdelay $0x3  }
0x25b: {  	v60, _, _ =	vpop (xrf2)  }
0x25c: {  	[tilespmem:v59+s1+$0x0] =	vst.idx.msk vm0, v60  }
0x25d: {  	v10 =	vld.idx.msk [tilespmem:v9+s17+$0x0], $0xffff;
	_ =	sdelay $0x4  }
0x25e: {  	s9 =	sshll.u32 s8, $0x7;
	v61 =	vadd.s32 v0, v10  }
0x25f: {  	s10 =	sadd.s32 $0xFFFFF680, s9;
	v63 =	vadd.s32 v1, v10;
	v17 =	vadd.s32 v2, v10;
	v62 =	vand.u32 $0xFFFFFFF8, v61  }
0x260: {  	v11 =	vand.u32 $0x7, v61;
	v16 =	vand.u32 $0xFFFFFFF8, v63;
	v12 =	vadd.s32 s10, v62  }
0x261: {  	v13 =	vand.u32 $0x7, v63;
	v11 =	vor.u32 v11, v12;
	v12 =	vadd.s32 s10, v16  }
0x262: {  	v18 =	vand.u32 $0xFFFFFFF8, v17;
	v12 =	vor.u32 v13, v12  }
0x263: {  	v10 =	vadd.s32 v3, v10;
	v14 =	vand.u32 $0x7, v17;
	v13 =	vadd.s32 s10, v18  }
0x264: {  	v19 =	vand.u32 $0xFFFFFFF8, v10;
	v13 =	vor.u32 v14, v13  }
0x265: {  	v10 =	vand.u32 $0x7, v10;
	v14 =	vadd.s32 s10, v19  }
0x266: {  	v10 =	vor.u32 v10, v14;
	v11 =	vld.idx.msk [tilespmem:v11+s28+$0x0], $0xffff  }
0x267: {  	v12 =	vld.idx.msk [tilespmem:v12+s28+$0x0], $0xffff;
	_ =	sdelay $0x1  }
0x268: {  	v13 =	vld.idx.msk [tilespmem:v13+s28+$0x0], $0xffff;
	_ =	sdelay $0x1  }
0x269: {  	v10 =	vld.idx.msk [tilespmem:v10+s28+$0x0], $0xffff  }
0x26a: {  	v11 =	vmul.f32 v11, v4;
	v12 =	vmul.f32 v12, v5;
	_ =	sdelay $0x1  }
0x26b: {  	v20 =	vmul.f32 v13, v6;
	v11 =	vadd.f32 v12, v11;
	_ =	sdelay $0x1  }
0x26c: {  	v10 =	vmul.f32 v10, v7;
	v11 =	vadd.f32 v20, v11;
	_ =	sdelay $0x1  }
0x26d: {  	v10 =	vadd.f32 v10, v11;
	_ =	sdelay $0x1  }
0x26e: {  	(xrf2) =	vadd.scan.msk.f32 $0xffff, v10;
	_ =	sdelay $0x8  }
0x26f: {  	v21 =	vadd.s32 $0x200, v8  }
0x270: {  	v22, _, _ =	vpop (xrf2)  }
0x271: {  	v11 =	vsub.f32 $0.0e+00, v22;
	_ =	sdelay $0x1  }
0x272: {  	[tilespmem:v9+s1+$0x0] =	vst.idx.msk vm0, v11  }
0x273: {  	v9 =	vld.idx.msk [tilespmem:v21+s17+$0x0], $0xffff;
	_ =	sdelay $0x4  }
0x274: {  	v23 =	vadd.s32 v0, v9  }
0x275: {  	s11 =	sadd.s32 $0xFFFFF700, s9;
	v25 =	vadd.s32 v1, v9;
	v27 =	vadd.s32 v2, v9;
	v24 =	vand.u32 $0xFFFFFFF8, v23  }
0x276: {  	v11 =	vand.u32 $0x7, v23;
	v26 =	vand.u32 $0xFFFFFFF8, v25;
	v12 =	vadd.s32 s11, v24  }
0x277: {  	v13 =	vand.u32 $0x7, v25;
	v11 =	vor.u32 v11, v12;
	v12 =	vadd.s32 s11, v26  }
0x278: {  	v28 =	vand.u32 $0xFFFFFFF8, v27;
	v12 =	vor.u32 v13, v12  }
0x279: {  	v9 =	vadd.s32 v3, v9;
	v14 =	vand.u32 $0x7, v27;
	v13 =	vadd.s32 s11, v28  }
0x27a: {  	v29 =	vand.u32 $0xFFFFFFF8, v9;
	v13 =	vor.u32 v14, v13  }
0x27b: {  	v9 =	vand.u32 $0x7, v9;
	v14 =	vadd.s32 s11, v29  }
0x27c: {  	v9 =	vor.u32 v9, v14;
	v11 =	vld.idx.msk [tilespmem:v11+s28+$0x0], $0xffff  }
0x27d: {  	v12 =	vld.idx.msk [tilespmem:v12+s28+$0x0], $0xffff;
	_ =	sdelay $0x1  }
0x27e: {  	v13 =	vld.idx.msk [tilespmem:v13+s28+$0x0], $0xffff;
	_ =	sdelay $0x1  }
0x27f: {  	v9 =	vld.idx.msk [tilespmem:v9+s28+$0x0], $0xffff  }
0x280: {  	v11 =	vmul.f32 v11, v4;
	v12 =	vmul.f32 v12, v5;
	_ =	sdelay $0x1  }
0x281: {  	v30 =	vmul.f32 v13, v6;
	v11 =	vadd.f32 v12, v11;
	_ =	sdelay $0x1  }
0x282: {  	v9 =	vmul.f32 v9, v7;
	v11 =	vadd.f32 v30, v11;
	_ =	sdelay $0x1  }
0x283: {  	v9 =	vadd.f32 v9, v11;
	_ =	sdelay $0x1  }
0x284: {  	(xrf2) =	vadd.scan.msk.f32 $0xffff, v9;
	_ =	sdelay $0x8  }
0x285: {  	v31 =	vadd.s32 $0x400, v8  }
0x286: {  	v32, _, _ =	vpop (xrf2)  }
0x287: {  	v11 =	vsub.f32 $0.0e+00, v32;
	_ =	sdelay $0x1  }
0x288: {  	[tilespmem:v21+s1+$0x0] =	vst.idx.msk vm0, v11  }
0x289: {  	v10 =	vld.idx.msk [tilespmem:v31+s17+$0x0], $0xffff;
	_ =	sdelay $0x4  }
0x28a: {  	v33 =	vadd.s32 v0, v10  }
0x28b: {  	s11 =	sadd.s32 $0xFFFFF780, s9;
	v35 =	vadd.s32 v1, v10;
	v37 =	vadd.s32 v2, v10;
	v34 =	vand.u32 $0xFFFFFFF8, v33  }
0x28c: {  	v11 =	vand.u32 $0x7, v33;
	v36 =	vand.u32 $0xFFFFFFF8, v35;
	v12 =	vadd.s32 s11, v34  }
0x28d: {  	v13 =	vand.u32 $0x7, v35;
	v11 =	vor.u32 v11, v12;
	v12 =	vadd.s32 s11, v36  }
0x28e: {  	v38 =	vand.u32 $0xFFFFFFF8, v37;
	v12 =	vor.u32 v13, v12  }
0x28f: {  	v10 =	vadd.s32 v3, v10;
	v14 =	vand.u32 $0x7, v37;
	v13 =	vadd.s32 s11, v38  }
0x290: {  	v39 =	vand.u32 $0xFFFFFFF8, v10;
	v13 =	vor.u32 v14, v13  }
0x291: {  	v10 =	vand.u32 $0x7, v10;
	v14 =	vadd.s32 s11, v39  }
0x292: {  	v10 =	vor.u32 v10, v14;
	v11 =	vld.idx.msk [tilespmem:v11+s28+$0x0], $0xffff  }
0x293: {  	v12 =	vld.idx.msk [tilespmem:v12+s28+$0x0], $0xffff;
	_ =	sdelay $0x1  }
0x294: {  	v13 =	vld.idx.msk [tilespmem:v13+s28+$0x0], $0xffff;
	_ =	sdelay $0x1  }
0x295: {  	v10 =	vld.idx.msk [tilespmem:v10+s28+$0x0], $0xffff  }
0x296: {  	v11 =	vmul.f32 v11, v4;
	v12 =	vmul.f32 v12, v5;
	_ =	sdelay $0x1  }
0x297: {  	v40 =	vmul.f32 v13, v6;
	v11 =	vadd.f32 v12, v11;
	_ =	sdelay $0x1  }
0x298: {  	v10 =	vmul.f32 v10, v7;
	v11 =	vadd.f32 v40, v11;
	_ =	sdelay $0x1  }
0x299: {  	v10 =	vadd.f32 v10, v11;
	_ =	sdelay $0x1  }
0x29a: {  	(xrf2) =	vadd.scan.msk.f32 $0xffff, v10;
	_ =	sdelay $0x8  }
0x29b: {  	v41 =	vadd.s32 $0x600, v8  }
0x29c: {  	v42, _, _ =	vpop (xrf2)  }
0x29d: {  	v11 =	vsub.f32 $0.0e+00, v42;
	_ =	sdelay $0x1  }
0x29e: {  	[tilespmem:v31+s1+$0x0] =	vst.idx.msk vm0, v11  }
0x29f: {  	v9 =	vld.idx.msk [tilespmem:v41+s17+$0x0], $0xffff;
	_ =	sdelay $0x4  }
0x2a0: {  	v43 =	vadd.s32 v0, v9  }
0x2a1: {  	s11 =	sadd.s32 $0xFFFFF800, s9;
	v45 =	vadd.s32 v1, v9;
	v47 =	vadd.s32 v2, v9;
	v44 =	vand.u32 $0xFFFFFFF8, v43  }
0x2a2: {  	v11 =	vand.u32 $0x7, v43;
	v46 =	vand.u32 $0xFFFFFFF8, v45;
	v12 =	vadd.s32 s11, v44  }
0x2a3: {  	v13 =	vand.u32 $0x7, v45;
	v11 =	vor.u32 v11, v12;
	v12 =	vadd.s32 s11, v46  }
0x2a4: {  	v48 =	vand.u32 $0xFFFFFFF8, v47;
	v12 =	vor.u32 v13, v12  }
0x2a5: {  	v9 =	vadd.s32 v3, v9;
	v14 =	vand.u32 $0x7, v47;
	v13 =	vadd.s32 s11, v48  }
0x2a6: {  	v49 =	vand.u32 $0xFFFFFFF8, v9;
	v13 =	vor.u32 v14, v13  }
0x2a7: {  	v9 =	vand.u32 $0x7, v9;
	v14 =	vadd.s32 s11, v49  }
0x2a8: {  	v9 =	vor.u32 v9, v14;
	v11 =	vld.idx.msk [tilespmem:v11+s28+$0x0], $0xffff  }
0x2a9: {  	v12 =	vld.idx.msk [tilespmem:v12+s28+$0x0], $0xffff;
	_ =	sdelay $0x1  }
0x2aa: {  	v13 =	vld.idx.msk [tilespmem:v13+s28+$0x0], $0xffff;
	_ =	sdelay $0x1  }
0x2ab: {  	v9 =	vld.idx.msk [tilespmem:v9+s28+$0x0], $0xffff  }
0x2ac: {  	v11 =	vmul.f32 v11, v4;
	v12 =	vmul.f32 v12, v5;
	_ =	sdelay $0x1  }
0x2ad: {  	v50 =	vmul.f32 v13, v6;
	v11 =	vadd.f32 v12, v11;
	_ =	sdelay $0x1  }
0x2ae: {  	v9 =	vmul.f32 v9, v7;
	v11 =	vadd.f32 v50, v11;
	_ =	sdelay $0x1  }
0x2af: {  	v9 =	vadd.f32 v9, v11;
	_ =	sdelay $0x1  }
0x2b0: {  	(xrf2) =	vadd.scan.msk.f32 $0xffff, v9;
	_ =	sdelay $0x8  }
0x2b1: {  	v51 =	vadd.s32 $0x800, v8  }
0x2b2: {  	v52, _, _ =	vpop (xrf2)  }
0x2b3: {  	v11 =	vsub.f32 $0.0e+00, v52;
	_ =	sdelay $0x1  }
0x2b4: {  	[tilespmem:v41+s1+$0x0] =	vst.idx.msk vm0, v11  }
0x2b5: {  	v10 =	vld.idx.msk [tilespmem:v51+s17+$0x0], $0xffff;
	_ =	sdelay $0x4  }
0x2b6: {  	v53 =	vadd.s32 v0, v10  }
0x2b7: {  	s11 =	sadd.s32 $0xFFFFF880, s9;
	v55 =	vadd.s32 v1, v10;
	v57 =	vadd.s32 v2, v10;
	v54 =	vand.u32 $0xFFFFFFF8, v53  }
0x2b8: {  	v11 =	vand.u32 $0x7, v53;
	v56 =	vand.u32 $0xFFFFFFF8, v55;
	v12 =	vadd.s32 s11, v54  }
0x2b9: {  	v13 =	vand.u32 $0x7, v55;
	v11 =	vor.u32 v11, v12;
	v12 =	vadd.s32 s11, v56  }
0x2ba: {  	v58 =	vand.u32 $0xFFFFFFF8, v57;
	v12 =	vor.u32 v13, v12  }
0x2bb: {  	v10 =	vadd.s32 v3, v10;
	v14 =	vand.u32 $0x7, v57;
	v13 =	vadd.s32 s11, v58  }
0x2bc: {  	v59 =	vand.u32 $0xFFFFFFF8, v10;
	v13 =	vor.u32 v14, v13  }
0x2bd: {  	v10 =	vand.u32 $0x7, v10;
	v14 =	vadd.s32 s11, v59  }
0x2be: {  	v10 =	vor.u32 v10, v14;
	v11 =	vld.idx.msk [tilespmem:v11+s28+$0x0], $0xffff  }
0x2bf: {  	v12 =	vld.idx.msk [tilespmem:v12+s28+$0x0], $0xffff;
	_ =	sdelay $0x1  }
0x2c0: {  	v13 =	vld.idx.msk [tilespmem:v13+s28+$0x0], $0xffff;
	_ =	sdelay $0x1  }
0x2c1: {  	v10 =	vld.idx.msk [tilespmem:v10+s28+$0x0], $0xffff  }
0x2c2: {  	v11 =	vmul.f32 v11, v4;
	v12 =	vmul.f32 v12, v5;
	_ =	sdelay $0x1  }
0x2c3: {  	v60 =	vmul.f32 v13, v6;
	v11 =	vadd.f32 v12, v11;
	_ =	sdelay $0x1  }
0x2c4: {  	v10 =	vmul.f32 v10, v7;
	v11 =	vadd.f32 v60, v11;
	_ =	sdelay $0x1  }
0x2c5: {  	v10 =	vadd.f32 v10, v11;
	_ =	sdelay $0x1  }
0x2c6: {  	(xrf2) =	vadd.scan.msk.f32 $0xffff, v10;
	_ =	sdelay $0x8  }
0x2c7: {  	v61 =	vadd.s32 $0xA00, v8  }
0x2c8: {  	v62, _, _ =	vpop (xrf2)  }
0x2c9: {  	v11 =	vsub.f32 $0.0e+00, v62;
	_ =	sdelay $0x1  }
0x2ca: {  	[tilespmem:v51+s1+$0x0] =	vst.idx.msk vm0, v11  }
0x2cb: {  	v9 =	vld.idx.msk [tilespmem:v61+s17+$0x0], $0xffff;
	_ =	sdelay $0x4  }
0x2cc: {  	v63 =	vadd.s32 v0, v9  }
0x2cd: {  	s11 =	sadd.s32 $0xFFFFF900, s9;
	v17 =	vadd.s32 v1, v9;
	v19 =	vadd.s32 v2, v9;
	v16 =	vand.u32 $0xFFFFFFF8, v63  }
0x2ce: {  	v11 =	vand.u32 $0x7, v63;
	v18 =	vand.u32 $0xFFFFFFF8, v17;
	v12 =	vadd.s32 s11, v16  }
0x2cf: {  	v13 =	vand.u32 $0x7, v17;
	v11 =	vor.u32 v11, v12;
	v12 =	vadd.s32 s11, v18  }
0x2d0: {  	v20 =	vand.u32 $0xFFFFFFF8, v19;
	v12 =	vor.u32 v13, v12  }
0x2d1: {  	v9 =	vadd.s32 v3, v9;
	v14 =	vand.u32 $0x7, v19;
	v13 =	vadd.s32 s11, v20  }
0x2d2: {  	v21 =	vand.u32 $0xFFFFFFF8, v9;
	v13 =	vor.u32 v14, v13  }
0x2d3: {  	v9 =	vand.u32 $0x7, v9;
	v14 =	vadd.s32 s11, v21  }
0x2d4: {  	v9 =	vor.u32 v9, v14;
	v11 =	vld.idx.msk [tilespmem:v11+s28+$0x0], $0xffff  }
0x2d5: {  	v12 =	vld.idx.msk [tilespmem:v12+s28+$0x0], $0xffff;
	_ =	sdelay $0x1  }
0x2d6: {  	v13 =	vld.idx.msk [tilespmem:v13+s28+$0x0], $0xffff;
	_ =	sdelay $0x1  }
0x2d7: {  	v9 =	vld.idx.msk [tilespmem:v9+s28+$0x0], $0xffff  }
0x2d8: {  	v11 =	vmul.f32 v11, v4;
	v12 =	vmul.f32 v12, v5;
	_ =	sdelay $0x1  }
0x2d9: {  	v22 =	vmul.f32 v13, v6;
	v11 =	vadd.f32 v12, v11;
	_ =	sdelay $0x1  }
0x2da: {  	v9 =	vmul.f32 v9, v7;
	v11 =	vadd.f32 v22, v11;
	_ =	sdelay $0x1  }
0x2db: {  	v9 =	vadd.f32 v9, v11;
	_ =	sdelay $0x1  }
0x2dc: {  	(xrf2) =	vadd.scan.msk.f32 $0xffff, v9;
	_ =	sdelay $0x8  }
0x2dd: {  	v23 =	vadd.s32 $0xC00, v8  }
0x2de: {  	v24, _, _ =	vpop (xrf2)  }
0x2df: {  	v11 =	vsub.f32 $0.0e+00, v24;
	_ =	sdelay $0x1  }
0x2e0: {  	[tilespmem:v61+s1+$0x0] =	vst.idx.msk vm0, v11  }
0x2e1: {  	v10 =	vld.idx.msk [tilespmem:v23+s17+$0x0], $0xffff;
	_ =	sdelay $0x4  }
0x2e2: {  	v25 =	vadd.s32 v0, v10  }
0x2e3: {  	s11 =	sadd.s32 $0xFFFFF980, s9;
	v27 =	vadd.s32 v1, v10;
	v29 =	vadd.s32 v2, v10;
	v26 =	vand.u32 $0xFFFFFFF8, v25  }
0x2e4: {  	v11 =	vand.u32 $0x7, v25;
	v28 =	vand.u32 $0xFFFFFFF8, v27;
	v12 =	vadd.s32 s11, v26  }
0x2e5: {  	v13 =	vand.u32 $0x7, v27;
	v11 =	vor.u32 v11, v12;
	v12 =	vadd.s32 s11, v28  }
0x2e6: {  	v30 =	vand.u32 $0xFFFFFFF8, v29;
	v12 =	vor.u32 v13, v12  }
0x2e7: {  	v10 =	vadd.s32 v3, v10;
	v14 =	vand.u32 $0x7, v29;
	v13 =	vadd.s32 s11, v30  }
0x2e8: {  	v31 =	vand.u32 $0xFFFFFFF8, v10;
	v13 =	vor.u32 v14, v13  }
0x2e9: {  	v10 =	vand.u32 $0x7, v10;
	v14 =	vadd.s32 s11, v31  }
0x2ea: {  	v10 =	vor.u32 v10, v14;
	v11 =	vld.idx.msk [tilespmem:v11+s28+$0x0], $0xffff  }
0x2eb: {  	v12 =	vld.idx.msk [tilespmem:v12+s28+$0x0], $0xffff;
	_ =	sdelay $0x1  }
0x2ec: {  	v13 =	vld.idx.msk [tilespmem:v13+s28+$0x0], $0xffff;
	_ =	sdelay $0x1  }
0x2ed: {  	v10 =	vld.idx.msk [tilespmem:v10+s28+$0x0], $0xffff  }
0x2ee: {  	v11 =	vmul.f32 v11, v4;
	v12 =	vmul.f32 v12, v5;
	_ =	sdelay $0x1  }
0x2ef: {  	v32 =	vmul.f32 v13, v6;
	v11 =	vadd.f32 v12, v11;
	_ =	sdelay $0x1  }
0x2f0: {  	v10 =	vmul.f32 v10, v7;
	v11 =	vadd.f32 v32, v11;
	_ =	sdelay $0x1  }
0x2f1: {  	v10 =	vadd.f32 v10, v11;
	_ =	sdelay $0x1  }
0x2f2: {  	(xrf2) =	vadd.scan.msk.f32 $0xffff, v10;
	_ =	sdelay $0x8  }
0x2f3: {  	v33 =	vadd.s32 $0xE00, v8  }
0x2f4: {  	v34, _, _ =	vpop (xrf2)  }
0x2f5: {  	v11 =	vsub.f32 $0.0e+00, v34;
	_ =	sdelay $0x1  }
0x2f6: {  	[tilespmem:v23+s1+$0x0] =	vst.idx.msk vm0, v11  }
0x2f7: {  	v9 =	vld.idx.msk [tilespmem:v33+s17+$0x0], $0xffff;
	_ =	sdelay $0x4  }
0x2f8: {  	v35 =	vadd.s32 v0, v9  }
0x2f9: {  	s11 =	sadd.s32 $0xFFFFFA00, s9;
	v37 =	vadd.s32 v1, v9;
	v39 =	vadd.s32 v2, v9;
	v36 =	vand.u32 $0xFFFFFFF8, v35  }
0x2fa: {  	v11 =	vand.u32 $0x7, v35;
	v38 =	vand.u32 $0xFFFFFFF8, v37;
	v12 =	vadd.s32 s11, v36  }
0x2fb: {  	v13 =	vand.u32 $0x7, v37;
	v11 =	vor.u32 v11, v12;
	v12 =	vadd.s32 s11, v38  }
0x2fc: {  	v40 =	vand.u32 $0xFFFFFFF8, v39;
	v12 =	vor.u32 v13, v12  }
0x2fd: {  	v9 =	vadd.s32 v3, v9;
	v14 =	vand.u32 $0x7, v39;
	v13 =	vadd.s32 s11, v40  }
0x2fe: {  	v41 =	vand.u32 $0xFFFFFFF8, v9;
	v13 =	vor.u32 v14, v13  }
0x2ff: {  	v9 =	vand.u32 $0x7, v9;
	v14 =	vadd.s32 s11, v41  }
0x300: {  	v9 =	vor.u32 v9, v14;
	v11 =	vld.idx.msk [tilespmem:v11+s28+$0x0], $0xffff  }
0x301: {  	v12 =	vld.idx.msk [tilespmem:v12+s28+$0x0], $0xffff;
	_ =	sdelay $0x1  }
0x302: {  	v13 =	vld.idx.msk [tilespmem:v13+s28+$0x0], $0xffff;
	_ =	sdelay $0x1  }
0x303: {  	v9 =	vld.idx.msk [tilespmem:v9+s28+$0x0], $0xffff  }
0x304: {  	v11 =	vmul.f32 v11, v4;
	v12 =	vmul.f32 v12, v5;
	_ =	sdelay $0x1  }
0x305: {  	v42 =	vmul.f32 v13, v6;
	v11 =	vadd.f32 v12, v11;
	_ =	sdelay $0x1  }
0x306: {  	v9 =	vmul.f32 v9, v7;
	v11 =	vadd.f32 v42, v11;
	_ =	sdelay $0x1  }
0x307: {  	v9 =	vadd.f32 v9, v11;
	_ =	sdelay $0x1  }
0x308: {  	(xrf2) =	vadd.scan.msk.f32 $0xffff, v9;
	_ =	sdelay $0x8  }
0x309: {  	v43 =	vadd.s32 $0x1000, v8  }
0x30a: {  	v44, _, _ =	vpop (xrf2)  }
0x30b: {  	v11 =	vsub.f32 $0.0e+00, v44;
	_ =	sdelay $0x1  }
0x30c: {  	[tilespmem:v33+s1+$0x0] =	vst.idx.msk vm0, v11  }
0x30d: {  	v10 =	vld.idx.msk [tilespmem:v43+s17+$0x0], $0xffff;
	_ =	sdelay $0x4  }
0x30e: {  	v45 =	vadd.s32 v0, v10  }
0x30f: {  	s11 =	sadd.s32 $0xFFFFFA80, s9;
	v47 =	vadd.s32 v1, v10;
	v49 =	vadd.s32 v2, v10;
	v46 =	vand.u32 $0xFFFFFFF8, v45  }
0x310: {  	v11 =	vand.u32 $0x7, v45;
	v48 =	vand.u32 $0xFFFFFFF8, v47;
	v12 =	vadd.s32 s11, v46  }
0x311: {  	v13 =	vand.u32 $0x7, v47;
	v11 =	vor.u32 v11, v12;
	v12 =	vadd.s32 s11, v48  }
0x312: {  	v50 =	vand.u32 $0xFFFFFFF8, v49;
	v12 =	vor.u32 v13, v12  }
0x313: {  	v10 =	vadd.s32 v3, v10;
	v14 =	vand.u32 $0x7, v49;
	v13 =	vadd.s32 s11, v50  }
0x314: {  	v51 =	vand.u32 $0xFFFFFFF8, v10;
	v13 =	vor.u32 v14, v13  }
0x315: {  	v10 =	vand.u32 $0x7, v10;
	v14 =	vadd.s32 s11, v51  }
0x316: {  	v10 =	vor.u32 v10, v14;
	v11 =	vld.idx.msk [tilespmem:v11+s28+$0x0], $0xffff  }
0x317: {  	v12 =	vld.idx.msk [tilespmem:v12+s28+$0x0], $0xffff;
	_ =	sdelay $0x1  }
0x318: {  	v13 =	vld.idx.msk [tilespmem:v13+s28+$0x0], $0xffff;
	_ =	sdelay $0x1  }
0x319: {  	v10 =	vld.idx.msk [tilespmem:v10+s28+$0x0], $0xffff  }
0x31a: {  	v11 =	vmul.f32 v11, v4;
	v12 =	vmul.f32 v12, v5;
	_ =	sdelay $0x1  }
0x31b: {  	v52 =	vmul.f32 v13, v6;
	v11 =	vadd.f32 v12, v11;
	_ =	sdelay $0x1  }
0x31c: {  	v10 =	vmul.f32 v10, v7;
	v11 =	vadd.f32 v52, v11;
	_ =	sdelay $0x1  }
0x31d: {  	v10 =	vadd.f32 v10, v11;
	_ =	sdelay $0x1  }
0x31e: {  	(xrf2) =	vadd.scan.msk.f32 $0xffff, v10;
	_ =	sdelay $0x8  }
0x31f: {  	v53 =	vadd.s32 $0x1200, v8  }
0x320: {  	v54, _, _ =	vpop (xrf2)  }
0x321: {  	v11 =	vsub.f32 $0.0e+00, v54;
	_ =	sdelay $0x1  }
0x322: {  	[tilespmem:v43+s1+$0x0] =	vst.idx.msk vm0, v11  }
0x323: {  	v9 =	vld.idx.msk [tilespmem:v53+s17+$0x0], $0xffff;
	_ =	sdelay $0x4  }
0x324: {  	v55 =	vadd.s32 v0, v9  }
0x325: {  	s11 =	sadd.s32 $0xFFFFFB00, s9;
	v57 =	vadd.s32 v1, v9;
	v59 =	vadd.s32 v2, v9;
	v56 =	vand.u32 $0xFFFFFFF8, v55  }
0x326: {  	v11 =	vand.u32 $0x7, v55;
	v58 =	vand.u32 $0xFFFFFFF8, v57;
	v12 =	vadd.s32 s11, v56  }
0x327: {  	v13 =	vand.u32 $0x7, v57;
	v11 =	vor.u32 v11, v12;
	v12 =	vadd.s32 s11, v58  }
0x328: {  	v60 =	vand.u32 $0xFFFFFFF8, v59;
	v12 =	vor.u32 v13, v12  }
0x329: {  	v9 =	vadd.s32 v3, v9;
	v14 =	vand.u32 $0x7, v59;
	v13 =	vadd.s32 s11, v60  }
0x32a: {  	v61 =	vand.u32 $0xFFFFFFF8, v9;
	v13 =	vor.u32 v14, v13  }
0x32b: {  	v9 =	vand.u32 $0x7, v9;
	v14 =	vadd.s32 s11, v61  }
0x32c: {  	v9 =	vor.u32 v9, v14;
	v11 =	vld.idx.msk [tilespmem:v11+s28+$0x0], $0xffff  }
0x32d: {  	v12 =	vld.idx.msk [tilespmem:v12+s28+$0x0], $0xffff;
	_ =	sdelay $0x1  }
0x32e: {  	v13 =	vld.idx.msk [tilespmem:v13+s28+$0x0], $0xffff;
	_ =	sdelay $0x1  }
0x32f: {  	v9 =	vld.idx.msk [tilespmem:v9+s28+$0x0], $0xffff  }
0x330: {  	v11 =	vmul.f32 v11, v4;
	v12 =	vmul.f32 v12, v5;
	_ =	sdelay $0x1  }
0x331: {  	v62 =	vmul.f32 v13, v6;
	v11 =	vadd.f32 v12, v11;
	_ =	sdelay $0x1  }
0x332: {  	v9 =	vmul.f32 v9, v7;
	v11 =	vadd.f32 v62, v11;
	_ =	sdelay $0x1  }
0x333: {  	v9 =	vadd.f32 v9, v11;
	_ =	sdelay $0x1  }
0x334: {  	(xrf2) =	vadd.scan.msk.f32 $0xffff, v9;
	_ =	sdelay $0x8  }
0x335: {  	v63 =	vadd.s32 $0x1400, v8  }
0x336: {  	v16, _, _ =	vpop (xrf2)  }
0x337: {  	v11 =	vsub.f32 $0.0e+00, v16;
	_ =	sdelay $0x1  }
0x338: {  	[tilespmem:v53+s1+$0x0] =	vst.idx.msk vm0, v11  }
0x339: {  	v10 =	vld.idx.msk [tilespmem:v63+s17+$0x0], $0xffff;
	_ =	sdelay $0x4  }
0x33a: {  	v17 =	vadd.s32 v0, v10  }
0x33b: {  	s11 =	sadd.s32 $0xFFFFFB80, s9;
	v19 =	vadd.s32 v1, v10;
	v21 =	vadd.s32 v2, v10;
	v18 =	vand.u32 $0xFFFFFFF8, v17  }
0x33c: {  	v11 =	vand.u32 $0x7, v17;
	v20 =	vand.u32 $0xFFFFFFF8, v19;
	v12 =	vadd.s32 s11, v18  }
0x33d: {  	v13 =	vand.u32 $0x7, v19;
	v11 =	vor.u32 v11, v12;
	v12 =	vadd.s32 s11, v20  }
0x33e: {  	v22 =	vand.u32 $0xFFFFFFF8, v21;
	v12 =	vor.u32 v13, v12  }
0x33f: {  	v10 =	vadd.s32 v3, v10;
	v14 =	vand.u32 $0x7, v21;
	v13 =	vadd.s32 s11, v22  }
0x340: {  	v23 =	vand.u32 $0xFFFFFFF8, v10;
	v13 =	vor.u32 v14, v13  }
0x341: {  	v10 =	vand.u32 $0x7, v10;
	v14 =	vadd.s32 s11, v23  }
0x342: {  	v10 =	vor.u32 v10, v14;
	v11 =	vld.idx.msk [tilespmem:v11+s28+$0x0], $0xffff  }
0x343: {  	v12 =	vld.idx.msk [tilespmem:v12+s28+$0x0], $0xffff;
	_ =	sdelay $0x1  }
0x344: {  	v13 =	vld.idx.msk [tilespmem:v13+s28+$0x0], $0xffff;
	_ =	sdelay $0x1  }
0x345: {  	v10 =	vld.idx.msk [tilespmem:v10+s28+$0x0], $0xffff  }
0x346: {  	v11 =	vmul.f32 v11, v4;
	v12 =	vmul.f32 v12, v5;
	_ =	sdelay $0x1  }
0x347: {  	v24 =	vmul.f32 v13, v6;
	v11 =	vadd.f32 v12, v11;
	_ =	sdelay $0x1  }
0x348: {  	v10 =	vmul.f32 v10, v7;
	v11 =	vadd.f32 v24, v11;
	_ =	sdelay $0x1  }
0x349: {  	v10 =	vadd.f32 v10, v11;
	_ =	sdelay $0x1  }
0x34a: {  	(xrf2) =	vadd.scan.msk.f32 $0xffff, v10;
	_ =	sdelay $0x8  }
0x34b: {  	v25 =	vadd.s32 $0x1600, v8  }
0x34c: {  	v26, _, _ =	vpop (xrf2)  }
0x34d: {  	v11 =	vsub.f32 $0.0e+00, v26;
	_ =	sdelay $0x1  }
0x34e: {  	[tilespmem:v63+s1+$0x0] =	vst.idx.msk vm0, v11  }
0x34f: {  	v9 =	vld.idx.msk [tilespmem:v25+s17+$0x0], $0xffff;
	_ =	sdelay $0x4  }
0x350: {  	v27 =	vadd.s32 v0, v9  }
0x351: {  	s11 =	sadd.s32 $0xFFFFFC00, s9;
	v29 =	vadd.s32 v1, v9;
	v31 =	vadd.s32 v2, v9;
	v28 =	vand.u32 $0xFFFFFFF8, v27  }
0x352: {  	v11 =	vand.u32 $0x7, v27;
	v30 =	vand.u32 $0xFFFFFFF8, v29;
	v12 =	vadd.s32 s11, v28  }
0x353: {  	v13 =	vand.u32 $0x7, v29;
	v11 =	vor.u32 v11, v12;
	v12 =	vadd.s32 s11, v30  }
0x354: {  	v32 =	vand.u32 $0xFFFFFFF8, v31;
	v12 =	vor.u32 v13, v12  }
0x355: {  	v9 =	vadd.s32 v3, v9;
	v14 =	vand.u32 $0x7, v31;
	v13 =	vadd.s32 s11, v32  }
0x356: {  	v33 =	vand.u32 $0xFFFFFFF8, v9;
	v13 =	vor.u32 v14, v13  }
0x357: {  	v9 =	vand.u32 $0x7, v9;
	v14 =	vadd.s32 s11, v33  }
0x358: {  	v9 =	vor.u32 v9, v14;
	v11 =	vld.idx.msk [tilespmem:v11+s28+$0x0], $0xffff  }
0x359: {  	v12 =	vld.idx.msk [tilespmem:v12+s28+$0x0], $0xffff;
	_ =	sdelay $0x1  }
0x35a: {  	v13 =	vld.idx.msk [tilespmem:v13+s28+$0x0], $0xffff;
	_ =	sdelay $0x1  }
0x35b: {  	v9 =	vld.idx.msk [tilespmem:v9+s28+$0x0], $0xffff  }
0x35c: {  	v11 =	vmul.f32 v11, v4;
	v12 =	vmul.f32 v12, v5;
	_ =	sdelay $0x1  }
0x35d: {  	v34 =	vmul.f32 v13, v6;
	v11 =	vadd.f32 v12, v11;
	_ =	sdelay $0x1  }
0x35e: {  	v9 =	vmul.f32 v9, v7;
	v11 =	vadd.f32 v34, v11;
	_ =	sdelay $0x1  }
0x35f: {  	v9 =	vadd.f32 v9, v11;
	_ =	sdelay $0x1  }
0x360: {  	(xrf2) =	vadd.scan.msk.f32 $0xffff, v9;
	_ =	sdelay $0x8  }
0x361: {  	v35 =	vadd.s32 $0x1800, v8  }
0x362: {  	v36, _, _ =	vpop (xrf2)  }
0x363: {  	v11 =	vsub.f32 $0.0e+00, v36;
	_ =	sdelay $0x1  }
0x364: {  	[tilespmem:v25+s1+$0x0] =	vst.idx.msk vm0, v11  }
0x365: {  	v10 =	vld.idx.msk [tilespmem:v35+s17+$0x0], $0xffff;
	_ =	sdelay $0x4  }
0x366: {  	v37 =	vadd.s32 v0, v10  }
0x367: {  	s11 =	sadd.s32 $0xFFFFFC80, s9;
	v39 =	vadd.s32 v1, v10;
	v41 =	vadd.s32 v2, v10;
	v38 =	vand.u32 $0xFFFFFFF8, v37  }
0x368: {  	v11 =	vand.u32 $0x7, v37;
	v40 =	vand.u32 $0xFFFFFFF8, v39;
	v12 =	vadd.s32 s11, v38  }
0x369: {  	v13 =	vand.u32 $0x7, v39;
	v11 =	vor.u32 v11, v12;
	v12 =	vadd.s32 s11, v40  }
0x36a: {  	v42 =	vand.u32 $0xFFFFFFF8, v41;
	v12 =	vor.u32 v13, v12  }
0x36b: {  	v10 =	vadd.s32 v3, v10;
	v14 =	vand.u32 $0x7, v41;
	v13 =	vadd.s32 s11, v42  }
0x36c: {  	v43 =	vand.u32 $0xFFFFFFF8, v10;
	v13 =	vor.u32 v14, v13  }
0x36d: {  	v10 =	vand.u32 $0x7, v10;
	v14 =	vadd.s32 s11, v43  }
0x36e: {  	v10 =	vor.u32 v10, v14;
	v11 =	vld.idx.msk [tilespmem:v11+s28+$0x0], $0xffff  }
0x36f: {  	v12 =	vld.idx.msk [tilespmem:v12+s28+$0x0], $0xffff;
	_ =	sdelay $0x1  }
0x370: {  	v13 =	vld.idx.msk [tilespmem:v13+s28+$0x0], $0xffff;
	_ =	sdelay $0x1  }
0x371: {  	v10 =	vld.idx.msk [tilespmem:v10+s28+$0x0], $0xffff  }
0x372: {  	v11 =	vmul.f32 v11, v4;
	v12 =	vmul.f32 v12, v5;
	_ =	sdelay $0x1  }
0x373: {  	v44 =	vmul.f32 v13, v6;
	v11 =	vadd.f32 v12, v11;
	_ =	sdelay $0x1  }
0x374: {  	v10 =	vmul.f32 v10, v7;
	v11 =	vadd.f32 v44, v11;
	_ =	sdelay $0x1  }
0x375: {  	v10 =	vadd.f32 v10, v11;
	_ =	sdelay $0x1  }
0x376: {  	(xrf2) =	vadd.scan.msk.f32 $0xffff, v10;
	_ =	sdelay $0x8  }
0x377: {  	v45 =	vadd.s32 $0x1A00, v8  }
0x378: {  	v46, _, _ =	vpop (xrf2)  }
0x379: {  	v11 =	vsub.f32 $0.0e+00, v46;
	_ =	sdelay $0x1  }
0x37a: {  	[tilespmem:v35+s1+$0x0] =	vst.idx.msk vm0, v11  }
0x37b: {  	v9 =	vld.idx.msk [tilespmem:v45+s17+$0x0], $0xffff;
	_ =	sdelay $0x4  }
0x37c: {  	v47 =	vadd.s32 v0, v9  }
0x37d: {  	s11 =	sadd.s32 $0xFFFFFD00, s9;
	v49 =	vadd.s32 v1, v9;
	v51 =	vadd.s32 v2, v9;
	v48 =	vand.u32 $0xFFFFFFF8, v47  }
0x37e: {  	v11 =	vand.u32 $0x7, v47;
	v50 =	vand.u32 $0xFFFFFFF8, v49;
	v12 =	vadd.s32 s11, v48  }
0x37f: {  	v13 =	vand.u32 $0x7, v49;
	v11 =	vor.u32 v11, v12;
	v12 =	vadd.s32 s11, v50  }
0x380: {  	v52 =	vand.u32 $0xFFFFFFF8, v51;
	v12 =	vor.u32 v13, v12  }
0x381: {  	v9 =	vadd.s32 v3, v9;
	v14 =	vand.u32 $0x7, v51;
	v13 =	vadd.s32 s11, v52  }
0x382: {  	v53 =	vand.u32 $0xFFFFFFF8, v9;
	v13 =	vor.u32 v14, v13  }
0x383: {  	v9 =	vand.u32 $0x7, v9;
	v14 =	vadd.s32 s11, v53  }
0x384: {  	v9 =	vor.u32 v9, v14;
	v11 =	vld.idx.msk [tilespmem:v11+s28+$0x0], $0xffff  }
0x385: {  	v12 =	vld.idx.msk [tilespmem:v12+s28+$0x0], $0xffff;
	_ =	sdelay $0x1  }
0x386: {  	v13 =	vld.idx.msk [tilespmem:v13+s28+$0x0], $0xffff;
	_ =	sdelay $0x1  }
0x387: {  	v9 =	vld.idx.msk [tilespmem:v9+s28+$0x0], $0xffff  }
0x388: {  	v11 =	vmul.f32 v11, v4;
	v12 =	vmul.f32 v12, v5;
	_ =	sdelay $0x1  }
0x389: {  	v54 =	vmul.f32 v13, v6;
	v11 =	vadd.f32 v12, v11;
	_ =	sdelay $0x1  }
0x38a: {  	v9 =	vmul.f32 v9, v7;
	v11 =	vadd.f32 v54, v11;
	_ =	sdelay $0x1  }
0x38b: {  	v9 =	vadd.f32 v9, v11;
	_ =	sdelay $0x1  }
0x38c: {  	(xrf2) =	vadd.scan.msk.f32 $0xffff, v9;
	_ =	sdelay $0x8  }
0x38d: {  	v55 =	vadd.s32 $0x1C00, v8  }
0x38e: {  	v56, _, _ =	vpop (xrf2)  }
0x38f: {  	v11 =	vsub.f32 $0.0e+00, v56;
	_ =	sdelay $0x1  }
0x390: {  	[tilespmem:v45+s1+$0x0] =	vst.idx.msk vm0, v11  }
0x391: {  	v10 =	vld.idx.msk [tilespmem:v55+s17+$0x0], $0xffff;
	_ =	sdelay $0x4  }
0x392: {  	v57 =	vadd.s32 v0, v10  }
0x393: {  	s11 =	sadd.s32 $0xFFFFFD80, s9;
	v59 =	vadd.s32 v1, v10;
	v61 =	vadd.s32 v2, v10;
	v58 =	vand.u32 $0xFFFFFFF8, v57  }
0x394: {  	v11 =	vand.u32 $0x7, v57;
	v60 =	vand.u32 $0xFFFFFFF8, v59;
	v12 =	vadd.s32 s11, v58  }
0x395: {  	v13 =	vand.u32 $0x7, v59;
	v11 =	vor.u32 v11, v12;
	v12 =	vadd.s32 s11, v60  }
0x396: {  	v62 =	vand.u32 $0xFFFFFFF8, v61;
	v12 =	vor.u32 v13, v12  }
0x397: {  	v10 =	vadd.s32 v3, v10;
	v14 =	vand.u32 $0x7, v61;
	v13 =	vadd.s32 s11, v62  }
0x398: {  	v63 =	vand.u32 $0xFFFFFFF8, v10;
	v13 =	vor.u32 v14, v13  }
0x399: {  	v10 =	vand.u32 $0x7, v10;
	v14 =	vadd.s32 s11, v63  }
0x39a: {  	v10 =	vor.u32 v10, v14;
	v11 =	vld.idx.msk [tilespmem:v11+s28+$0x0], $0xffff  }
0x39b: {  	v12 =	vld.idx.msk [tilespmem:v12+s28+$0x0], $0xffff;
	_ =	sdelay $0x1  }
0x39c: {  	v13 =	vld.idx.msk [tilespmem:v13+s28+$0x0], $0xffff;
	_ =	sdelay $0x1  }
0x39d: {  	v10 =	vld.idx.msk [tilespmem:v10+s28+$0x0], $0xffff  }
0x39e: {  	v11 =	vmul.f32 v11, v4;
	v12 =	vmul.f32 v12, v5;
	_ =	sdelay $0x1  }
0x39f: {  	v16 =	vmul.f32 v13, v6;
	v11 =	vadd.f32 v12, v11;
	_ =	sdelay $0x1  }
0x3a0: {  	v10 =	vmul.f32 v10, v7;
	v11 =	vadd.f32 v16, v11;
	_ =	sdelay $0x1  }
0x3a1: {  	v10 =	vadd.f32 v10, v11;
	_ =	sdelay $0x1  }
0x3a2: {  	(xrf2) =	vadd.scan.msk.f32 $0xffff, v10;
	_ =	sdelay $0x8  }
0x3a3: {  	v17 =	vadd.s32 $0x1E00, v8  }
0x3a4: {  	v18, _, _ =	vpop (xrf2)  }
0x3a5: {  	v11 =	vsub.f32 $0.0e+00, v18;
	_ =	sdelay $0x1  }
0x3a6: {  	[tilespmem:v55+s1+$0x0] =	vst.idx.msk vm0, v11  }
0x3a7: {  	v9 =	vld.idx.msk [tilespmem:v17+s17+$0x0], $0xffff;
	_ =	sdelay $0x4  }
0x3a8: {  	v19 =	vadd.s32 v0, v9  }
0x3a9: {  	s11 =	sadd.s32 $0xFFFFFE00, s9;
	v21 =	vadd.s32 v1, v9;
	v23 =	vadd.s32 v2, v9;
	v20 =	vand.u32 $0xFFFFFFF8, v19  }
0x3aa: {  	v11 =	vand.u32 $0x7, v19;
	v22 =	vand.u32 $0xFFFFFFF8, v21;
	v12 =	vadd.s32 s11, v20  }
0x3ab: {  	v13 =	vand.u32 $0x7, v21;
	v11 =	vor.u32 v11, v12;
	v12 =	vadd.s32 s11, v22  }
0x3ac: {  	v24 =	vand.u32 $0xFFFFFFF8, v23;
	v12 =	vor.u32 v13, v12  }
0x3ad: {  	v9 =	vadd.s32 v3, v9;
	v14 =	vand.u32 $0x7, v23;
	v13 =	vadd.s32 s11, v24  }
0x3ae: {  	v25 =	vand.u32 $0xFFFFFFF8, v9;
	v13 =	vor.u32 v14, v13  }
0x3af: {  	v9 =	vand.u32 $0x7, v9;
	v14 =	vadd.s32 s11, v25  }
0x3b0: {  	v9 =	vor.u32 v9, v14;
	v11 =	vld.idx.msk [tilespmem:v11+s28+$0x0], $0xffff  }
0x3b1: {  	v12 =	vld.idx.msk [tilespmem:v12+s28+$0x0], $0xffff;
	_ =	sdelay $0x1  }
0x3b2: {  	v13 =	vld.idx.msk [tilespmem:v13+s28+$0x0], $0xffff;
	_ =	sdelay $0x1  }
0x3b3: {  	v9 =	vld.idx.msk [tilespmem:v9+s28+$0x0], $0xffff  }
0x3b4: {  	v11 =	vmul.f32 v11, v4;
	v12 =	vmul.f32 v12, v5;
	_ =	sdelay $0x1  }
0x3b5: {  	v26 =	vmul.f32 v13, v6;
	v11 =	vadd.f32 v12, v11;
	_ =	sdelay $0x1  }
0x3b6: {  	v9 =	vmul.f32 v9, v7;
	v11 =	vadd.f32 v26, v11;
	_ =	sdelay $0x1  }
0x3b7: {  	v9 =	vadd.f32 v9, v11;
	_ =	sdelay $0x1  }
0x3b8: {  	(xrf2) =	vadd.scan.msk.f32 $0xffff, v9;
	_ =	sdelay $0x8  }
0x3b9: {  	v27 =	vadd.s32 $0x2000, v8  }
0x3ba: {  	v28, _, _ =	vpop (xrf2)  }
0x3bb: {  	v11 =	vsub.f32 $0.0e+00, v28;
	_ =	sdelay $0x1  }
0x3bc: {  	[tilespmem:v17+s1+$0x0] =	vst.idx.msk vm0, v11  }
0x3bd: {  	v10 =	vld.idx.msk [tilespmem:v27+s17+$0x0], $0xffff;
	_ =	sdelay $0x4  }
0x3be: {  	v29 =	vadd.s32 v0, v10  }
0x3bf: {  	s11 =	sadd.s32 $0xFFFFFE80, s9;
	v31 =	vadd.s32 v1, v10;
	v33 =	vadd.s32 v2, v10;
	v30 =	vand.u32 $0xFFFFFFF8, v29  }
0x3c0: {  	v11 =	vand.u32 $0x7, v29;
	v32 =	vand.u32 $0xFFFFFFF8, v31;
	v12 =	vadd.s32 s11, v30  }
0x3c1: {  	v13 =	vand.u32 $0x7, v31;
	v11 =	vor.u32 v11, v12;
	v12 =	vadd.s32 s11, v32  }
0x3c2: {  	v34 =	vand.u32 $0xFFFFFFF8, v33;
	v12 =	vor.u32 v13, v12  }
0x3c3: {  	v10 =	vadd.s32 v3, v10;
	v14 =	vand.u32 $0x7, v33;
	v13 =	vadd.s32 s11, v34  }
0x3c4: {  	v35 =	vand.u32 $0xFFFFFFF8, v10;
	v13 =	vor.u32 v14, v13  }
0x3c5: {  	v10 =	vand.u32 $0x7, v10;
	v14 =	vadd.s32 s11, v35  }
0x3c6: {  	v10 =	vor.u32 v10, v14;
	v11 =	vld.idx.msk [tilespmem:v11+s28+$0x0], $0xffff  }
0x3c7: {  	v12 =	vld.idx.msk [tilespmem:v12+s28+$0x0], $0xffff;
	_ =	sdelay $0x1  }
0x3c8: {  	v13 =	vld.idx.msk [tilespmem:v13+s28+$0x0], $0xffff;
	_ =	sdelay $0x1  }
0x3c9: {  	v10 =	vld.idx.msk [tilespmem:v10+s28+$0x0], $0xffff  }
0x3ca: {  	v11 =	vmul.f32 v11, v4;
	v12 =	vmul.f32 v12, v5;
	_ =	sdelay $0x1  }
0x3cb: {  	v36 =	vmul.f32 v13, v6;
	v11 =	vadd.f32 v12, v11;
	_ =	sdelay $0x1  }
0x3cc: {  	v10 =	vmul.f32 v10, v7;
	v11 =	vadd.f32 v36, v11;
	_ =	sdelay $0x1  }
0x3cd: {  	v10 =	vadd.f32 v10, v11;
	_ =	sdelay $0x1  }
0x3ce: {  	(xrf2) =	vadd.scan.msk.f32 $0xffff, v10;
	_ =	sdelay $0x8  }
0x3cf: {  	v37 =	vadd.s32 $0x2200, v8  }
0x3d0: {  	v38, _, _ =	vpop (xrf2)  }
0x3d1: {  	v11 =	vsub.f32 $0.0e+00, v38;
	_ =	sdelay $0x1  }
0x3d2: {  	[tilespmem:v27+s1+$0x0] =	vst.idx.msk vm0, v11  }
0x3d3: {  	v9 =	vld.idx.msk [tilespmem:v37+s17+$0x0], $0xffff;
	_ =	sdelay $0x4  }
0x3d4: {  	v39 =	vadd.s32 v0, v9  }
0x3d5: {  	s11 =	sadd.s32 $0xFFFFFF00, s9;
	v41 =	vadd.s32 v1, v9;
	v43 =	vadd.s32 v2, v9;
	v40 =	vand.u32 $0xFFFFFFF8, v39  }
0x3d6: {  	v11 =	vand.u32 $0x7, v39;
	v42 =	vand.u32 $0xFFFFFFF8, v41;
	v12 =	vadd.s32 s11, v40  }
0x3d7: {  	v13 =	vand.u32 $0x7, v41;
	v11 =	vor.u32 v11, v12;
	v12 =	vadd.s32 s11, v42  }
0x3d8: {  	v44 =	vand.u32 $0xFFFFFFF8, v43;
	v12 =	vor.u32 v13, v12  }
0x3d9: {  	v9 =	vadd.s32 v3, v9;
	v14 =	vand.u32 $0x7, v43;
	v13 =	vadd.s32 s11, v44  }
0x3da: {  	v45 =	vand.u32 $0xFFFFFFF8, v9;
	v13 =	vor.u32 v14, v13  }
0x3db: {  	v9 =	vand.u32 $0x7, v9;
	v14 =	vadd.s32 s11, v45  }
0x3dc: {  	v9 =	vor.u32 v9, v14;
	v11 =	vld.idx.msk [tilespmem:v11+s28+$0x0], $0xffff  }
0x3dd: {  	v12 =	vld.idx.msk [tilespmem:v12+s28+$0x0], $0xffff;
	_ =	sdelay $0x1  }
0x3de: {  	v13 =	vld.idx.msk [tilespmem:v13+s28+$0x0], $0xffff;
	_ =	sdelay $0x1  }
0x3df: {  	v9 =	vld.idx.msk [tilespmem:v9+s28+$0x0], $0xffff  }
0x3e0: {  	v11 =	vmul.f32 v11, v4;
	v12 =	vmul.f32 v12, v5;
	_ =	sdelay $0x1  }
0x3e1: {  	v46 =	vmul.f32 v13, v6;
	v11 =	vadd.f32 v12, v11;
	_ =	sdelay $0x1  }
0x3e2: {  	v9 =	vmul.f32 v9, v7;
	v11 =	vadd.f32 v46, v11;
	_ =	sdelay $0x1  }
0x3e3: {  	v9 =	vadd.f32 v9, v11;
	_ =	sdelay $0x1  }
0x3e4: {  	(xrf2) =	vadd.scan.msk.f32 $0xffff, v9;
	_ =	sdelay $0x8  }
0x3e5: {  	v47 =	vadd.s32 $0x2400, v8  }
0x3e6: {  	v48, _, _ =	vpop (xrf2)  }
0x3e7: {  	v11 =	vsub.f32 $0.0e+00, v48;
	_ =	sdelay $0x1  }
0x3e8: {  	[tilespmem:v37+s1+$0x0] =	vst.idx.msk vm0, v11  }
0x3e9: {  	v10 =	vld.idx.msk [tilespmem:v47+s17+$0x0], $0xffff;
	_ =	sdelay $0x4  }
0x3ea: {  	v49 =	vadd.s32 v0, v10  }
0x3eb: {  	s11 =	sadd.s32 $0xFFFFFF80, s9;
	v51 =	vadd.s32 v1, v10;
	v53 =	vadd.s32 v2, v10;
	v50 =	vand.u32 $0xFFFFFFF8, v49  }
0x3ec: {  	v11 =	vand.u32 $0x7, v49;
	v52 =	vand.u32 $0xFFFFFFF8, v51;
	v12 =	vadd.s32 s11, v50  }
0x3ed: {  	v13 =	vand.u32 $0x7, v51;
	v11 =	vor.u32 v11, v12;
	v12 =	vadd.s32 s11, v52  }
0x3ee: {  	v54 =	vand.u32 $0xFFFFFFF8, v53;
	v12 =	vor.u32 v13, v12  }
0x3ef: {  	v10 =	vadd.s32 v3, v10;
	v14 =	vand.u32 $0x7, v53;
	v13 =	vadd.s32 s11, v54  }
0x3f0: {  	v55 =	vand.u32 $0xFFFFFFF8, v10;
	v13 =	vor.u32 v14, v13  }
0x3f1: {  	v10 =	vand.u32 $0x7, v10;
	v14 =	vadd.s32 s11, v55  }
0x3f2: {  	v10 =	vor.u32 v10, v14;
	v11 =	vld.idx.msk [tilespmem:v11+s28+$0x0], $0xffff  }
0x3f3: {  	v12 =	vld.idx.msk [tilespmem:v12+s28+$0x0], $0xffff;
	_ =	sdelay $0x1  }
0x3f4: {  	v13 =	vld.idx.msk [tilespmem:v13+s28+$0x0], $0xffff;
	_ =	sdelay $0x1  }
0x3f5: {  	v10 =	vld.idx.msk [tilespmem:v10+s28+$0x0], $0xffff  }
0x3f6: {  	v11 =	vmul.f32 v11, v4;
	v12 =	vmul.f32 v12, v5;
	_ =	sdelay $0x1  }
0x3f7: {  	v56 =	vmul.f32 v13, v6;
	v11 =	vadd.f32 v12, v11;
	_ =	sdelay $0x1  }
0x3f8: {  	v10 =	vmul.f32 v10, v7;
	v11 =	vadd.f32 v56, v11;
	_ =	sdelay $0x1  }
0x3f9: {  	v10 =	vadd.f32 v10, v11;
	_ =	sdelay $0x1  }
0x3fa: {  	(xrf2) =	vadd.scan.msk.f32 $0xffff, v10;
	_ =	sdelay $0x8  }
0x3fb: {  	v8 =	vadd.s32 $0x2600, v8  }
0x3fc: {  	v10, _, _ =	vpop (xrf2)  }
0x3fd: {  	v10 =	vsub.f32 $0.0e+00, v10;
	_ =	sdelay $0x1  }
0x3fe: {  	[tilespmem:v47+s1+$0x0] =	vst.idx.msk vm0, v10  }
0x3ff: {  	v9 =	vld.idx.msk [tilespmem:v8+s17+$0x0], $0xffff;
	_ =	sdelay $0x4  }
0x400: {  	v57 =	vadd.s32 v0, v9  }
0x401: {  	v59 =	vadd.s32 v1, v9;
	v61 =	vadd.s32 v2, v9;
	v58 =	vand.u32 $0xFFFFFFF8, v57  }
0x402: {  	v10 =	vand.u32 $0x7, v57;
	v60 =	vand.u32 $0xFFFFFFF8, v59;
	v11 =	vadd.s32 s9, v58  }
0x403: {  	v12 =	vand.u32 $0x7, v59;
	v10 =	vor.u32 v10, v11;
	v11 =	vadd.s32 s9, v60  }
0x404: {  	v62 =	vand.u32 $0xFFFFFFF8, v61;
	v11 =	vor.u32 v12, v11  }
0x405: {  	v9 =	vadd.s32 v3, v9;
	v13 =	vand.u32 $0x7, v61;
	v12 =	vadd.s32 s9, v62  }
0x406: {  	v63 =	vand.u32 $0xFFFFFFF8, v9;
	v12 =	vor.u32 v13, v12  }
0x407: {  	v9 =	vand.u32 $0x7, v9;
	v13 =	vadd.s32 s9, v63  }
0x408: {  	v9 =	vor.u32 v9, v13;
	v10 =	vld.idx.msk [tilespmem:v10+s28+$0x0], $0xffff  }
0x409: {  	v11 =	vld.idx.msk [tilespmem:v11+s28+$0x0], $0xffff;
	_ =	sdelay $0x1  }
0x40a: {  	v12 =	vld.idx.msk [tilespmem:v12+s28+$0x0], $0xffff;
	_ =	sdelay $0x1  }
0x40b: {  	v9 =	vld.idx.msk [tilespmem:v9+s28+$0x0], $0xffff  }
0x40c: {  	v4 =	vmul.f32 v10, v4;
	v5 =	vmul.f32 v11, v5;
	_ =	sdelay $0x1  }
0x40d: {  	v4 =	vadd.f32 v5, v4;
	v5 =	vmul.f32 v12, v6;
	_ =	sdelay $0x1  }
0x40e: {  	v4 =	vadd.f32 v5, v4;
	v5 =	vmul.f32 v9, v7;
	_ =	sdelay $0x1  }
0x40f: {  	v4 =	vadd.f32 v5, v4;
	_ =	sdelay $0x1  }
0x410: {  	(xrf2) =	vadd.scan.msk.f32 $0xffff, v4;
	_ =	sdelay $0x7  }
0x411: {  	p0 =	sne.s32 s8, $0x15F  }
.Ltmp1:
0x412: {  	_ = 	snop;
	(pc) =	sbr.rel @p0 .LBB2_5-.Ltmp1, $3  }
0x413: {  	v4, _, _ =	vpop (xrf2)  }
0x414: {  	v4 =	vsub.f32 $0.0e+00, v4;
	_ =	sdelay $0x1  }
0x415: {  	s7 =	sadd.s32 $0x1, s7;
	s8 =	sadd.s32 $0x14, s8;
	[tilespmem:v8+s1+$0x0] =	vst.idx.msk vm0, v4  }
0x416: {  	s6 =	sadd.s32 $0x1, s6  }
0x417: {  	p0 =	sne.s32 s6, $0x10  }
.Ltmp2:
0x418: {  	_ = 	snop;
	(pc) =	sbr.rel @p0 .LBB2_2-.Ltmp2, $2  }
0x419: {  	_ =	sdelay $0x2  }
0x41a: {  	s5 =	sadd.s32 $0x20, s5;
	s24 =	sadd.s32 $0x20, s24  }
0x41b: {  	_ =	swait.ge [sflag:s0], $0x800  }
0x41c: {  	[sflag:s0] =	ssyncset.done $0x0  }
0x41d: {  	[sflag:s0] =	ssyncadd.s32 $0xFFFFF800  }
0x41e: {  	_ =	swait.ge [sflag:s0], $0x4000  }
0x41f: {  	[sflag:s0] =	ssyncset.done $0x0  }
0x420: {  	[sflag:s0] =	ssyncadd.s32 $0xFFFFC000  }
0x421: {  	_ =	swait.ge [sflag:s0], $0x4000  }
0x422: {  	[sflag:s0] =	ssyncset.done $0x0  }
0x423: {  	[sflag:s0] =	ssyncadd.s32 $0xFFFFC000  }
0x424: {  	_ =	swait.ge [sflag:s0], $0x2800  }
0x425: {  	[sflag:s0] =	ssyncset.done $0x0  }
0x426: {  	s5 =	rddreg [dreg:$0x7];
	[sflag:s0] =	ssyncadd.s32 $0xFFFFD800  }
0x427: {  	[hbm4b:s5+s2] =	stream.linear.scatter [tilespmem:s1], [sflag:$0x3], $0x2A00, $0x38;
	[tilespmem:$0x1E200] =	vst v63  }
0x428: {  	_ =	swait.ge [sflag:s12], $0x2A00  }
0x429: {  	s21 =	sadd.s32 $0x1, s21;
	s24 =	rddreg [dreg:$0x8]  }
0x42a: {  	p0 =	sne.s32 s21, s24  }
.Ltmp3:
0x42b: {  	_ = 	snop;
	(pc) =	sbr.rel @p0 .LBB2_1-.Ltmp3, $3  }
0x42c: {  	_ =	sdelay $0x1  }
0x42d: {  	[sflag:s12] =	ssyncset.done $0x0  }
0x42e: {  	[sflag:s12] =	ssyncadd.s32 $0xFFFFD600  }
0x42f: {  	_ =	sfence.sel $0x180000  }
0x430: {  	[bflag:$0x0] =	sbarrier.arrive $0xFFFF  }
0x431: {  	_ =	strace $0x90000047  }
0x432: {  	s0 =	stileid.u32;
	[bflag:$0x2] =	sbarrier.arrive $0xFFFF  }
0x433: {  	p0 =	sne.s32 s0, $0x0;
	s0 =	rddreg [dreg:$0x1]  }
0x434: {  	s0 =	sadd.s32 @!p0 $0x100000, s0  }
0x435: {  	[sflag:s0] =	ssyncadd.tile.s32 @!p0 $0x1;
	_ =	shalt  }
.Lfunc_end2:
_tile_overlayer_lowered:
.L_overlay_start_2:
0x436: {  	(tag) =	ssettag $0x2  }
0x437: {  	s0 =	rddreg [dreg:$0x0];
	s2 =	stileid.u32  }
0x438: {  	s1 =	rddreg [dreg:$0x1];
	p0 =	sne.s32 s2, $0x0  }
0x439: {  	s3 =	rddreg [dreg:$0x2];
	[bflag:$0x3] =	sbarrier.arrive $0xFFFF;
	s2 =	simm.s32 @!p0 $0x1C03  }
0x43a: {  	[timem:s3], [sflag:s2] =	dma.local @!p0 [hbm:s0], s1  }
0x43b: {  	s0 =	simm.s32 @!p0 $0x3  }
0x43c: {  	_ =	swait.ge @!p0 [sflag:s0], s1  }
0x43d: {  	s1 =	ssub.s32 @!p0 $0x0, s1;
	[sflag:s0] =	ssyncset.done @!p0 $0x0  }
0x43e: {  	[sflag:s0] =	ssyncadd.s32 @!p0 s1  }
0x43f: {  	[bflag:$0x3] =	sbarrier.arrive $0xFFFF  }
0x440: {  	_ =	shalt  }

</sc_bundles>
